<compile_context>
chip_gen: v7x
topology: tpu7x:2x2x1
jax: 0.10.2.dev20260603
libtpu: 0.0.44.dev20260713+nightly
codegen_flags: <defaults>
</compile_context>

<pallas_src>
import functools

import jax
import jax.numpy as jnp
from jax import lax
from jax.experimental import pallas as pl
from jax.experimental.pallas import tpu as pltpu
from jax.experimental.pallas import tpu_sc as plsc

_SL, _B, _V, _D = 200, 4096, 1000000, 64
_NW = 32
_N = _SL * _B
_PER_W = _N // _NW
_C = 128
_NCH = _PER_W // _C
_L = 16
_NB = 8
_RU = 4
_LAG = 3

_mesh = plsc.VectorSubcoreMesh(core_axis_name="c", subcore_axis_name="s")


@functools.partial(
    pl.kernel,
    mesh=_mesh,
    compiler_params=pltpu.CompilerParams(use_tc_tiling_on_sc=False),
    out_type=jax.ShapeDtypeStruct((_N, _D), jnp.float32),
    scratch_types=[
        pltpu.VMEM((_PER_W,), jnp.int32),
        pltpu.VMEM((_SL, _D), jnp.float32),
        pltpu.VMEM((_NB, _C, _D), jnp.float32),
        pltpu.SemaphoreType.DMA((_NB,)),
        pltpu.SemaphoreType.DMA((_NB,)),
    ],
)
def _embed(x_hbm, tok_hbm, pos_hbm, out_hbm, idx_v, pos_v, bufs, gsem, osem):
    wid = lax.axis_index("s") * 2 + lax.axis_index("c")
    base = wid * _PER_W
    pltpu.sync_copy(x_hbm.at[pl.ds(base, _PER_W)], idx_v)
    pltpu.sync_copy(pos_hbm, pos_v)

    def gather(g, b):
        return pltpu.make_async_copy(
            tok_hbm.at[idx_v.at[pl.ds(g * _C, _C)]], bufs.at[b], gsem.at[b]
        )

    def store(g, b):
        return pltpu.make_async_copy(
            bufs.at[b], out_hbm.at[pl.ds(base + g * _C, _C)], osem.at[b]
        )

    for b in range(_NB):
        gather(b, b).start()

    def group_body(i, carry):
        g0 = i * _NB
        for b in range(_NB):
            g = g0 + b
            gather(g, b).wait()
            sl = (base + g * _C) // _B
            pvecs = [pos_v[sl, pl.ds(j * _L, _L)] for j in range(_D // _L)]

            @plsc.parallel_loop(0, _C, step=1, unroll=_RU)
            def _row(r, b=b, pvecs=pvecs):
                for j in range(_D // _L):
                    plsc.addupdate(bufs.at[b, r, pl.ds(j * _L, _L)], pvecs[j])

            store(g, b).start()

            bp = (b - _LAG) % _NB
            gp = g - _LAG

            @pl.when((gp >= 0) & (gp + _NB < _NCH))
            def _():
                store(gp, bp).wait()
                gather(gp + _NB, bp).start()

        return carry

    lax.fori_loop(0, _NCH // _NB, group_body, 0)

    for b in range(_NB):
        store(_NCH - _NB + b, b).wait()


def kernel(x, token_table, pos_table):
    out = _embed(x.reshape(_N), token_table, pos_table)
    return out.reshape(_SL, _B, _D)

# --- scband reference (transcript-rebuilt; emitter-appended) ---
"""Pipeline reference for scband-input-embedding-layer-35974646071867 (READ-ONLY COPY).

The authoritative reference and input builder live on the scoring server;
editing this copy changes nothing except your own understanding.
"""

import jax, jax.numpy as jnp
import numpy as np

SL, B, V, D = 200, 4096, 1000000, 64

def setup_inputs(seed: int = 0) -> dict:
    key = jax.random.key(seed)
    k1, k2, k3 = jax.random.split(key, 3)
    x = jax.random.randint(k1, (SL, B), 0, V, dtype=jnp.int32)
    token_table = jax.random.normal(k2, (V, D), dtype=jnp.float32) * 0.02
    pos_table = jax.random.normal(k3, (SL, D), dtype=jnp.float32) * 0.02
    return {"x": x, "token_table": token_table, "pos_table": pos_table}

def reference(x, token_table, pos_table):
    # token embedding lookup: (SL, B) -> (SL, B, D)
    embedded = jnp.take(token_table, x, axis=0)
    # learnable positional embedding lookup over arange(SL): (SL, D)
    pos_emb = jnp.take(pos_table, jnp.arange(SL), axis=0)
    # (embedded.transpose(0,1) + pos_emb).transpose(0,1)
    out = jnp.transpose(jnp.transpose(embedded, (1, 0, 2)) + pos_emb, (1, 0, 2))
    return out

if __name__ == "__main__":
    import jax
    _d = setup_inputs()
    print(jax.jit(kernel)(*tuple(_d.values())))

</pallas_src>

<mosaic_0001>
#map = affine_map<(d0, d1) -> (0)>
#map1 = affine_map<(d0, d1) -> (0, 0)>
module attributes {stable_mosaic.version = 14 : i64} {
  func.func @_embed(%arg0: i32, %arg1: i32, %arg2: memref<819200xi32, #tpu.memory_space<hbm>>, %arg3: memref<1000000x64xf32, #tpu.memory_space<hbm>>, %arg4: memref<200x64xf32, #tpu.memory_space<hbm>>, %arg5: memref<819200x64xf32, #tpu.memory_space<hbm>>, %arg6: memref<25600xi32, #tpu.memory_space<vmem>>, %arg7: memref<200x64xf32, #tpu.memory_space<vmem>>, %arg8: memref<8x128x64xf32, #tpu.memory_space<vmem>>, %arg9: memref<8x!tpu.dma_semaphore, #tpu.memory_space<semaphore_mem>>, %arg10: memref<8x!tpu.dma_semaphore, #tpu.memory_space<semaphore_mem>>) attributes {dimension_semantics = [#tpu.dimension_semantics<core_parallel>, #tpu.dimension_semantics<subcore_parallel>], iteration_bounds = array<i64: 2, 16>, scalar_prefetch = 0 : i64, scratch_operands = 5 : i64, tpu.core_type = #tpu.core_type<sc_vector_subcore>, window_params = [{transform_indices = #map}, {transform_indices = #map1}, {transform_indices = #map1}, {transform_indices = #map1}]} {
    %mul3A = arith.constant 2 : i32
    %mul3A_0 = arith.muli %arg1, %mul3A : i32
    %add3A = arith.addi %mul3A_0, %arg0 : i32
    %mul3A_1 = arith.constant 25600 : i32
    %mul3A_2 = arith.muli %add3A, %mul3A_1 : i32
    "tpu.region"() ({
      %run_scoped3A = tpu.sem_alloc : memref<!tpu.dma_semaphore, #tpu.memory_space<semaphore_mem>>
      %dma_start3A_254 = tpu.memref_slice %arg2[%mul3A_2] : memref<819200xi32, #tpu.memory_space<hbm>> -> memref<25600xi32, #tpu.memory_space<hbm>>
      %dma_start3A_255 = tpu.memref_slice %arg2[%mul3A_2] : memref<819200xi32, #tpu.memory_space<hbm>> -> memref<25600xi32, #tpu.memory_space<hbm>>
      tpu.enqueue_dma source(%dma_start3A_255 : memref<25600xi32, #tpu.memory_space<hbm>>) target(%arg6 : memref<25600xi32, #tpu.memory_space<vmem>>) target_semaphore(%run_scoped3A : memref<!tpu.dma_semaphore, #tpu.memory_space<semaphore_mem>>)
      %dma_wait3A_256 = tpu.memref_slice %arg2[%mul3A_2] : memref<819200xi32, #tpu.memory_space<hbm>> -> memref<25600xi32, #tpu.memory_space<hbm>>
      %dma_wait3A_257 = tpu.memref_slice %arg2[%mul3A_2] : memref<819200xi32, #tpu.memory_space<hbm>> -> memref<25600xi32, #tpu.memory_space<hbm>>
      tpu.wait_dma2 semaphore(%run_scoped3A : memref<!tpu.dma_semaphore, #tpu.memory_space<semaphore_mem>>) src(%dma_wait3A_257 : memref<25600xi32, #tpu.memory_space<hbm>>) dst(%arg6 : memref<25600xi32, #tpu.memory_space<vmem>>)
      tpu.yield
    }) : () -> ()
    "tpu.region"() ({
      %run_scoped3A = tpu.sem_alloc : memref<!tpu.dma_semaphore, #tpu.memory_space<semaphore_mem>>
      tpu.enqueue_dma source(%arg4 : memref<200x64xf32, #tpu.memory_space<hbm>>) target(%arg7 : memref<200x64xf32, #tpu.memory_space<vmem>>) target_semaphore(%run_scoped3A : memref<!tpu.dma_semaphore, #tpu.memory_space<semaphore_mem>>)
      tpu.wait_dma2 semaphore(%run_scoped3A : memref<!tpu.dma_semaphore, #tpu.memory_space<semaphore_mem>>) src(%arg4 : memref<200x64xf32, #tpu.memory_space<hbm>>) dst(%arg7 : memref<200x64xf32, #tpu.memory_space<vmem>>)
      tpu.yield
    }) : () -> ()
    %dma_start3A = arith.constant 0 : i32
    %dma_start3A_3 = arith.constant 0 : i32
    %dma_start3A_4 = arith.constant 0 : i32
    %dma_start3A_5 = arith.constant 0 : i32
    %dma_start3A_6 = tpu.memref_slice %arg8[%dma_start3A, %dma_start3A_4, %dma_start3A_5] : memref<8x128x64xf32, #tpu.memory_space<vmem>> -> memref<1x128x64xf32, #tpu.memory_space<vmem>>
    %dma_start3A_7 = tpu.memref_squeeze %dma_start3A_6 : memref<1x128x64xf32, #tpu.memory_space<vmem>> -> memref<128x64xf32, #tpu.memory_space<vmem>>
    %dma_start3A_8 = arith.constant 0 : i32
    %dma_start3A_9 = tpu.memref_slice %arg6[%dma_start3A_8] : memref<25600xi32, #tpu.memory_space<vmem>> -> memref<128xi32, #tpu.memory_space<vmem>>
    %dma_start3A_10 = arith.constant 0 : i32
    %dma_start3A_11 = arith.constant 0 : i32
    %dma_start3A_12 = tpu.memref_slice %arg3[%dma_start3A_10, %dma_start3A_11] : memref<1000000x64xf32, #tpu.memory_space<hbm>> -> memref<1000000x64xf32, #tpu.memory_space<hbm>>
    %dma_start3A_13 = tpu.memref_slice %arg9[%dma_start3A_3] : memref<8x!tpu.dma_semaphore, #tpu.memory_space<semaphore_mem>> -> memref<1x!tpu.dma_semaphore, #tpu.memory_space<semaphore_mem>>
    %dma_start3A_14 = tpu.memref_squeeze %dma_start3A_13 : memref<1x!tpu.dma_semaphore, #tpu.memory_space<semaphore_mem>> -> memref<!tpu.dma_semaphore, #tpu.memory_space<semaphore_mem>>
    tpu.enqueue_indirect_dma source(%dma_start3A_12 : memref<1000000x64xf32, #tpu.memory_space<hbm>>) target(%dma_start3A_7 : memref<128x64xf32, #tpu.memory_space<vmem>>) offsets(%dma_start3A_9 : memref<128xi32, #tpu.memory_space<vmem>>) semaphore(%dma_start3A_14 : memref<!tpu.dma_semaphore, #tpu.memory_space<semaphore_mem>>)
    %dma_start3A_15 = arith.constant 1 : i32
    %dma_start3A_16 = arith.constant 1 : i32
    %dma_start3A_17 = arith.constant 0 : i32
    %dma_start3A_18 = arith.constant 0 : i32
    %dma_start3A_19 = tpu.memref_slice %arg8[%dma_start3A_15, %dma_start3A_17, %dma_start3A_18] : memref<8x128x64xf32, #tpu.memory_space<vmem>> -> memref<1x128x64xf32, #tpu.memory_space<vmem>>
    %dma_start3A_20 = tpu.memref_squeeze %dma_start3A_19 : memref<1x128x64xf32, #tpu.memory_space<vmem>> -> memref<128x64xf32, #tpu.memory_space<vmem>>
    %dma_start3A_21 = arith.constant 128 : i32
    %dma_start3A_22 = tpu.memref_slice %arg6[%dma_start3A_21] : memref<25600xi32, #tpu.memory_space<vmem>> -> memref<128xi32, #tpu.memory_space<vmem>>
    %dma_start3A_23 = arith.constant 0 : i32
    %dma_start3A_24 = arith.constant 0 : i32
    %dma_start3A_25 = tpu.memref_slice %arg3[%dma_start3A_23, %dma_start3A_24] : memref<1000000x64xf32, #tpu.memory_space<hbm>> -> memref<1000000x64xf32, #tpu.memory_space<hbm>>
    %dma_start3A_26 = tpu.memref_slice %arg9[%dma_start3A_16] : memref<8x!tpu.dma_semaphore, #tpu.memory_space<semaphore_mem>> -> memref<1x!tpu.dma_semaphore, #tpu.memory_space<semaphore_mem>>
    %dma_start3A_27 = tpu.memref_squeeze %dma_start3A_26 : memref<1x!tpu.dma_semaphore, #tpu.memory_space<semaphore_mem>> -> memref<!tpu.dma_semaphore, #tpu.memory_space<semaphore_mem>>
    tpu.enqueue_indirect_dma source(%dma_start3A_25 : memref<1000000x64xf32, #tpu.memory_space<hbm>>) target(%dma_start3A_20 : memref<128x64xf32, #tpu.memory_space<vmem>>) offsets(%dma_start3A_22 : memref<128xi32, #tpu.memory_space<vmem>>) semaphore(%dma_start3A_27 : memref<!tpu.dma_semaphore, #tpu.memory_space<semaphore_mem>>)
    %dma_start3A_28 = arith.constant 2 : i32
    %dma_start3A_29 = arith.constant 2 : i32
    %dma_start3A_30 = arith.constant 0 : i32
    %dma_start3A_31 = arith.constant 0 : i32
    %dma_start3A_32 = tpu.memref_slice %arg8[%dma_start3A_28, %dma_start3A_30, %dma_start3A_31] : memref<8x128x64xf32, #tpu.memory_space<vmem>> -> memref<1x128x64xf32, #tpu.memory_space<vmem>>
    %dma_start3A_33 = tpu.memref_squeeze %dma_start3A_32 : memref<1x128x64xf32, #tpu.memory_space<vmem>> -> memref<128x64xf32, #tpu.memory_space<vmem>>
    %dma_start3A_34 = arith.constant 256 : i32
    %dma_start3A_35 = tpu.memref_slice %arg6[%dma_start3A_34] : memref<25600xi32, #tpu.memory_space<vmem>> -> memref<128xi32, #tpu.memory_space<vmem>>
    %dma_start3A_36 = arith.constant 0 : i32
    %dma_start3A_37 = arith.constant 0 : i32
    %dma_start3A_38 = tpu.memref_slice %arg3[%dma_start3A_36, %dma_start3A_37] : memref<1000000x64xf32, #tpu.memory_space<hbm>> -> memref<1000000x64xf32, #tpu.memory_space<hbm>>
    %dma_start3A_39 = tpu.memref_slice %arg9[%dma_start3A_29] : memref<8x!tpu.dma_semaphore, #tpu.memory_space<semaphore_mem>> -> memref<1x!tpu.dma_semaphore, #tpu.memory_space<semaphore_mem>>
    %dma_start3A_40 = tpu.memref_squeeze %dma_start3A_39 : memref<1x!tpu.dma_semaphore, #tpu.memory_space<semaphore_mem>> -> memref<!tpu.dma_semaphore, #tpu.memory_space<semaphore_mem>>
    tpu.enqueue_indirect_dma source(%dma_start3A_38 : memref<1000000x64xf32, #tpu.memory_space<hbm>>) target(%dma_start3A_33 : memref<128x64xf32, #tpu.memory_space<vmem>>) offsets(%dma_start3A_35 : memref<128xi32, #tpu.memory_space<vmem>>) semaphore(%dma_start3A_40 : memref<!tpu.dma_semaphore, #tpu.memory_space<semaphore_mem>>)
    %dma_start3A_41 = arith.constant 3 : i32
    %dma_start3A_42 = arith.constant 3 : i32
    %dma_start3A_43 = arith.constant 0 : i32
    %dma_start3A_44 = arith.constant 0 : i32
    %dma_start3A_45 = tpu.memref_slice %arg8[%dma_start3A_41, %dma_start3A_43, %dma_start3A_44] : memref<8x128x64xf32, #tpu.memory_space<vmem>> -> memref<1x128x64xf32, #tpu.memory_space<vmem>>
    %dma_start3A_46 = tpu.memref_squeeze %dma_start3A_45 : memref<1x128x64xf32, #tpu.memory_space<vmem>> -> memref<128x64xf32, #tpu.memory_space<vmem>>
    %dma_start3A_47 = arith.constant 384 : i32
    %dma_start3A_48 = tpu.memref_slice %arg6[%dma_start3A_47] : memref<25600xi32, #tpu.memory_space<vmem>> -> memref<128xi32, #tpu.memory_space<vmem>>
    %dma_start3A_49 = arith.constant 0 : i32
    %dma_start3A_50 = arith.constant 0 : i32
    %dma_start3A_51 = tpu.memref_slice %arg3[%dma_start3A_49, %dma_start3A_50] : memref<1000000x64xf32, #tpu.memory_space<hbm>> -> memref<1000000x64xf32, #tpu.memory_space<hbm>>
    %dma_start3A_52 = tpu.memref_slice %arg9[%dma_start3A_42] : memref<8x!tpu.dma_semaphore, #tpu.memory_space<semaphore_mem>> -> memref<1x!tpu.dma_semaphore, #tpu.memory_space<semaphore_mem>>
    %dma_start3A_53 = tpu.memref_squeeze %dma_start3A_52 : memref<1x!tpu.dma_semaphore, #tpu.memory_space<semaphore_mem>> -> memref<!tpu.dma_semaphore, #tpu.memory_space<semaphore_mem>>
    tpu.enqueue_indirect_dma source(%dma_start3A_51 : memref<1000000x64xf32, #tpu.memory_space<hbm>>) target(%dma_start3A_46 : memref<128x64xf32, #tpu.memory_space<vmem>>) offsets(%dma_start3A_48 : memref<128xi32, #tpu.memory_space<vmem>>) semaphore(%dma_start3A_53 : memref<!tpu.dma_semaphore, #tpu.memory_space<semaphore_mem>>)
    %dma_start3A_54 = arith.constant 4 : i32
    %dma_start3A_55 = arith.constant 4 : i32
    %dma_start3A_56 = arith.constant 0 : i32
    %dma_start3A_57 = arith.constant 0 : i32
    %dma_start3A_58 = tpu.memref_slice %arg8[%dma_start3A_54, %dma_start3A_56, %dma_start3A_57] : memref<8x128x64xf32, #tpu.memory_space<vmem>> -> memref<1x128x64xf32, #tpu.memory_space<vmem>>
    %dma_start3A_59 = tpu.memref_squeeze %dma_start3A_58 : memref<1x128x64xf32, #tpu.memory_space<vmem>> -> memref<128x64xf32, #tpu.memory_space<vmem>>
    %dma_start3A_60 = arith.constant 512 : i32
    %dma_start3A_61 = tpu.memref_slice %arg6[%dma_start3A_60] : memref<25600xi32, #tpu.memory_space<vmem>> -> memref<128xi32, #tpu.memory_space<vmem>>
    %dma_start3A_62 = arith.constant 0 : i32
    %dma_start3A_63 = arith.constant 0 : i32
    %dma_start3A_64 = tpu.memref_slice %arg3[%dma_start3A_62, %dma_start3A_63] : memref<1000000x64xf32, #tpu.memory_space<hbm>> -> memref<1000000x64xf32, #tpu.memory_space<hbm>>
    %dma_start3A_65 = tpu.memref_slice %arg9[%dma_start3A_55] : memref<8x!tpu.dma_semaphore, #tpu.memory_space<semaphore_mem>> -> memref<1x!tpu.dma_semaphore, #tpu.memory_space<semaphore_mem>>
    %dma_start3A_66 = tpu.memref_squeeze %dma_start3A_65 : memref<1x!tpu.dma_semaphore, #tpu.memory_space<semaphore_mem>> -> memref<!tpu.dma_semaphore, #tpu.memory_space<semaphore_mem>>
    tpu.enqueue_indirect_dma source(%dma_start3A_64 : memref<1000000x64xf32, #tpu.memory_space<hbm>>) target(%dma_start3A_59 : memref<128x64xf32, #tpu.memory_space<vmem>>) offsets(%dma_start3A_61 : memref<128xi32, #tpu.memory_space<vmem>>) semaphore(%dma_start3A_66 : memref<!tpu.dma_semaphore, #tpu.memory_space<semaphore_mem>>)
    %dma_start3A_67 = arith.constant 5 : i32
    %dma_start3A_68 = arith.constant 5 : i32
    %dma_start3A_69 = arith.constant 0 : i32
    %dma_start3A_70 = arith.constant 0 : i32
    %dma_start3A_71 = tpu.memref_slice %arg8[%dma_start3A_67, %dma_start3A_69, %dma_start3A_70] : memref<8x128x64xf32, #tpu.memory_space<vmem>> -> memref<1x128x64xf32, #tpu.memory_space<vmem>>
    %dma_start3A_72 = tpu.memref_squeeze %dma_start3A_71 : memref<1x128x64xf32, #tpu.memory_space<vmem>> -> memref<128x64xf32, #tpu.memory_space<vmem>>
    %dma_start3A_73 = arith.constant 640 : i32
    %dma_start3A_74 = tpu.memref_slice %arg6[%dma_start3A_73] : memref<25600xi32, #tpu.memory_space<vmem>> -> memref<128xi32, #tpu.memory_space<vmem>>
    %dma_start3A_75 = arith.constant 0 : i32
    %dma_start3A_76 = arith.constant 0 : i32
    %dma_start3A_77 = tpu.memref_slice %arg3[%dma_start3A_75, %dma_start3A_76] : memref<1000000x64xf32, #tpu.memory_space<hbm>> -> memref<1000000x64xf32, #tpu.memory_space<hbm>>
    %dma_start3A_78 = tpu.memref_slice %arg9[%dma_start3A_68] : memref<8x!tpu.dma_semaphore, #tpu.memory_space<semaphore_mem>> -> memref<1x!tpu.dma_semaphore, #tpu.memory_space<semaphore_mem>>
    %dma_start3A_79 = tpu.memref_squeeze %dma_start3A_78 : memref<1x!tpu.dma_semaphore, #tpu.memory_space<semaphore_mem>> -> memref<!tpu.dma_semaphore, #tpu.memory_space<semaphore_mem>>
    tpu.enqueue_indirect_dma source(%dma_start3A_77 : memref<1000000x64xf32, #tpu.memory_space<hbm>>) target(%dma_start3A_72 : memref<128x64xf32, #tpu.memory_space<vmem>>) offsets(%dma_start3A_74 : memref<128xi32, #tpu.memory_space<vmem>>) semaphore(%dma_start3A_79 : memref<!tpu.dma_semaphore, #tpu.memory_space<semaphore_mem>>)
    %dma_start3A_80 = arith.constant 6 : i32
    %dma_start3A_81 = arith.constant 6 : i32
    %dma_start3A_82 = arith.constant 0 : i32
    %dma_start3A_83 = arith.constant 0 : i32
    %dma_start3A_84 = tpu.memref_slice %arg8[%dma_start3A_80, %dma_start3A_82, %dma_start3A_83] : memref<8x128x64xf32, #tpu.memory_space<vmem>> -> memref<1x128x64xf32, #tpu.memory_space<vmem>>
    %dma_start3A_85 = tpu.memref_squeeze %dma_start3A_84 : memref<1x128x64xf32, #tpu.memory_space<vmem>> -> memref<128x64xf32, #tpu.memory_space<vmem>>
    %dma_start3A_86 = arith.constant 768 : i32
    %dma_start3A_87 = tpu.memref_slice %arg6[%dma_start3A_86] : memref<25600xi32, #tpu.memory_space<vmem>> -> memref<128xi32, #tpu.memory_space<vmem>>
    %dma_start3A_88 = arith.constant 0 : i32
    %dma_start3A_89 = arith.constant 0 : i32
    %dma_start3A_90 = tpu.memref_slice %arg3[%dma_start3A_88, %dma_start3A_89] : memref<1000000x64xf32, #tpu.memory_space<hbm>> -> memref<1000000x64xf32, #tpu.memory_space<hbm>>
    %dma_start3A_91 = tpu.memref_slice %arg9[%dma_start3A_81] : memref<8x!tpu.dma_semaphore, #tpu.memory_space<semaphore_mem>> -> memref<1x!tpu.dma_semaphore, #tpu.memory_space<semaphore_mem>>
    %dma_start3A_92 = tpu.memref_squeeze %dma_start3A_91 : memref<1x!tpu.dma_semaphore, #tpu.memory_space<semaphore_mem>> -> memref<!tpu.dma_semaphore, #tpu.memory_space<semaphore_mem>>
    tpu.enqueue_indirect_dma source(%dma_start3A_90 : memref<1000000x64xf32, #tpu.memory_space<hbm>>) target(%dma_start3A_85 : memref<128x64xf32, #tpu.memory_space<vmem>>) offsets(%dma_start3A_87 : memref<128xi32, #tpu.memory_space<vmem>>) semaphore(%dma_start3A_92 : memref<!tpu.dma_semaphore, #tpu.memory_space<semaphore_mem>>)
    %dma_start3A_93 = arith.constant 7 : i32
    %dma_start3A_94 = arith.constant 7 : i32
    %dma_start3A_95 = arith.constant 0 : i32
    %dma_start3A_96 = arith.constant 0 : i32
    %dma_start3A_97 = tpu.memref_slice %arg8[%dma_start3A_93, %dma_start3A_95, %dma_start3A_96] : memref<8x128x64xf32, #tpu.memory_space<vmem>> -> memref<1x128x64xf32, #tpu.memory_space<vmem>>
    %dma_start3A_98 = tpu.memref_squeeze %dma_start3A_97 : memref<1x128x64xf32, #tpu.memory_space<vmem>> -> memref<128x64xf32, #tpu.memory_space<vmem>>
    %dma_start3A_99 = arith.constant 896 : i32
    %dma_start3A_100 = tpu.memref_slice %arg6[%dma_start3A_99] : memref<25600xi32, #tpu.memory_space<vmem>> -> memref<128xi32, #tpu.memory_space<vmem>>
    %dma_start3A_101 = arith.constant 0 : i32
    %dma_start3A_102 = arith.constant 0 : i32
    %dma_start3A_103 = tpu.memref_slice %arg3[%dma_start3A_101, %dma_start3A_102] : memref<1000000x64xf32, #tpu.memory_space<hbm>> -> memref<1000000x64xf32, #tpu.memory_space<hbm>>
    %dma_start3A_104 = tpu.memref_slice %arg9[%dma_start3A_94] : memref<8x!tpu.dma_semaphore, #tpu.memory_space<semaphore_mem>> -> memref<1x!tpu.dma_semaphore, #tpu.memory_space<semaphore_mem>>
    %dma_start3A_105 = tpu.memref_squeeze %dma_start3A_104 : memref<1x!tpu.dma_semaphore, #tpu.memory_space<semaphore_mem>> -> memref<!tpu.dma_semaphore, #tpu.memory_space<semaphore_mem>>
    tpu.enqueue_indirect_dma source(%dma_start3A_103 : memref<1000000x64xf32, #tpu.memory_space<hbm>>) target(%dma_start3A_98 : memref<128x64xf32, #tpu.memory_space<vmem>>) offsets(%dma_start3A_100 : memref<128xi32, #tpu.memory_space<vmem>>) semaphore(%dma_start3A_105 : memref<!tpu.dma_semaphore, #tpu.memory_space<semaphore_mem>>)
    %scan3A = arith.constant 0 : i32
    %scan3A_106 = arith.constant 0 : i32
    %scan3A_107 = arith.constant 25 : i32
    %scan3A_108 = arith.addi %scan3A_106, %scan3A_107 : i32
    %scan3A_109 = arith.constant 1 : i32
    scf.for %scan3A_254 = %scan3A_106 to %scan3A_108 step %scan3A_109  : i32 {
      %mul3A_255 = arith.constant 8 : i32
      %mul3A_256 = arith.muli %scan3A_254, %mul3A_255 : i32
      %add3A_257 = arith.constant 0 : i32
      %add3A_258 = arith.addi %mul3A_256, %add3A_257 : i32
      %mul3A_259 = arith.constant 128 : i32
      %mul3A_260 = arith.muli %add3A_258, %mul3A_259 : i32
      %dma_wait3A_261 = arith.constant 0 : i32
      %dma_wait3A_262 = arith.constant 0 : i32
      %dma_wait3A_263 = arith.constant 0 : i32
      %dma_wait3A_264 = arith.constant 0 : i32
      %dma_wait3A_265 = tpu.memref_slice %arg8[%dma_wait3A_261, %dma_wait3A_263, %dma_wait3A_264] : memref<8x128x64xf32, #tpu.memory_space<vmem>> -> memref<1x128x64xf32, #tpu.memory_space<vmem>>
      %dma_wait3A_266 = tpu.memref_squeeze %dma_wait3A_265 : memref<1x128x64xf32, #tpu.memory_space<vmem>> -> memref<128x64xf32, #tpu.memory_space<vmem>>
      %dma_wait3A_267 = tpu.memref_slice %arg6[%mul3A_260] : memref<25600xi32, #tpu.memory_space<vmem>> -> memref<128xi32, #tpu.memory_space<vmem>>
      %dma_wait3A_268 = arith.constant 0 : i32
      %dma_wait3A_269 = arith.constant 0 : i32
      %dma_wait3A_270 = tpu.memref_slice %arg3[%dma_wait3A_268, %dma_wait3A_269] : memref<1000000x64xf32, #tpu.memory_space<hbm>> -> memref<1000000x64xf32, #tpu.memory_space<hbm>>
      %dma_wait3A_271 = tpu.memref_slice %arg9[%dma_wait3A_262] : memref<8x!tpu.dma_semaphore, #tpu.memory_space<semaphore_mem>> -> memref<1x!tpu.dma_semaphore, #tpu.memory_space<semaphore_mem>>
      %dma_wait3A_272 = tpu.memref_squeeze %dma_wait3A_271 : memref<1x!tpu.dma_semaphore, #tpu.memory_space<semaphore_mem>> -> memref<!tpu.dma_semaphore, #tpu.memory_space<semaphore_mem>>
      tpu.wait_indirect_dma semaphore(%dma_wait3A_272 : memref<!tpu.dma_semaphore, #tpu.memory_space<semaphore_mem>>) src(%dma_wait3A_270 : memref<1000000x64xf32, #tpu.memory_space<hbm>>) dst(%dma_wait3A_266 : memref<128x64xf32, #tpu.memory_space<vmem>>)
      %mul3A_273 = arith.constant 128 : i32
      %mul3A_274 = arith.muli %add3A_258, %mul3A_273 : i32
      %add3A_275 = arith.addi %mul3A_2, %mul3A_274 : i32
      %jit3A = arith.constant 4096 : i32
      %div3A = arith.divsi %add3A_275, %jit3A : i32
      %sign3A = arith.constant 0 : i32
      %sign3A_276 = arith.cmpi sgt, %add3A_275, %sign3A : i32
      %sign3A_277 = arith.extui %sign3A_276 : i1 to i32
      %sign3A_278 = arith.constant 0 : i32
      %sign3A_279 = arith.cmpi slt, %add3A_275, %sign3A_278 : i32
      %sign3A_280 = arith.extui %sign3A_279 : i1 to i32
      %sign3A_281 = arith.subi %sign3A_277, %sign3A_280 : i32
      %sign3A_282 = arith.constant 0 : i32
      %sign3A_283 = arith.cmpi sgt, %jit3A, %sign3A_282 : i32
      %sign3A_284 = arith.extui %sign3A_283 : i1 to i32
      %sign3A_285 = arith.constant 0 : i32
      %sign3A_286 = arith.cmpi slt, %jit3A, %sign3A_285 : i32
      %sign3A_287 = arith.extui %sign3A_286 : i1 to i32
      %sign3A_288 = arith.subi %sign3A_284, %sign3A_287 : i32
      %ne3A = arith.cmpi ne, %sign3A_281, %sign3A_288 : i32
      %rem3A = arith.remsi %add3A_275, %jit3A : i32
      %ne3A_289 = arith.constant 0 : i32
      %ne3A_290 = arith.cmpi ne, %rem3A, %ne3A_289 : i32
      %and3A = arith.andi %ne3A, %ne3A_290 : i1
      %sub3A = arith.constant 1 : i32
      %sub3A_291 = arith.subi %div3A, %sub3A : i32
      %select_n3A = arith.select %and3A, %sub3A_291, %div3A : i32
      %get3A = arith.index_cast %select_n3A : i32 to index
      %get3A_292 = arith.constant 0 : index
      %get3A_293 = tpu.vector_load %arg7[%get3A, %get3A_292] {strides = array<i32>} : memref<200x64xf32, #tpu.memory_space<vmem>>, vector<1x16xf32>,
      %get3A_294 = vector.shape_cast %get3A_293 : vector<1x16xf32> to vector<16xf32>
      %get3A_295 = arith.index_cast %select_n3A : i32 to index
      %get3A_296 = arith.constant 16 : index
      %get3A_297 = tpu.vector_load %arg7[%get3A_295, %get3A_296] {strides = array<i32>} : memref<200x64xf32, #tpu.memory_space<vmem>>, vector<1x16xf32>,
      %get3A_298 = vector.shape_cast %get3A_297 : vector<1x16xf32> to vector<16xf32>
      %get3A_299 = arith.index_cast %select_n3A : i32 to index
      %get3A_300 = arith.constant 32 : index
      %get3A_301 = tpu.vector_load %arg7[%get3A_299, %get3A_300] {strides = array<i32>} : memref<200x64xf32, #tpu.memory_space<vmem>>, vector<1x16xf32>,
      %get3A_302 = vector.shape_cast %get3A_301 : vector<1x16xf32> to vector<16xf32>
      %get3A_303 = arith.index_cast %select_n3A : i32 to index
      %get3A_304 = arith.constant 48 : index
      %get3A_305 = tpu.vector_load %arg7[%get3A_303, %get3A_304] {strides = array<i32>} : memref<200x64xf32, #tpu.memory_space<vmem>>, vector<1x16xf32>,
      %get3A_306 = vector.shape_cast %get3A_305 : vector<1x16xf32> to vector<16xf32>
      %parallel_loop3A = arith.constant 0 : i32
      %parallel_loop3A_307 = arith.constant 128 : i32
      %parallel_loop3A_308 = arith.constant 1 : i32
      scf.for %parallel_loop3A_987 = %parallel_loop3A to %parallel_loop3A_307 step %parallel_loop3A_308  : i32 {
        %parallel_loop3A_988 = arith.constant 0 : i32
        %parallel_loop3A_989 = arith.index_cast %parallel_loop3A_988 : i32 to index
        %parallel_loop3A_990 = arith.index_cast %parallel_loop3A_987 : i32 to index
        %parallel_loop3A_991 = arith.constant 0 : index
        %parallel_loop3A_992 = tpu.vector_load %arg8[%parallel_loop3A_989, %parallel_loop3A_990, %parallel_loop3A_991] {strides = array<i32>} : memref<8x128x64xf32, #tpu.memory_space<vmem>>, vector<1x1x16xf32>,
        %parallel_loop3A_993 = vector.shape_cast %parallel_loop3A_992 : vector<1x1x16xf32> to vector<16xf32>
        %parallel_loop3A_994 = vector.shape_cast %get3A_294 : vector<16xf32> to vector<1x1x16xf32>
        tpu.vector_store %arg8[%parallel_loop3A_989, %parallel_loop3A_990, %parallel_loop3A_991], %parallel_loop3A_994 {add = true, strides = array<i32>} : memref<8x128x64xf32, #tpu.memory_space<vmem>>, vector<1x1x16xf32>,
        %parallel_loop3A_995 = arith.constant 0 : i32
        %parallel_loop3A_996 = arith.index_cast %parallel_loop3A_995 : i32 to index
        %parallel_loop3A_997 = arith.index_cast %parallel_loop3A_987 : i32 to index
        %parallel_loop3A_998 = arith.constant 16 : index
        %parallel_loop3A_999 = tpu.vector_load %arg8[%parallel_loop3A_996, %parallel_loop3A_997, %parallel_loop3A_998] {strides = array<i32>} : memref<8x128x64xf32, #tpu.memory_space<vmem>>, vector<1x1x16xf32>,
        %parallel_loop3A_1000 = vector.shape_cast %parallel_loop3A_999 : vector<1x1x16xf32> to vector<16xf32>
        %parallel_loop3A_1001 = vector.shape_cast %get3A_298 : vector<16xf32> to vector<1x1x16xf32>
        tpu.vector_store %arg8[%parallel_loop3A_996, %parallel_loop3A_997, %parallel_loop3A_998], %parallel_loop3A_1001 {add = true, strides = array<i32>} : memref<8x128x64xf32, #tpu.memory_space<vmem>>, vector<1x1x16xf32>,
        %parallel_loop3A_1002 = arith.constant 0 : i32
        %parallel_loop3A_1003 = arith.index_cast %parallel_loop3A_1002 : i32 to index
        %parallel_loop3A_1004 = arith.index_cast %parallel_loop3A_987 : i32 to index
        %parallel_loop3A_1005 = arith.constant 32 : index
        %parallel_loop3A_1006 = tpu.vector_load %arg8[%parallel_loop3A_1003, %parallel_loop3A_1004, %parallel_loop3A_1005] {strides = array<i32>} : memref<8x128x64xf32, #tpu.memory_space<vmem>>, vector<1x1x16xf32>,
        %parallel_loop3A_1007 = vector.shape_cast %parallel_loop3A_1006 : vector<1x1x16xf32> to vector<16xf32>
        %parallel_loop3A_1008 = vector.shape_cast %get3A_302 : vector<16xf32> to vector<1x1x16xf32>
        tpu.vector_store %arg8[%parallel_loop3A_1003, %parallel_loop3A_1004, %parallel_loop3A_1005], %parallel_loop3A_1008 {add = true, strides = array<i32>} : memref<8x128x64xf32, #tpu.memory_space<vmem>>, vector<1x1x16xf32>,
        %parallel_loop3A_1009 = arith.constant 0 : i32
        %parallel_loop3A_1010 = arith.index_cast %parallel_loop3A_1009 : i32 to index
        %parallel_loop3A_1011 = arith.index_cast %parallel_loop3A_987 : i32 to index
        %parallel_loop3A_1012 = arith.constant 48 : index
        %parallel_loop3A_1013 = tpu.vector_load %arg8[%parallel_loop3A_1010, %parallel_loop3A_1011, %parallel_loop3A_1012] {strides = array<i32>} : memref<8x128x64xf32, #tpu.memory_space<vmem>>, vector<1x1x16xf32>,
        %parallel_loop3A_1014 = vector.shape_cast %parallel_loop3A_1013 : vector<1x1x16xf32> to vector<16xf32>
        %parallel_loop3A_1015 = vector.shape_cast %get3A_306 : vector<16xf32> to vector<1x1x16xf32>
        tpu.vector_store %arg8[%parallel_loop3A_1010, %parallel_loop3A_1011, %parallel_loop3A_1012], %parallel_loop3A_1015 {add = true, strides = array<i32>} : memref<8x128x64xf32, #tpu.memory_space<vmem>>, vector<1x1x16xf32>,
      } {sc.loop_unroll_factor = 4 : i64, sc.parallel_access}
      %mul3A_309 = arith.constant 128 : i32
      %mul3A_310 = arith.muli %add3A_258, %mul3A_309 : i32
      %add3A_311 = arith.addi %mul3A_2, %mul3A_310 : i32
      %dma_start3A_312 = arith.constant 0 : i32
      %dma_start3A_313 = arith.constant 0 : i32
      %dma_start3A_314 = arith.constant 0 : i32
      %dma_start3A_315 = arith.constant 0 : i32
      %dma_start3A_316 = tpu.memref_slice %arg8[%dma_start3A_312, %dma_start3A_314, %dma_start3A_315] : memref<8x128x64xf32, #tpu.memory_space<vmem>> -> memref<1x128x64xf32, #tpu.memory_space<vmem>>
      %dma_start3A_317 = tpu.memref_squeeze %dma_start3A_316 : memref<1x128x64xf32, #tpu.memory_space<vmem>> -> memref<128x64xf32, #tpu.memory_space<vmem>>
      %dma_start3A_318 = arith.constant 0 : i32
      %dma_start3A_319 = tpu.memref_slice %arg5[%add3A_311, %dma_start3A_318] : memref<819200x64xf32, #tpu.memory_space<hbm>> -> memref<128x64xf32, #tpu.memory_space<hbm>>
      %dma_start3A_320 = tpu.memref_slice %arg10[%dma_start3A_313] : memref<8x!tpu.dma_semaphore, #tpu.memory_space<semaphore_mem>> -> memref<1x!tpu.dma_semaphore, #tpu.memory_space<semaphore_mem>>
      %dma_start3A_321 = tpu.memref_squeeze %dma_start3A_320 : memref<1x!tpu.dma_semaphore, #tpu.memory_space<semaphore_mem>> -> memref<!tpu.dma_semaphore, #tpu.memory_space<semaphore_mem>>
      %dma_start3A_322 = arith.constant 0 : i32
      %dma_start3A_323 = tpu.memref_slice %arg5[%add3A_311, %dma_start3A_322] : memref<819200x64xf32, #tpu.memory_space<hbm>> -> memref<128x64xf32, #tpu.memory_space<hbm>>
      %dma_start3A_324 = arith.constant 0 : i32
      %dma_start3A_325 = arith.constant 0 : i32
      %dma_start3A_326 = tpu.memref_slice %arg8[%dma_start3A_312, %dma_start3A_324, %dma_start3A_325] : memref<8x128x64xf32, #tpu.memory_space<vmem>> -> memref<1x128x64xf32, #tpu.memory_space<vmem>>
      %dma_start3A_327 = tpu.memref_squeeze %dma_start3A_326 : memref<1x128x64xf32, #tpu.memory_space<vmem>> -> memref<128x64xf32, #tpu.memory_space<vmem>>
      tpu.enqueue_dma source(%dma_start3A_327 : memref<128x64xf32, #tpu.memory_space<vmem>>) target(%dma_start3A_323 : memref<128x64xf32, #tpu.memory_space<hbm>>) target_semaphore(%dma_start3A_321 : memref<!tpu.dma_semaphore, #tpu.memory_space<semaphore_mem>>)
      %sub3A_328 = arith.constant 3 : i32
      %sub3A_329 = arith.subi %add3A_258, %sub3A_328 : i32
      %ge3A = arith.constant 0 : i32
      %ge3A_330 = arith.cmpi sge, %sub3A_329, %ge3A : i32
      %add3A_331 = arith.constant 8 : i32
      %add3A_332 = arith.addi %sub3A_329, %add3A_331 : i32
      %lt3A = arith.constant 200 : i32
      %lt3A_333 = arith.cmpi slt, %add3A_332, %lt3A : i32
      %and3A_334 = arith.andi %ge3A_330, %lt3A_333 : i1
      %convert_element_type3A = arith.extui %and3A_334 : i1 to i32
      %cond3A = arith.constant 0 : i32
      %cond3A_335 = arith.cmpi ne, %convert_element_type3A, %cond3A : i32
      scf.if %cond3A_335 {
        %mul3A_987 = arith.constant 128 : i32
        %mul3A_988 = arith.muli %sub3A_329, %mul3A_987 : i32
        %add3A_989 = arith.addi %mul3A_2, %mul3A_988 : i32
        %dma_wait3A_990 = arith.constant 5 : i32
        %dma_wait3A_991 = arith.constant 5 : i32
        %dma_wait3A_992 = arith.constant 0 : i32
        %dma_wait3A_993 = arith.constant 0 : i32
        %dma_wait3A_994 = tpu.memref_slice %arg8[%dma_wait3A_990, %dma_wait3A_992, %dma_wait3A_993] : memref<8x128x64xf32, #tpu.memory_space<vmem>> -> memref<1x128x64xf32, #tpu.memory_space<vmem>>
        %dma_wait3A_995 = tpu.memref_squeeze %dma_wait3A_994 : memref<1x128x64xf32, #tpu.memory_space<vmem>> -> memref<128x64xf32, #tpu.memory_space<vmem>>
        %dma_wait3A_996 = arith.constant 0 : i32
        %dma_wait3A_997 = tpu.memref_slice %arg5[%add3A_989, %dma_wait3A_996] : memref<819200x64xf32, #tpu.memory_space<hbm>> -> memref<128x64xf32, #tpu.memory_space<hbm>>
        %dma_wait3A_998 = tpu.memref_slice %arg10[%dma_wait3A_991] : memref<8x!tpu.dma_semaphore, #tpu.memory_space<semaphore_mem>> -> memref<1x!tpu.dma_semaphore, #tpu.memory_space<semaphore_mem>>
        %dma_wait3A_999 = tpu.memref_squeeze %dma_wait3A_998 : memref<1x!tpu.dma_semaphore, #tpu.memory_space<semaphore_mem>> -> memref<!tpu.dma_semaphore, #tpu.memory_space<semaphore_mem>>
        %dma_wait3A_1000 = arith.constant 0 : i32
        %dma_wait3A_1001 = tpu.memref_slice %arg5[%add3A_989, %dma_wait3A_1000] : memref<819200x64xf32, #tpu.memory_space<hbm>> -> memref<128x64xf32, #tpu.memory_space<hbm>>
        %dma_wait3A_1002 = arith.constant 0 : i32
        %dma_wait3A_1003 = arith.constant 0 : i32
        %dma_wait3A_1004 = tpu.memref_slice %arg8[%dma_wait3A_990, %dma_wait3A_1002, %dma_wait3A_1003] : memref<8x128x64xf32, #tpu.memory_space<vmem>> -> memref<1x128x64xf32, #tpu.memory_space<vmem>>
        %dma_wait3A_1005 = tpu.memref_squeeze %dma_wait3A_1004 : memref<1x128x64xf32, #tpu.memory_space<vmem>> -> memref<128x64xf32, #tpu.memory_space<vmem>>
        tpu.wait_dma2 semaphore(%dma_wait3A_999 : memref<!tpu.dma_semaphore, #tpu.memory_space<semaphore_mem>>) src(%dma_wait3A_1005 : memref<128x64xf32, #tpu.memory_space<vmem>>) dst(%dma_wait3A_1001 : memref<128x64xf32, #tpu.memory_space<hbm>>)
        %add3A_1006 = arith.constant 8 : i32
        %add3A_1007 = arith.addi %sub3A_329, %add3A_1006 : i32
        %mul3A_1008 = arith.constant 128 : i32
        %mul3A_1009 = arith.muli %add3A_1007, %mul3A_1008 : i32
        %dma_start3A_1010 = arith.constant 5 : i32
        %dma_start3A_1011 = arith.constant 5 : i32
        %dma_start3A_1012 = arith.constant 0 : i32
        %dma_start3A_1013 = arith.constant 0 : i32
        %dma_start3A_1014 = tpu.memref_slice %arg8[%dma_start3A_1010, %dma_start3A_1012, %dma_start3A_1013] : memref<8x128x64xf32, #tpu.memory_space<vmem>> -> memref<1x128x64xf32, #tpu.memory_space<vmem>>
        %dma_start3A_1015 = tpu.memref_squeeze %dma_start3A_1014 : memref<1x128x64xf32, #tpu.memory_space<vmem>> -> memref<128x64xf32, #tpu.memory_space<vmem>>
        %dma_start3A_1016 = tpu.memref_slice %arg6[%mul3A_1009] : memref<25600xi32, #tpu.memory_space<vmem>> -> memref<128xi32, #tpu.memory_space<vmem>>
        %dma_start3A_1017 = arith.constant 0 : i32
        %dma_start3A_1018 = arith.constant 0 : i32
        %dma_start3A_1019 = tpu.memref_slice %arg3[%dma_start3A_1017, %dma_start3A_1018] : memref<1000000x64xf32, #tpu.memory_space<hbm>> -> memref<1000000x64xf32, #tpu.memory_space<hbm>>
        %dma_start3A_1020 = tpu.memref_slice %arg9[%dma_start3A_1011] : memref<8x!tpu.dma_semaphore, #tpu.memory_space<semaphore_mem>> -> memref<1x!tpu.dma_semaphore, #tpu.memory_space<semaphore_mem>>
        %dma_start3A_1021 = tpu.memref_squeeze %dma_start3A_1020 : memref<1x!tpu.dma_semaphore, #tpu.memory_space<semaphore_mem>> -> memref<!tpu.dma_semaphore, #tpu.memory_space<semaphore_mem>>
        tpu.enqueue_indirect_dma source(%dma_start3A_1019 : memref<1000000x64xf32, #tpu.memory_space<hbm>>) target(%dma_start3A_1015 : memref<128x64xf32, #tpu.memory_space<vmem>>) offsets(%dma_start3A_1016 : memref<128xi32, #tpu.memory_space<vmem>>) semaphore(%dma_start3A_1021 : memref<!tpu.dma_semaphore, #tpu.memory_space<semaphore_mem>>)
      } else {
      }
      %add3A_336 = arith.constant 1 : i32
      %add3A_337 = arith.addi %mul3A_256, %add3A_336 : i32
      %mul3A_338 = arith.constant 128 : i32
      %mul3A_339 = arith.muli %add3A_337, %mul3A_338 : i32
      %dma_wait3A_340 = arith.constant 1 : i32
      %dma_wait3A_341 = arith.constant 1 : i32
      %dma_wait3A_342 = arith.constant 0 : i32
      %dma_wait3A_343 = arith.constant 0 : i32
      %dma_wait3A_344 = tpu.memref_slice %arg8[%dma_wait3A_340, %dma_wait3A_342, %dma_wait3A_343] : memref<8x128x64xf32, #tpu.memory_space<vmem>> -> memref<1x128x64xf32, #tpu.memory_space<vmem>>
      %dma_wait3A_345 = tpu.memref_squeeze %dma_wait3A_344 : memref<1x128x64xf32, #tpu.memory_space<vmem>> -> memref<128x64xf32, #tpu.memory_space<vmem>>
      %dma_wait3A_346 = tpu.memref_slice %arg6[%mul3A_339] : memref<25600xi32, #tpu.memory_space<vmem>> -> memref<128xi32, #tpu.memory_space<vmem>>
      %dma_wait3A_347 = arith.constant 0 : i32
      %dma_wait3A_348 = arith.constant 0 : i32
      %dma_wait3A_349 = tpu.memref_slice %arg3[%dma_wait3A_347, %dma_wait3A_348] : memref<1000000x64xf32, #tpu.memory_space<hbm>> -> memref<1000000x64xf32, #tpu.memory_space<hbm>>
      %dma_wait3A_350 = tpu.memref_slice %arg9[%dma_wait3A_341] : memref<8x!tpu.dma_semaphore, #tpu.memory_space<semaphore_mem>> -> memref<1x!tpu.dma_semaphore, #tpu.memory_space<semaphore_mem>>
      %dma_wait3A_351 = tpu.memref_squeeze %dma_wait3A_350 : memref<1x!tpu.dma_semaphore, #tpu.memory_space<semaphore_mem>> -> memref<!tpu.dma_semaphore, #tpu.memory_space<semaphore_mem>>
      tpu.wait_indirect_dma semaphore(%dma_wait3A_351 : memref<!tpu.dma_semaphore, #tpu.memory_space<semaphore_mem>>) src(%dma_wait3A_349 : memref<1000000x64xf32, #tpu.memory_space<hbm>>) dst(%dma_wait3A_345 : memref<128x64xf32, #tpu.memory_space<vmem>>)
      %mul3A_352 = arith.constant 128 : i32
      %mul3A_353 = arith.muli %add3A_337, %mul3A_352 : i32
      %add3A_354 = arith.addi %mul3A_2, %mul3A_353 : i32
      %jit3A_355 = arith.constant 4096 : i32
      %div3A_356 = arith.divsi %add3A_354, %jit3A_355 : i32
      %sign3A_357 = arith.constant 0 : i32
      %sign3A_358 = arith.cmpi sgt, %add3A_354, %sign3A_357 : i32
      %sign3A_359 = arith.extui %sign3A_358 : i1 to i32
      %sign3A_360 = arith.constant 0 : i32
      %sign3A_361 = arith.cmpi slt, %add3A_354, %sign3A_360 : i32
      %sign3A_362 = arith.extui %sign3A_361 : i1 to i32
      %sign3A_363 = arith.subi %sign3A_359, %sign3A_362 : i32
      %sign3A_364 = arith.constant 0 : i32
      %sign3A_365 = arith.cmpi sgt, %jit3A_355, %sign3A_364 : i32
      %sign3A_366 = arith.extui %sign3A_365 : i1 to i32
      %sign3A_367 = arith.constant 0 : i32
      %sign3A_368 = arith.cmpi slt, %jit3A_355, %sign3A_367 : i32
      %sign3A_369 = arith.extui %sign3A_368 : i1 to i32
      %sign3A_370 = arith.subi %sign3A_366, %sign3A_369 : i32
      %ne3A_371 = arith.cmpi ne, %sign3A_363, %sign3A_370 : i32
      %rem3A_372 = arith.remsi %add3A_354, %jit3A_355 : i32
      %ne3A_373 = arith.constant 0 : i32
      %ne3A_374 = arith.cmpi ne, %rem3A_372, %ne3A_373 : i32
      %and3A_375 = arith.andi %ne3A_371, %ne3A_374 : i1
      %sub3A_376 = arith.constant 1 : i32
      %sub3A_377 = arith.subi %div3A_356, %sub3A_376 : i32
      %select_n3A_378 = arith.select %and3A_375, %sub3A_377, %div3A_356 : i32
      %get3A_379 = arith.index_cast %select_n3A_378 : i32 to index
      %get3A_380 = arith.constant 0 : index
      %get3A_381 = tpu.vector_load %arg7[%get3A_379, %get3A_380] {strides = array<i32>} : memref<200x64xf32, #tpu.memory_space<vmem>>, vector<1x16xf32>,
      %get3A_382 = vector.shape_cast %get3A_381 : vector<1x16xf32> to vector<16xf32>
      %get3A_383 = arith.index_cast %select_n3A_378 : i32 to index
      %get3A_384 = arith.constant 16 : index
      %get3A_385 = tpu.vector_load %arg7[%get3A_383, %get3A_384] {strides = array<i32>} : memref<200x64xf32, #tpu.memory_space<vmem>>, vector<1x16xf32>,
      %get3A_386 = vector.shape_cast %get3A_385 : vector<1x16xf32> to vector<16xf32>
      %get3A_387 = arith.index_cast %select_n3A_378 : i32 to index
      %get3A_388 = arith.constant 32 : index
      %get3A_389 = tpu.vector_load %arg7[%get3A_387, %get3A_388] {strides = array<i32>} : memref<200x64xf32, #tpu.memory_space<vmem>>, vector<1x16xf32>,
      %get3A_390 = vector.shape_cast %get3A_389 : vector<1x16xf32> to vector<16xf32>
      %get3A_391 = arith.index_cast %select_n3A_378 : i32 to index
      %get3A_392 = arith.constant 48 : index
      %get3A_393 = tpu.vector_load %arg7[%get3A_391, %get3A_392] {strides = array<i32>} : memref<200x64xf32, #tpu.memory_space<vmem>>, vector<1x16xf32>,
      %get3A_394 = vector.shape_cast %get3A_393 : vector<1x16xf32> to vector<16xf32>
      %parallel_loop3A_395 = arith.constant 0 : i32
      %parallel_loop3A_396 = arith.constant 128 : i32
      %parallel_loop3A_397 = arith.constant 1 : i32
      scf.for %parallel_loop3A_987 = %parallel_loop3A_395 to %parallel_loop3A_396 step %parallel_loop3A_397  : i32 {
        %parallel_loop3A_988 = arith.constant 1 : i32
        %parallel_loop3A_989 = arith.index_cast %parallel_loop3A_988 : i32 to index
        %parallel_loop3A_990 = arith.index_cast %parallel_loop3A_987 : i32 to index
        %parallel_loop3A_991 = arith.constant 0 : index
        %parallel_loop3A_992 = tpu.vector_load %arg8[%parallel_loop3A_989, %parallel_loop3A_990, %parallel_loop3A_991] {strides = array<i32>} : memref<8x128x64xf32, #tpu.memory_space<vmem>>, vector<1x1x16xf32>,
        %parallel_loop3A_993 = vector.shape_cast %parallel_loop3A_992 : vector<1x1x16xf32> to vector<16xf32>
        %parallel_loop3A_994 = vector.shape_cast %get3A_382 : vector<16xf32> to vector<1x1x16xf32>
        tpu.vector_store %arg8[%parallel_loop3A_989, %parallel_loop3A_990, %parallel_loop3A_991], %parallel_loop3A_994 {add = true, strides = array<i32>} : memref<8x128x64xf32, #tpu.memory_space<vmem>>, vector<1x1x16xf32>,
        %parallel_loop3A_995 = arith.constant 1 : i32
        %parallel_loop3A_996 = arith.index_cast %parallel_loop3A_995 : i32 to index
        %parallel_loop3A_997 = arith.index_cast %parallel_loop3A_987 : i32 to index
        %parallel_loop3A_998 = arith.constant 16 : index
        %parallel_loop3A_999 = tpu.vector_load %arg8[%parallel_loop3A_996, %parallel_loop3A_997, %parallel_loop3A_998] {strides = array<i32>} : memref<8x128x64xf32, #tpu.memory_space<vmem>>, vector<1x1x16xf32>,
        %parallel_loop3A_1000 = vector.shape_cast %parallel_loop3A_999 : vector<1x1x16xf32> to vector<16xf32>
        %parallel_loop3A_1001 = vector.shape_cast %get3A_386 : vector<16xf32> to vector<1x1x16xf32>
        tpu.vector_store %arg8[%parallel_loop3A_996, %parallel_loop3A_997, %parallel_loop3A_998], %parallel_loop3A_1001 {add = true, strides = array<i32>} : memref<8x128x64xf32, #tpu.memory_space<vmem>>, vector<1x1x16xf32>,
        %parallel_loop3A_1002 = arith.constant 1 : i32
        %parallel_loop3A_1003 = arith.index_cast %parallel_loop3A_1002 : i32 to index
        %parallel_loop3A_1004 = arith.index_cast %parallel_loop3A_987 : i32 to index
        %parallel_loop3A_1005 = arith.constant 32 : index
        %parallel_loop3A_1006 = tpu.vector_load %arg8[%parallel_loop3A_1003, %parallel_loop3A_1004, %parallel_loop3A_1005] {strides = array<i32>} : memref<8x128x64xf32, #tpu.memory_space<vmem>>, vector<1x1x16xf32>,
        %parallel_loop3A_1007 = vector.shape_cast %parallel_loop3A_1006 : vector<1x1x16xf32> to vector<16xf32>
        %parallel_loop3A_1008 = vector.shape_cast %get3A_390 : vector<16xf32> to vector<1x1x16xf32>
        tpu.vector_store %arg8[%parallel_loop3A_1003, %parallel_loop3A_1004, %parallel_loop3A_1005], %parallel_loop3A_1008 {add = true, strides = array<i32>} : memref<8x128x64xf32, #tpu.memory_space<vmem>>, vector<1x1x16xf32>,
        %parallel_loop3A_1009 = arith.constant 1 : i32
        %parallel_loop3A_1010 = arith.index_cast %parallel_loop3A_1009 : i32 to index
        %parallel_loop3A_1011 = arith.index_cast %parallel_loop3A_987 : i32 to index
        %parallel_loop3A_1012 = arith.constant 48 : index
        %parallel_loop3A_1013 = tpu.vector_load %arg8[%parallel_loop3A_1010, %parallel_loop3A_1011, %parallel_loop3A_1012] {strides = array<i32>} : memref<8x128x64xf32, #tpu.memory_space<vmem>>, vector<1x1x16xf32>,
        %parallel_loop3A_1014 = vector.shape_cast %parallel_loop3A_1013 : vector<1x1x16xf32> to vector<16xf32>
        %parallel_loop3A_1015 = vector.shape_cast %get3A_394 : vector<16xf32> to vector<1x1x16xf32>
        tpu.vector_store %arg8[%parallel_loop3A_1010, %parallel_loop3A_1011, %parallel_loop3A_1012], %parallel_loop3A_1015 {add = true, strides = array<i32>} : memref<8x128x64xf32, #tpu.memory_space<vmem>>, vector<1x1x16xf32>,
      } {sc.loop_unroll_factor = 4 : i64, sc.parallel_access}
      %mul3A_398 = arith.constant 128 : i32
      %mul3A_399 = arith.muli %add3A_337, %mul3A_398 : i32
      %add3A_400 = arith.addi %mul3A_2, %mul3A_399 : i32
      %dma_start3A_401 = arith.constant 1 : i32
      %dma_start3A_402 = arith.constant 1 : i32
      %dma_start3A_403 = arith.constant 0 : i32
      %dma_start3A_404 = arith.constant 0 : i32
      %dma_start3A_405 = tpu.memref_slice %arg8[%dma_start3A_401, %dma_start3A_403, %dma_start3A_404] : memref<8x128x64xf32, #tpu.memory_space<vmem>> -> memref<1x128x64xf32, #tpu.memory_space<vmem>>
      %dma_start3A_406 = tpu.memref_squeeze %dma_start3A_405 : memref<1x128x64xf32, #tpu.memory_space<vmem>> -> memref<128x64xf32, #tpu.memory_space<vmem>>
      %dma_start3A_407 = arith.constant 0 : i32
      %dma_start3A_408 = tpu.memref_slice %arg5[%add3A_400, %dma_start3A_407] : memref<819200x64xf32, #tpu.memory_space<hbm>> -> memref<128x64xf32, #tpu.memory_space<hbm>>
      %dma_start3A_409 = tpu.memref_slice %arg10[%dma_start3A_402] : memref<8x!tpu.dma_semaphore, #tpu.memory_space<semaphore_mem>> -> memref<1x!tpu.dma_semaphore, #tpu.memory_space<semaphore_mem>>
      %dma_start3A_410 = tpu.memref_squeeze %dma_start3A_409 : memref<1x!tpu.dma_semaphore, #tpu.memory_space<semaphore_mem>> -> memref<!tpu.dma_semaphore, #tpu.memory_space<semaphore_mem>>
      %dma_start3A_411 = arith.constant 0 : i32
      %dma_start3A_412 = tpu.memref_slice %arg5[%add3A_400, %dma_start3A_411] : memref<819200x64xf32, #tpu.memory_space<hbm>> -> memref<128x64xf32, #tpu.memory_space<hbm>>
      %dma_start3A_413 = arith.constant 0 : i32
      %dma_start3A_414 = arith.constant 0 : i32
      %dma_start3A_415 = tpu.memref_slice %arg8[%dma_start3A_401, %dma_start3A_413, %dma_start3A_414] : memref<8x128x64xf32, #tpu.memory_space<vmem>> -> memref<1x128x64xf32, #tpu.memory_space<vmem>>
      %dma_start3A_416 = tpu.memref_squeeze %dma_start3A_415 : memref<1x128x64xf32, #tpu.memory_space<vmem>> -> memref<128x64xf32, #tpu.memory_space<vmem>>
      tpu.enqueue_dma source(%dma_start3A_416 : memref<128x64xf32, #tpu.memory_space<vmem>>) target(%dma_start3A_412 : memref<128x64xf32, #tpu.memory_space<hbm>>) target_semaphore(%dma_start3A_410 : memref<!tpu.dma_semaphore, #tpu.memory_space<semaphore_mem>>)
      %sub3A_417 = arith.constant 3 : i32
      %sub3A_418 = arith.subi %add3A_337, %sub3A_417 : i32
      %ge3A_419 = arith.constant 0 : i32
      %ge3A_420 = arith.cmpi sge, %sub3A_418, %ge3A_419 : i32
      %add3A_421 = arith.constant 8 : i32
      %add3A_422 = arith.addi %sub3A_418, %add3A_421 : i32
      %lt3A_423 = arith.constant 200 : i32
      %lt3A_424 = arith.cmpi slt, %add3A_422, %lt3A_423 : i32
      %and3A_425 = arith.andi %ge3A_420, %lt3A_424 : i1
      %convert_element_type3A_426 = arith.extui %and3A_425 : i1 to i32
      %cond3A_427 = arith.constant 0 : i32
      %cond3A_428 = arith.cmpi ne, %convert_element_type3A_426, %cond3A_427 : i32
      scf.if %cond3A_428 {
        %mul3A_987 = arith.constant 128 : i32
        %mul3A_988 = arith.muli %sub3A_418, %mul3A_987 : i32
        %add3A_989 = arith.addi %mul3A_2, %mul3A_988 : i32
        %dma_wait3A_990 = arith.constant 6 : i32
        %dma_wait3A_991 = arith.constant 6 : i32
        %dma_wait3A_992 = arith.constant 0 : i32
        %dma_wait3A_993 = arith.constant 0 : i32
        %dma_wait3A_994 = tpu.memref_slice %arg8[%dma_wait3A_990, %dma_wait3A_992, %dma_wait3A_993] : memref<8x128x64xf32, #tpu.memory_space<vmem>> -> memref<1x128x64xf32, #tpu.memory_space<vmem>>
        %dma_wait3A_995 = tpu.memref_squeeze %dma_wait3A_994 : memref<1x128x64xf32, #tpu.memory_space<vmem>> -> memref<128x64xf32, #tpu.memory_space<vmem>>
        %dma_wait3A_996 = arith.constant 0 : i32
        %dma_wait3A_997 = tpu.memref_slice %arg5[%add3A_989, %dma_wait3A_996] : memref<819200x64xf32, #tpu.memory_space<hbm>> -> memref<128x64xf32, #tpu.memory_space<hbm>>
        %dma_wait3A_998 = tpu.memref_slice %arg10[%dma_wait3A_991] : memref<8x!tpu.dma_semaphore, #tpu.memory_space<semaphore_mem>> -> memref<1x!tpu.dma_semaphore, #tpu.memory_space<semaphore_mem>>
        %dma_wait3A_999 = tpu.memref_squeeze %dma_wait3A_998 : memref<1x!tpu.dma_semaphore, #tpu.memory_space<semaphore_mem>> -> memref<!tpu.dma_semaphore, #tpu.memory_space<semaphore_mem>>
        %dma_wait3A_1000 = arith.constant 0 : i32
        %dma_wait3A_1001 = tpu.memref_slice %arg5[%add3A_989, %dma_wait3A_1000] : memref<819200x64xf32, #tpu.memory_space<hbm>> -> memref<128x64xf32, #tpu.memory_space<hbm>>
        %dma_wait3A_1002 = arith.constant 0 : i32
        %dma_wait3A_1003 = arith.constant 0 : i32
        %dma_wait3A_1004 = tpu.memref_slice %arg8[%dma_wait3A_990, %dma_wait3A_1002, %dma_wait3A_1003] : memref<8x128x64xf32, #tpu.memory_space<vmem>> -> memref<1x128x64xf32, #tpu.memory_space<vmem>>
        %dma_wait3A_1005 = tpu.memref_squeeze %dma_wait3A_1004 : memref<1x128x64xf32, #tpu.memory_space<vmem>> -> memref<128x64xf32, #tpu.memory_space<vmem>>
        tpu.wait_dma2 semaphore(%dma_wait3A_999 : memref<!tpu.dma_semaphore, #tpu.memory_space<semaphore_mem>>) src(%dma_wait3A_1005 : memref<128x64xf32, #tpu.memory_space<vmem>>) dst(%dma_wait3A_1001 : memref<128x64xf32, #tpu.memory_space<hbm>>)
        %add3A_1006 = arith.constant 8 : i32
        %add3A_1007 = arith.addi %sub3A_418, %add3A_1006 : i32
        %mul3A_1008 = arith.constant 128 : i32
        %mul3A_1009 = arith.muli %add3A_1007, %mul3A_1008 : i32
        %dma_start3A_1010 = arith.constant 6 : i32
        %dma_start3A_1011 = arith.constant 6 : i32
        %dma_start3A_1012 = arith.constant 0 : i32
        %dma_start3A_1013 = arith.constant 0 : i32
        %dma_start3A_1014 = tpu.memref_slice %arg8[%dma_start3A_1010, %dma_start3A_1012, %dma_start3A_1013] : memref<8x128x64xf32, #tpu.memory_space<vmem>> -> memref<1x128x64xf32, #tpu.memory_space<vmem>>
        %dma_start3A_1015 = tpu.memref_squeeze %dma_start3A_1014 : memref<1x128x64xf32, #tpu.memory_space<vmem>> -> memref<128x64xf32, #tpu.memory_space<vmem>>
        %dma_start3A_1016 = tpu.memref_slice %arg6[%mul3A_1009] : memref<25600xi32, #tpu.memory_space<vmem>> -> memref<128xi32, #tpu.memory_space<vmem>>
        %dma_start3A_1017 = arith.constant 0 : i32
        %dma_start3A_1018 = arith.constant 0 : i32
        %dma_start3A_1019 = tpu.memref_slice %arg3[%dma_start3A_1017, %dma_start3A_1018] : memref<1000000x64xf32, #tpu.memory_space<hbm>> -> memref<1000000x64xf32, #tpu.memory_space<hbm>>
        %dma_start3A_1020 = tpu.memref_slice %arg9[%dma_start3A_1011] : memref<8x!tpu.dma_semaphore, #tpu.memory_space<semaphore_mem>> -> memref<1x!tpu.dma_semaphore, #tpu.memory_space<semaphore_mem>>
        %dma_start3A_1021 = tpu.memref_squeeze %dma_start3A_1020 : memref<1x!tpu.dma_semaphore, #tpu.memory_space<semaphore_mem>> -> memref<!tpu.dma_semaphore, #tpu.memory_space<semaphore_mem>>
        tpu.enqueue_indirect_dma source(%dma_start3A_1019 : memref<1000000x64xf32, #tpu.memory_space<hbm>>) target(%dma_start3A_1015 : memref<128x64xf32, #tpu.memory_space<vmem>>) offsets(%dma_start3A_1016 : memref<128xi32, #tpu.memory_space<vmem>>) semaphore(%dma_start3A_1021 : memref<!tpu.dma_semaphore, #tpu.memory_space<semaphore_mem>>)
      } else {
      }
      %add3A_429 = arith.constant 2 : i32
      %add3A_430 = arith.addi %mul3A_256, %add3A_429 : i32
      %mul3A_431 = arith.constant 128 : i32
      %mul3A_432 = arith.muli %add3A_430, %mul3A_431 : i32
      %dma_wait3A_433 = arith.constant 2 : i32
      %dma_wait3A_434 = arith.constant 2 : i32
      %dma_wait3A_435 = arith.constant 0 : i32
      %dma_wait3A_436 = arith.constant 0 : i32
      %dma_wait3A_437 = tpu.memref_slice %arg8[%dma_wait3A_433, %dma_wait3A_435, %dma_wait3A_436] : memref<8x128x64xf32, #tpu.memory_space<vmem>> -> memref<1x128x64xf32, #tpu.memory_space<vmem>>
      %dma_wait3A_438 = tpu.memref_squeeze %dma_wait3A_437 : memref<1x128x64xf32, #tpu.memory_space<vmem>> -> memref<128x64xf32, #tpu.memory_space<vmem>>
      %dma_wait3A_439 = tpu.memref_slice %arg6[%mul3A_432] : memref<25600xi32, #tpu.memory_space<vmem>> -> memref<128xi32, #tpu.memory_space<vmem>>
      %dma_wait3A_440 = arith.constant 0 : i32
      %dma_wait3A_441 = arith.constant 0 : i32
      %dma_wait3A_442 = tpu.memref_slice %arg3[%dma_wait3A_440, %dma_wait3A_441] : memref<1000000x64xf32, #tpu.memory_space<hbm>> -> memref<1000000x64xf32, #tpu.memory_space<hbm>>
      %dma_wait3A_443 = tpu.memref_slice %arg9[%dma_wait3A_434] : memref<8x!tpu.dma_semaphore, #tpu.memory_space<semaphore_mem>> -> memref<1x!tpu.dma_semaphore, #tpu.memory_space<semaphore_mem>>
      %dma_wait3A_444 = tpu.memref_squeeze %dma_wait3A_443 : memref<1x!tpu.dma_semaphore, #tpu.memory_space<semaphore_mem>> -> memref<!tpu.dma_semaphore, #tpu.memory_space<semaphore_mem>>
      tpu.wait_indirect_dma semaphore(%dma_wait3A_444 : memref<!tpu.dma_semaphore, #tpu.memory_space<semaphore_mem>>) src(%dma_wait3A_442 : memref<1000000x64xf32, #tpu.memory_space<hbm>>) dst(%dma_wait3A_438 : memref<128x64xf32, #tpu.memory_space<vmem>>)
      %mul3A_445 = arith.constant 128 : i32
      %mul3A_446 = arith.muli %add3A_430, %mul3A_445 : i32
      %add3A_447 = arith.addi %mul3A_2, %mul3A_446 : i32
      %jit3A_448 = arith.constant 4096 : i32
      %div3A_449 = arith.divsi %add3A_447, %jit3A_448 : i32
      %sign3A_450 = arith.constant 0 : i32
      %sign3A_451 = arith.cmpi sgt, %add3A_447, %sign3A_450 : i32
      %sign3A_452 = arith.extui %sign3A_451 : i1 to i32
      %sign3A_453 = arith.constant 0 : i32
      %sign3A_454 = arith.cmpi slt, %add3A_447, %sign3A_453 : i32
      %sign3A_455 = arith.extui %sign3A_454 : i1 to i32
      %sign3A_456 = arith.subi %sign3A_452, %sign3A_455 : i32
      %sign3A_457 = arith.constant 0 : i32
      %sign3A_458 = arith.cmpi sgt, %jit3A_448, %sign3A_457 : i32
      %sign3A_459 = arith.extui %sign3A_458 : i1 to i32
      %sign3A_460 = arith.constant 0 : i32
      %sign3A_461 = arith.cmpi slt, %jit3A_448, %sign3A_460 : i32
      %sign3A_462 = arith.extui %sign3A_461 : i1 to i32
      %sign3A_463 = arith.subi %sign3A_459, %sign3A_462 : i32
      %ne3A_464 = arith.cmpi ne, %sign3A_456, %sign3A_463 : i32
      %rem3A_465 = arith.remsi %add3A_447, %jit3A_448 : i32
      %ne3A_466 = arith.constant 0 : i32
      %ne3A_467 = arith.cmpi ne, %rem3A_465, %ne3A_466 : i32
      %and3A_468 = arith.andi %ne3A_464, %ne3A_467 : i1
      %sub3A_469 = arith.constant 1 : i32
      %sub3A_470 = arith.subi %div3A_449, %sub3A_469 : i32
      %select_n3A_471 = arith.select %and3A_468, %sub3A_470, %div3A_449 : i32
      %get3A_472 = arith.index_cast %select_n3A_471 : i32 to index
      %get3A_473 = arith.constant 0 : index
      %get3A_474 = tpu.vector_load %arg7[%get3A_472, %get3A_473] {strides = array<i32>} : memref<200x64xf32, #tpu.memory_space<vmem>>, vector<1x16xf32>,
      %get3A_475 = vector.shape_cast %get3A_474 : vector<1x16xf32> to vector<16xf32>
      %get3A_476 = arith.index_cast %select_n3A_471 : i32 to index
      %get3A_477 = arith.constant 16 : index
      %get3A_478 = tpu.vector_load %arg7[%get3A_476, %get3A_477] {strides = array<i32>} : memref<200x64xf32, #tpu.memory_space<vmem>>, vector<1x16xf32>,
      %get3A_479 = vector.shape_cast %get3A_478 : vector<1x16xf32> to vector<16xf32>
      %get3A_480 = arith.index_cast %select_n3A_471 : i32 to index
      %get3A_481 = arith.constant 32 : index
      %get3A_482 = tpu.vector_load %arg7[%get3A_480, %get3A_481] {strides = array<i32>} : memref<200x64xf32, #tpu.memory_space<vmem>>, vector<1x16xf32>,
      %get3A_483 = vector.shape_cast %get3A_482 : vector<1x16xf32> to vector<16xf32>
      %get3A_484 = arith.index_cast %select_n3A_471 : i32 to index
      %get3A_485 = arith.constant 48 : index
      %get3A_486 = tpu.vector_load %arg7[%get3A_484, %get3A_485] {strides = array<i32>} : memref<200x64xf32, #tpu.memory_space<vmem>>, vector<1x16xf32>,
      %get3A_487 = vector.shape_cast %get3A_486 : vector<1x16xf32> to vector<16xf32>
      %parallel_loop3A_488 = arith.constant 0 : i32
      %parallel_loop3A_489 = arith.constant 128 : i32
      %parallel_loop3A_490 = arith.constant 1 : i32
      scf.for %parallel_loop3A_987 = %parallel_loop3A_488 to %parallel_loop3A_489 step %parallel_loop3A_490  : i32 {
        %parallel_loop3A_988 = arith.constant 2 : i32
        %parallel_loop3A_989 = arith.index_cast %parallel_loop3A_988 : i32 to index
        %parallel_loop3A_990 = arith.index_cast %parallel_loop3A_987 : i32 to index
        %parallel_loop3A_991 = arith.constant 0 : index
        %parallel_loop3A_992 = tpu.vector_load %arg8[%parallel_loop3A_989, %parallel_loop3A_990, %parallel_loop3A_991] {strides = array<i32>} : memref<8x128x64xf32, #tpu.memory_space<vmem>>, vector<1x1x16xf32>,
        %parallel_loop3A_993 = vector.shape_cast %parallel_loop3A_992 : vector<1x1x16xf32> to vector<16xf32>
        %parallel_loop3A_994 = vector.shape_cast %get3A_475 : vector<16xf32> to vector<1x1x16xf32>
        tpu.vector_store %arg8[%parallel_loop3A_989, %parallel_loop3A_990, %parallel_loop3A_991], %parallel_loop3A_994 {add = true, strides = array<i32>} : memref<8x128x64xf32, #tpu.memory_space<vmem>>, vector<1x1x16xf32>,
        %parallel_loop3A_995 = arith.constant 2 : i32
        %parallel_loop3A_996 = arith.index_cast %parallel_loop3A_995 : i32 to index
        %parallel_loop3A_997 = arith.index_cast %parallel_loop3A_987 : i32 to index
        %parallel_loop3A_998 = arith.constant 16 : index
        %parallel_loop3A_999 = tpu.vector_load %arg8[%parallel_loop3A_996, %parallel_loop3A_997, %parallel_loop3A_998] {strides = array<i32>} : memref<8x128x64xf32, #tpu.memory_space<vmem>>, vector<1x1x16xf32>,
        %parallel_loop3A_1000 = vector.shape_cast %parallel_loop3A_999 : vector<1x1x16xf32> to vector<16xf32>
        %parallel_loop3A_1001 = vector.shape_cast %get3A_479 : vector<16xf32> to vector<1x1x16xf32>
        tpu.vector_store %arg8[%parallel_loop3A_996, %parallel_loop3A_997, %parallel_loop3A_998], %parallel_loop3A_1001 {add = true, strides = array<i32>} : memref<8x128x64xf32, #tpu.memory_space<vmem>>, vector<1x1x16xf32>,
        %parallel_loop3A_1002 = arith.constant 2 : i32
        %parallel_loop3A_1003 = arith.index_cast %parallel_loop3A_1002 : i32 to index
        %parallel_loop3A_1004 = arith.index_cast %parallel_loop3A_987 : i32 to index
        %parallel_loop3A_1005 = arith.constant 32 : index
        %parallel_loop3A_1006 = tpu.vector_load %arg8[%parallel_loop3A_1003, %parallel_loop3A_1004, %parallel_loop3A_1005] {strides = array<i32>} : memref<8x128x64xf32, #tpu.memory_space<vmem>>, vector<1x1x16xf32>,
        %parallel_loop3A_1007 = vector.shape_cast %parallel_loop3A_1006 : vector<1x1x16xf32> to vector<16xf32>
        %parallel_loop3A_1008 = vector.shape_cast %get3A_483 : vector<16xf32> to vector<1x1x16xf32>
        tpu.vector_store %arg8[%parallel_loop3A_1003, %parallel_loop3A_1004, %parallel_loop3A_1005], %parallel_loop3A_1008 {add = true, strides = array<i32>} : memref<8x128x64xf32, #tpu.memory_space<vmem>>, vector<1x1x16xf32>,
        %parallel_loop3A_1009 = arith.constant 2 : i32
        %parallel_loop3A_1010 = arith.index_cast %parallel_loop3A_1009 : i32 to index
        %parallel_loop3A_1011 = arith.index_cast %parallel_loop3A_987 : i32 to index
        %parallel_loop3A_1012 = arith.constant 48 : index
        %parallel_loop3A_1013 = tpu.vector_load %arg8[%parallel_loop3A_1010, %parallel_loop3A_1011, %parallel_loop3A_1012] {strides = array<i32>} : memref<8x128x64xf32, #tpu.memory_space<vmem>>, vector<1x1x16xf32>,
        %parallel_loop3A_1014 = vector.shape_cast %parallel_loop3A_1013 : vector<1x1x16xf32> to vector<16xf32>
        %parallel_loop3A_1015 = vector.shape_cast %get3A_487 : vector<16xf32> to vector<1x1x16xf32>
        tpu.vector_store %arg8[%parallel_loop3A_1010, %parallel_loop3A_1011, %parallel_loop3A_1012], %parallel_loop3A_1015 {add = true, strides = array<i32>} : memref<8x128x64xf32, #tpu.memory_space<vmem>>, vector<1x1x16xf32>,
      } {sc.loop_unroll_factor = 4 : i64, sc.parallel_access}
      %mul3A_491 = arith.constant 128 : i32
      %mul3A_492 = arith.muli %add3A_430, %mul3A_491 : i32
      %add3A_493 = arith.addi %mul3A_2, %mul3A_492 : i32
      %dma_start3A_494 = arith.constant 2 : i32
      %dma_start3A_495 = arith.constant 2 : i32
      %dma_start3A_496 = arith.constant 0 : i32
      %dma_start3A_497 = arith.constant 0 : i32
      %dma_start3A_498 = tpu.memref_slice %arg8[%dma_start3A_494, %dma_start3A_496, %dma_start3A_497] : memref<8x128x64xf32, #tpu.memory_space<vmem>> -> memref<1x128x64xf32, #tpu.memory_space<vmem>>
      %dma_start3A_499 = tpu.memref_squeeze %dma_start3A_498 : memref<1x128x64xf32, #tpu.memory_space<vmem>> -> memref<128x64xf32, #tpu.memory_space<vmem>>
      %dma_start3A_500 = arith.constant 0 : i32
      %dma_start3A_501 = tpu.memref_slice %arg5[%add3A_493, %dma_start3A_500] : memref<819200x64xf32, #tpu.memory_space<hbm>> -> memref<128x64xf32, #tpu.memory_space<hbm>>
      %dma_start3A_502 = tpu.memref_slice %arg10[%dma_start3A_495] : memref<8x!tpu.dma_semaphore, #tpu.memory_space<semaphore_mem>> -> memref<1x!tpu.dma_semaphore, #tpu.memory_space<semaphore_mem>>
      %dma_start3A_503 = tpu.memref_squeeze %dma_start3A_502 : memref<1x!tpu.dma_semaphore, #tpu.memory_space<semaphore_mem>> -> memref<!tpu.dma_semaphore, #tpu.memory_space<semaphore_mem>>
      %dma_start3A_504 = arith.constant 0 : i32
      %dma_start3A_505 = tpu.memref_slice %arg5[%add3A_493, %dma_start3A_504] : memref<819200x64xf32, #tpu.memory_space<hbm>> -> memref<128x64xf32, #tpu.memory_space<hbm>>
      %dma_start3A_506 = arith.constant 0 : i32
      %dma_start3A_507 = arith.constant 0 : i32
      %dma_start3A_508 = tpu.memref_slice %arg8[%dma_start3A_494, %dma_start3A_506, %dma_start3A_507] : memref<8x128x64xf32, #tpu.memory_space<vmem>> -> memref<1x128x64xf32, #tpu.memory_space<vmem>>
      %dma_start3A_509 = tpu.memref_squeeze %dma_start3A_508 : memref<1x128x64xf32, #tpu.memory_space<vmem>> -> memref<128x64xf32, #tpu.memory_space<vmem>>
      tpu.enqueue_dma source(%dma_start3A_509 : memref<128x64xf32, #tpu.memory_space<vmem>>) target(%dma_start3A_505 : memref<128x64xf32, #tpu.memory_space<hbm>>) target_semaphore(%dma_start3A_503 : memref<!tpu.dma_semaphore, #tpu.memory_space<semaphore_mem>>)
      %sub3A_510 = arith.constant 3 : i32
      %sub3A_511 = arith.subi %add3A_430, %sub3A_510 : i32
      %ge3A_512 = arith.constant 0 : i32
      %ge3A_513 = arith.cmpi sge, %sub3A_511, %ge3A_512 : i32
      %add3A_514 = arith.constant 8 : i32
      %add3A_515 = arith.addi %sub3A_511, %add3A_514 : i32
      %lt3A_516 = arith.constant 200 : i32
      %lt3A_517 = arith.cmpi slt, %add3A_515, %lt3A_516 : i32
      %and3A_518 = arith.andi %ge3A_513, %lt3A_517 : i1
      %convert_element_type3A_519 = arith.extui %and3A_518 : i1 to i32
      %cond3A_520 = arith.constant 0 : i32
      %cond3A_521 = arith.cmpi ne, %convert_element_type3A_519, %cond3A_520 : i32
      scf.if %cond3A_521 {
        %mul3A_987 = arith.constant 128 : i32
        %mul3A_988 = arith.muli %sub3A_511, %mul3A_987 : i32
        %add3A_989 = arith.addi %mul3A_2, %mul3A_988 : i32
        %dma_wait3A_990 = arith.constant 7 : i32
        %dma_wait3A_991 = arith.constant 7 : i32
        %dma_wait3A_992 = arith.constant 0 : i32
        %dma_wait3A_993 = arith.constant 0 : i32
        %dma_wait3A_994 = tpu.memref_slice %arg8[%dma_wait3A_990, %dma_wait3A_992, %dma_wait3A_993] : memref<8x128x64xf32, #tpu.memory_space<vmem>> -> memref<1x128x64xf32, #tpu.memory_space<vmem>>
        %dma_wait3A_995 = tpu.memref_squeeze %dma_wait3A_994 : memref<1x128x64xf32, #tpu.memory_space<vmem>> -> memref<128x64xf32, #tpu.memory_space<vmem>>
        %dma_wait3A_996 = arith.constant 0 : i32
        %dma_wait3A_997 = tpu.memref_slice %arg5[%add3A_989, %dma_wait3A_996] : memref<819200x64xf32, #tpu.memory_space<hbm>> -> memref<128x64xf32, #tpu.memory_space<hbm>>
        %dma_wait3A_998 = tpu.memref_slice %arg10[%dma_wait3A_991] : memref<8x!tpu.dma_semaphore, #tpu.memory_space<semaphore_mem>> -> memref<1x!tpu.dma_semaphore, #tpu.memory_space<semaphore_mem>>
        %dma_wait3A_999 = tpu.memref_squeeze %dma_wait3A_998 : memref<1x!tpu.dma_semaphore, #tpu.memory_space<semaphore_mem>> -> memref<!tpu.dma_semaphore, #tpu.memory_space<semaphore_mem>>
        %dma_wait3A_1000 = arith.constant 0 : i32
        %dma_wait3A_1001 = tpu.memref_slice %arg5[%add3A_989, %dma_wait3A_1000] : memref<819200x64xf32, #tpu.memory_space<hbm>> -> memref<128x64xf32, #tpu.memory_space<hbm>>
        %dma_wait3A_1002 = arith.constant 0 : i32
        %dma_wait3A_1003 = arith.constant 0 : i32
        %dma_wait3A_1004 = tpu.memref_slice %arg8[%dma_wait3A_990, %dma_wait3A_1002, %dma_wait3A_1003] : memref<8x128x64xf32, #tpu.memory_space<vmem>> -> memref<1x128x64xf32, #tpu.memory_space<vmem>>
        %dma_wait3A_1005 = tpu.memref_squeeze %dma_wait3A_1004 : memref<1x128x64xf32, #tpu.memory_space<vmem>> -> memref<128x64xf32, #tpu.memory_space<vmem>>
        tpu.wait_dma2 semaphore(%dma_wait3A_999 : memref<!tpu.dma_semaphore, #tpu.memory_space<semaphore_mem>>) src(%dma_wait3A_1005 : memref<128x64xf32, #tpu.memory_space<vmem>>) dst(%dma_wait3A_1001 : memref<128x64xf32, #tpu.memory_space<hbm>>)
        %add3A_1006 = arith.constant 8 : i32
        %add3A_1007 = arith.addi %sub3A_511, %add3A_1006 : i32
        %mul3A_1008 = arith.constant 128 : i32
        %mul3A_1009 = arith.muli %add3A_1007, %mul3A_1008 : i32
        %dma_start3A_1010 = arith.constant 7 : i32
        %dma_start3A_1011 = arith.constant 7 : i32
        %dma_start3A_1012 = arith.constant 0 : i32
        %dma_start3A_1013 = arith.constant 0 : i32
        %dma_start3A_1014 = tpu.memref_slice %arg8[%dma_start3A_1010, %dma_start3A_1012, %dma_start3A_1013] : memref<8x128x64xf32, #tpu.memory_space<vmem>> -> memref<1x128x64xf32, #tpu.memory_space<vmem>>
        %dma_start3A_1015 = tpu.memref_squeeze %dma_start3A_1014 : memref<1x128x64xf32, #tpu.memory_space<vmem>> -> memref<128x64xf32, #tpu.memory_space<vmem>>
        %dma_start3A_1016 = tpu.memref_slice %arg6[%mul3A_1009] : memref<25600xi32, #tpu.memory_space<vmem>> -> memref<128xi32, #tpu.memory_space<vmem>>
        %dma_start3A_1017 = arith.constant 0 : i32
        %dma_start3A_1018 = arith.constant 0 : i32
        %dma_start3A_1019 = tpu.memref_slice %arg3[%dma_start3A_1017, %dma_start3A_1018] : memref<1000000x64xf32, #tpu.memory_space<hbm>> -> memref<1000000x64xf32, #tpu.memory_space<hbm>>
        %dma_start3A_1020 = tpu.memref_slice %arg9[%dma_start3A_1011] : memref<8x!tpu.dma_semaphore, #tpu.memory_space<semaphore_mem>> -> memref<1x!tpu.dma_semaphore, #tpu.memory_space<semaphore_mem>>
        %dma_start3A_1021 = tpu.memref_squeeze %dma_start3A_1020 : memref<1x!tpu.dma_semaphore, #tpu.memory_space<semaphore_mem>> -> memref<!tpu.dma_semaphore, #tpu.memory_space<semaphore_mem>>
        tpu.enqueue_indirect_dma source(%dma_start3A_1019 : memref<1000000x64xf32, #tpu.memory_space<hbm>>) target(%dma_start3A_1015 : memref<128x64xf32, #tpu.memory_space<vmem>>) offsets(%dma_start3A_1016 : memref<128xi32, #tpu.memory_space<vmem>>) semaphore(%dma_start3A_1021 : memref<!tpu.dma_semaphore, #tpu.memory_space<semaphore_mem>>)
      } else {
      }
      %add3A_522 = arith.constant 3 : i32
      %add3A_523 = arith.addi %mul3A_256, %add3A_522 : i32
      %mul3A_524 = arith.constant 128 : i32
      %mul3A_525 = arith.muli %add3A_523, %mul3A_524 : i32
      %dma_wait3A_526 = arith.constant 3 : i32
      %dma_wait3A_527 = arith.constant 3 : i32
      %dma_wait3A_528 = arith.constant 0 : i32
      %dma_wait3A_529 = arith.constant 0 : i32
      %dma_wait3A_530 = tpu.memref_slice %arg8[%dma_wait3A_526, %dma_wait3A_528, %dma_wait3A_529] : memref<8x128x64xf32, #tpu.memory_space<vmem>> -> memref<1x128x64xf32, #tpu.memory_space<vmem>>
      %dma_wait3A_531 = tpu.memref_squeeze %dma_wait3A_530 : memref<1x128x64xf32, #tpu.memory_space<vmem>> -> memref<128x64xf32, #tpu.memory_space<vmem>>
      %dma_wait3A_532 = tpu.memref_slice %arg6[%mul3A_525] : memref<25600xi32, #tpu.memory_space<vmem>> -> memref<128xi32, #tpu.memory_space<vmem>>
      %dma_wait3A_533 = arith.constant 0 : i32
      %dma_wait3A_534 = arith.constant 0 : i32
      %dma_wait3A_535 = tpu.memref_slice %arg3[%dma_wait3A_533, %dma_wait3A_534] : memref<1000000x64xf32, #tpu.memory_space<hbm>> -> memref<1000000x64xf32, #tpu.memory_space<hbm>>
      %dma_wait3A_536 = tpu.memref_slice %arg9[%dma_wait3A_527] : memref<8x!tpu.dma_semaphore, #tpu.memory_space<semaphore_mem>> -> memref<1x!tpu.dma_semaphore, #tpu.memory_space<semaphore_mem>>
      %dma_wait3A_537 = tpu.memref_squeeze %dma_wait3A_536 : memref<1x!tpu.dma_semaphore, #tpu.memory_space<semaphore_mem>> -> memref<!tpu.dma_semaphore, #tpu.memory_space<semaphore_mem>>
      tpu.wait_indirect_dma semaphore(%dma_wait3A_537 : memref<!tpu.dma_semaphore, #tpu.memory_space<semaphore_mem>>) src(%dma_wait3A_535 : memref<1000000x64xf32, #tpu.memory_space<hbm>>) dst(%dma_wait3A_531 : memref<128x64xf32, #tpu.memory_space<vmem>>)
      %mul3A_538 = arith.constant 128 : i32
      %mul3A_539 = arith.muli %add3A_523, %mul3A_538 : i32
      %add3A_540 = arith.addi %mul3A_2, %mul3A_539 : i32
      %jit3A_541 = arith.constant 4096 : i32
      %div3A_542 = arith.divsi %add3A_540, %jit3A_541 : i32
      %sign3A_543 = arith.constant 0 : i32
      %sign3A_544 = arith.cmpi sgt, %add3A_540, %sign3A_543 : i32
      %sign3A_545 = arith.extui %sign3A_544 : i1 to i32
      %sign3A_546 = arith.constant 0 : i32
      %sign3A_547 = arith.cmpi slt, %add3A_540, %sign3A_546 : i32
      %sign3A_548 = arith.extui %sign3A_547 : i1 to i32
      %sign3A_549 = arith.subi %sign3A_545, %sign3A_548 : i32
      %sign3A_550 = arith.constant 0 : i32
      %sign3A_551 = arith.cmpi sgt, %jit3A_541, %sign3A_550 : i32
      %sign3A_552 = arith.extui %sign3A_551 : i1 to i32
      %sign3A_553 = arith.constant 0 : i32
      %sign3A_554 = arith.cmpi slt, %jit3A_541, %sign3A_553 : i32
      %sign3A_555 = arith.extui %sign3A_554 : i1 to i32
      %sign3A_556 = arith.subi %sign3A_552, %sign3A_555 : i32
      %ne3A_557 = arith.cmpi ne, %sign3A_549, %sign3A_556 : i32
      %rem3A_558 = arith.remsi %add3A_540, %jit3A_541 : i32
      %ne3A_559 = arith.constant 0 : i32
      %ne3A_560 = arith.cmpi ne, %rem3A_558, %ne3A_559 : i32
      %and3A_561 = arith.andi %ne3A_557, %ne3A_560 : i1
      %sub3A_562 = arith.constant 1 : i32
      %sub3A_563 = arith.subi %div3A_542, %sub3A_562 : i32
      %select_n3A_564 = arith.select %and3A_561, %sub3A_563, %div3A_542 : i32
      %get3A_565 = arith.index_cast %select_n3A_564 : i32 to index
      %get3A_566 = arith.constant 0 : index
      %get3A_567 = tpu.vector_load %arg7[%get3A_565, %get3A_566] {strides = array<i32>} : memref<200x64xf32, #tpu.memory_space<vmem>>, vector<1x16xf32>,
      %get3A_568 = vector.shape_cast %get3A_567 : vector<1x16xf32> to vector<16xf32>
      %get3A_569 = arith.index_cast %select_n3A_564 : i32 to index
      %get3A_570 = arith.constant 16 : index
      %get3A_571 = tpu.vector_load %arg7[%get3A_569, %get3A_570] {strides = array<i32>} : memref<200x64xf32, #tpu.memory_space<vmem>>, vector<1x16xf32>,
      %get3A_572 = vector.shape_cast %get3A_571 : vector<1x16xf32> to vector<16xf32>
      %get3A_573 = arith.index_cast %select_n3A_564 : i32 to index
      %get3A_574 = arith.constant 32 : index
      %get3A_575 = tpu.vector_load %arg7[%get3A_573, %get3A_574] {strides = array<i32>} : memref<200x64xf32, #tpu.memory_space<vmem>>, vector<1x16xf32>,
      %get3A_576 = vector.shape_cast %get3A_575 : vector<1x16xf32> to vector<16xf32>
      %get3A_577 = arith.index_cast %select_n3A_564 : i32 to index
      %get3A_578 = arith.constant 48 : index
      %get3A_579 = tpu.vector_load %arg7[%get3A_577, %get3A_578] {strides = array<i32>} : memref<200x64xf32, #tpu.memory_space<vmem>>, vector<1x16xf32>,
      %get3A_580 = vector.shape_cast %get3A_579 : vector<1x16xf32> to vector<16xf32>
      %parallel_loop3A_581 = arith.constant 0 : i32
      %parallel_loop3A_582 = arith.constant 128 : i32
      %parallel_loop3A_583 = arith.constant 1 : i32
      scf.for %parallel_loop3A_987 = %parallel_loop3A_581 to %parallel_loop3A_582 step %parallel_loop3A_583  : i32 {
        %parallel_loop3A_988 = arith.constant 3 : i32
        %parallel_loop3A_989 = arith.index_cast %parallel_loop3A_988 : i32 to index
        %parallel_loop3A_990 = arith.index_cast %parallel_loop3A_987 : i32 to index
        %parallel_loop3A_991 = arith.constant 0 : index
        %parallel_loop3A_992 = tpu.vector_load %arg8[%parallel_loop3A_989, %parallel_loop3A_990, %parallel_loop3A_991] {strides = array<i32>} : memref<8x128x64xf32, #tpu.memory_space<vmem>>, vector<1x1x16xf32>,
        %parallel_loop3A_993 = vector.shape_cast %parallel_loop3A_992 : vector<1x1x16xf32> to vector<16xf32>
        %parallel_loop3A_994 = vector.shape_cast %get3A_568 : vector<16xf32> to vector<1x1x16xf32>
        tpu.vector_store %arg8[%parallel_loop3A_989, %parallel_loop3A_990, %parallel_loop3A_991], %parallel_loop3A_994 {add = true, strides = array<i32>} : memref<8x128x64xf32, #tpu.memory_space<vmem>>, vector<1x1x16xf32>,
        %parallel_loop3A_995 = arith.constant 3 : i32
        %parallel_loop3A_996 = arith.index_cast %parallel_loop3A_995 : i32 to index
        %parallel_loop3A_997 = arith.index_cast %parallel_loop3A_987 : i32 to index
        %parallel_loop3A_998 = arith.constant 16 : index
        %parallel_loop3A_999 = tpu.vector_load %arg8[%parallel_loop3A_996, %parallel_loop3A_997, %parallel_loop3A_998] {strides = array<i32>} : memref<8x128x64xf32, #tpu.memory_space<vmem>>, vector<1x1x16xf32>,
        %parallel_loop3A_1000 = vector.shape_cast %parallel_loop3A_999 : vector<1x1x16xf32> to vector<16xf32>
        %parallel_loop3A_1001 = vector.shape_cast %get3A_572 : vector<16xf32> to vector<1x1x16xf32>
        tpu.vector_store %arg8[%parallel_loop3A_996, %parallel_loop3A_997, %parallel_loop3A_998], %parallel_loop3A_1001 {add = true, strides = array<i32>} : memref<8x128x64xf32, #tpu.memory_space<vmem>>, vector<1x1x16xf32>,
        %parallel_loop3A_1002 = arith.constant 3 : i32
        %parallel_loop3A_1003 = arith.index_cast %parallel_loop3A_1002 : i32 to index
        %parallel_loop3A_1004 = arith.index_cast %parallel_loop3A_987 : i32 to index
        %parallel_loop3A_1005 = arith.constant 32 : index
        %parallel_loop3A_1006 = tpu.vector_load %arg8[%parallel_loop3A_1003, %parallel_loop3A_1004, %parallel_loop3A_1005] {strides = array<i32>} : memref<8x128x64xf32, #tpu.memory_space<vmem>>, vector<1x1x16xf32>,
        %parallel_loop3A_1007 = vector.shape_cast %parallel_loop3A_1006 : vector<1x1x16xf32> to vector<16xf32>
        %parallel_loop3A_1008 = vector.shape_cast %get3A_576 : vector<16xf32> to vector<1x1x16xf32>
        tpu.vector_store %arg8[%parallel_loop3A_1003, %parallel_loop3A_1004, %parallel_loop3A_1005], %parallel_loop3A_1008 {add = true, strides = array<i32>} : memref<8x128x64xf32, #tpu.memory_space<vmem>>, vector<1x1x16xf32>,
        %parallel_loop3A_1009 = arith.constant 3 : i32
        %parallel_loop3A_1010 = arith.index_cast %parallel_loop3A_1009 : i32 to index
        %parallel_loop3A_1011 = arith.index_cast %parallel_loop3A_987 : i32 to index
        %parallel_loop3A_1012 = arith.constant 48 : index
        %parallel_loop3A_1013 = tpu.vector_load %arg8[%parallel_loop3A_1010, %parallel_loop3A_1011, %parallel_loop3A_1012] {strides = array<i32>} : memref<8x128x64xf32, #tpu.memory_space<vmem>>, vector<1x1x16xf32>,
        %parallel_loop3A_1014 = vector.shape_cast %parallel_loop3A_1013 : vector<1x1x16xf32> to vector<16xf32>
        %parallel_loop3A_1015 = vector.shape_cast %get3A_580 : vector<16xf32> to vector<1x1x16xf32>
        tpu.vector_store %arg8[%parallel_loop3A_1010, %parallel_loop3A_1011, %parallel_loop3A_1012], %parallel_loop3A_1015 {add = true, strides = array<i32>} : memref<8x128x64xf32, #tpu.memory_space<vmem>>, vector<1x1x16xf32>,
      } {sc.loop_unroll_factor = 4 : i64, sc.parallel_access}
      %mul3A_584 = arith.constant 128 : i32
      %mul3A_585 = arith.muli %add3A_523, %mul3A_584 : i32
      %add3A_586 = arith.addi %mul3A_2, %mul3A_585 : i32
      %dma_start3A_587 = arith.constant 3 : i32
      %dma_start3A_588 = arith.constant 3 : i32
      %dma_start3A_589 = arith.constant 0 : i32
      %dma_start3A_590 = arith.constant 0 : i32
      %dma_start3A_591 = tpu.memref_slice %arg8[%dma_start3A_587, %dma_start3A_589, %dma_start3A_590] : memref<8x128x64xf32, #tpu.memory_space<vmem>> -> memref<1x128x64xf32, #tpu.memory_space<vmem>>
      %dma_start3A_592 = tpu.memref_squeeze %dma_start3A_591 : memref<1x128x64xf32, #tpu.memory_space<vmem>> -> memref<128x64xf32, #tpu.memory_space<vmem>>
      %dma_start3A_593 = arith.constant 0 : i32
      %dma_start3A_594 = tpu.memref_slice %arg5[%add3A_586, %dma_start3A_593] : memref<819200x64xf32, #tpu.memory_space<hbm>> -> memref<128x64xf32, #tpu.memory_space<hbm>>
      %dma_start3A_595 = tpu.memref_slice %arg10[%dma_start3A_588] : memref<8x!tpu.dma_semaphore, #tpu.memory_space<semaphore_mem>> -> memref<1x!tpu.dma_semaphore, #tpu.memory_space<semaphore_mem>>
      %dma_start3A_596 = tpu.memref_squeeze %dma_start3A_595 : memref<1x!tpu.dma_semaphore, #tpu.memory_space<semaphore_mem>> -> memref<!tpu.dma_semaphore, #tpu.memory_space<semaphore_mem>>
      %dma_start3A_597 = arith.constant 0 : i32
      %dma_start3A_598 = tpu.memref_slice %arg5[%add3A_586, %dma_start3A_597] : memref<819200x64xf32, #tpu.memory_space<hbm>> -> memref<128x64xf32, #tpu.memory_space<hbm>>
      %dma_start3A_599 = arith.constant 0 : i32
      %dma_start3A_600 = arith.constant 0 : i32
      %dma_start3A_601 = tpu.memref_slice %arg8[%dma_start3A_587, %dma_start3A_599, %dma_start3A_600] : memref<8x128x64xf32, #tpu.memory_space<vmem>> -> memref<1x128x64xf32, #tpu.memory_space<vmem>>
      %dma_start3A_602 = tpu.memref_squeeze %dma_start3A_601 : memref<1x128x64xf32, #tpu.memory_space<vmem>> -> memref<128x64xf32, #tpu.memory_space<vmem>>
      tpu.enqueue_dma source(%dma_start3A_602 : memref<128x64xf32, #tpu.memory_space<vmem>>) target(%dma_start3A_598 : memref<128x64xf32, #tpu.memory_space<hbm>>) target_semaphore(%dma_start3A_596 : memref<!tpu.dma_semaphore, #tpu.memory_space<semaphore_mem>>)
      %sub3A_603 = arith.constant 3 : i32
      %sub3A_604 = arith.subi %add3A_523, %sub3A_603 : i32
      %ge3A_605 = arith.constant 0 : i32
      %ge3A_606 = arith.cmpi sge, %sub3A_604, %ge3A_605 : i32
      %add3A_607 = arith.constant 8 : i32
      %add3A_608 = arith.addi %sub3A_604, %add3A_607 : i32
      %lt3A_609 = arith.constant 200 : i32
      %lt3A_610 = arith.cmpi slt, %add3A_608, %lt3A_609 : i32
      %and3A_611 = arith.andi %ge3A_606, %lt3A_610 : i1
      %convert_element_type3A_612 = arith.extui %and3A_611 : i1 to i32
      %cond3A_613 = arith.constant 0 : i32
      %cond3A_614 = arith.cmpi ne, %convert_element_type3A_612, %cond3A_613 : i32
      scf.if %cond3A_614 {
        %mul3A_987 = arith.constant 128 : i32
        %mul3A_988 = arith.muli %sub3A_604, %mul3A_987 : i32
        %add3A_989 = arith.addi %mul3A_2, %mul3A_988 : i32
        %dma_wait3A_990 = arith.constant 0 : i32
        %dma_wait3A_991 = arith.constant 0 : i32
        %dma_wait3A_992 = arith.constant 0 : i32
        %dma_wait3A_993 = arith.constant 0 : i32
        %dma_wait3A_994 = tpu.memref_slice %arg8[%dma_wait3A_990, %dma_wait3A_992, %dma_wait3A_993] : memref<8x128x64xf32, #tpu.memory_space<vmem>> -> memref<1x128x64xf32, #tpu.memory_space<vmem>>
        %dma_wait3A_995 = tpu.memref_squeeze %dma_wait3A_994 : memref<1x128x64xf32, #tpu.memory_space<vmem>> -> memref<128x64xf32, #tpu.memory_space<vmem>>
        %dma_wait3A_996 = arith.constant 0 : i32
        %dma_wait3A_997 = tpu.memref_slice %arg5[%add3A_989, %dma_wait3A_996] : memref<819200x64xf32, #tpu.memory_space<hbm>> -> memref<128x64xf32, #tpu.memory_space<hbm>>
        %dma_wait3A_998 = tpu.memref_slice %arg10[%dma_wait3A_991] : memref<8x!tpu.dma_semaphore, #tpu.memory_space<semaphore_mem>> -> memref<1x!tpu.dma_semaphore, #tpu.memory_space<semaphore_mem>>
        %dma_wait3A_999 = tpu.memref_squeeze %dma_wait3A_998 : memref<1x!tpu.dma_semaphore, #tpu.memory_space<semaphore_mem>> -> memref<!tpu.dma_semaphore, #tpu.memory_space<semaphore_mem>>
        %dma_wait3A_1000 = arith.constant 0 : i32
        %dma_wait3A_1001 = tpu.memref_slice %arg5[%add3A_989, %dma_wait3A_1000] : memref<819200x64xf32, #tpu.memory_space<hbm>> -> memref<128x64xf32, #tpu.memory_space<hbm>>
        %dma_wait3A_1002 = arith.constant 0 : i32
        %dma_wait3A_1003 = arith.constant 0 : i32
        %dma_wait3A_1004 = tpu.memref_slice %arg8[%dma_wait3A_990, %dma_wait3A_1002, %dma_wait3A_1003] : memref<8x128x64xf32, #tpu.memory_space<vmem>> -> memref<1x128x64xf32, #tpu.memory_space<vmem>>
        %dma_wait3A_1005 = tpu.memref_squeeze %dma_wait3A_1004 : memref<1x128x64xf32, #tpu.memory_space<vmem>> -> memref<128x64xf32, #tpu.memory_space<vmem>>
        tpu.wait_dma2 semaphore(%dma_wait3A_999 : memref<!tpu.dma_semaphore, #tpu.memory_space<semaphore_mem>>) src(%dma_wait3A_1005 : memref<128x64xf32, #tpu.memory_space<vmem>>) dst(%dma_wait3A_1001 : memref<128x64xf32, #tpu.memory_space<hbm>>)
        %add3A_1006 = arith.constant 8 : i32
        %add3A_1007 = arith.addi %sub3A_604, %add3A_1006 : i32
        %mul3A_1008 = arith.constant 128 : i32
        %mul3A_1009 = arith.muli %add3A_1007, %mul3A_1008 : i32
        %dma_start3A_1010 = arith.constant 0 : i32
        %dma_start3A_1011 = arith.constant 0 : i32
        %dma_start3A_1012 = arith.constant 0 : i32
        %dma_start3A_1013 = arith.constant 0 : i32
        %dma_start3A_1014 = tpu.memref_slice %arg8[%dma_start3A_1010, %dma_start3A_1012, %dma_start3A_1013] : memref<8x128x64xf32, #tpu.memory_space<vmem>> -> memref<1x128x64xf32, #tpu.memory_space<vmem>>
        %dma_start3A_1015 = tpu.memref_squeeze %dma_start3A_1014 : memref<1x128x64xf32, #tpu.memory_space<vmem>> -> memref<128x64xf32, #tpu.memory_space<vmem>>
        %dma_start3A_1016 = tpu.memref_slice %arg6[%mul3A_1009] : memref<25600xi32, #tpu.memory_space<vmem>> -> memref<128xi32, #tpu.memory_space<vmem>>
        %dma_start3A_1017 = arith.constant 0 : i32
        %dma_start3A_1018 = arith.constant 0 : i32
        %dma_start3A_1019 = tpu.memref_slice %arg3[%dma_start3A_1017, %dma_start3A_1018] : memref<1000000x64xf32, #tpu.memory_space<hbm>> -> memref<1000000x64xf32, #tpu.memory_space<hbm>>
        %dma_start3A_1020 = tpu.memref_slice %arg9[%dma_start3A_1011] : memref<8x!tpu.dma_semaphore, #tpu.memory_space<semaphore_mem>> -> memref<1x!tpu.dma_semaphore, #tpu.memory_space<semaphore_mem>>
        %dma_start3A_1021 = tpu.memref_squeeze %dma_start3A_1020 : memref<1x!tpu.dma_semaphore, #tpu.memory_space<semaphore_mem>> -> memref<!tpu.dma_semaphore, #tpu.memory_space<semaphore_mem>>
        tpu.enqueue_indirect_dma source(%dma_start3A_1019 : memref<1000000x64xf32, #tpu.memory_space<hbm>>) target(%dma_start3A_1015 : memref<128x64xf32, #tpu.memory_space<vmem>>) offsets(%dma_start3A_1016 : memref<128xi32, #tpu.memory_space<vmem>>) semaphore(%dma_start3A_1021 : memref<!tpu.dma_semaphore, #tpu.memory_space<semaphore_mem>>)
      } else {
      }
      %add3A_615 = arith.constant 4 : i32
      %add3A_616 = arith.addi %mul3A_256, %add3A_615 : i32
      %mul3A_617 = arith.constant 128 : i32
      %mul3A_618 = arith.muli %add3A_616, %mul3A_617 : i32
      %dma_wait3A_619 = arith.constant 4 : i32
      %dma_wait3A_620 = arith.constant 4 : i32
      %dma_wait3A_621 = arith.constant 0 : i32
      %dma_wait3A_622 = arith.constant 0 : i32
      %dma_wait3A_623 = tpu.memref_slice %arg8[%dma_wait3A_619, %dma_wait3A_621, %dma_wait3A_622] : memref<8x128x64xf32, #tpu.memory_space<vmem>> -> memref<1x128x64xf32, #tpu.memory_space<vmem>>
      %dma_wait3A_624 = tpu.memref_squeeze %dma_wait3A_623 : memref<1x128x64xf32, #tpu.memory_space<vmem>> -> memref<128x64xf32, #tpu.memory_space<vmem>>
      %dma_wait3A_625 = tpu.memref_slice %arg6[%mul3A_618] : memref<25600xi32, #tpu.memory_space<vmem>> -> memref<128xi32, #tpu.memory_space<vmem>>
      %dma_wait3A_626 = arith.constant 0 : i32
      %dma_wait3A_627 = arith.constant 0 : i32
      %dma_wait3A_628 = tpu.memref_slice %arg3[%dma_wait3A_626, %dma_wait3A_627] : memref<1000000x64xf32, #tpu.memory_space<hbm>> -> memref<1000000x64xf32, #tpu.memory_space<hbm>>
      %dma_wait3A_629 = tpu.memref_slice %arg9[%dma_wait3A_620] : memref<8x!tpu.dma_semaphore, #tpu.memory_space<semaphore_mem>> -> memref<1x!tpu.dma_semaphore, #tpu.memory_space<semaphore_mem>>
      %dma_wait3A_630 = tpu.memref_squeeze %dma_wait3A_629 : memref<1x!tpu.dma_semaphore, #tpu.memory_space<semaphore_mem>> -> memref<!tpu.dma_semaphore, #tpu.memory_space<semaphore_mem>>
      tpu.wait_indirect_dma semaphore(%dma_wait3A_630 : memref<!tpu.dma_semaphore, #tpu.memory_space<semaphore_mem>>) src(%dma_wait3A_628 : memref<1000000x64xf32, #tpu.memory_space<hbm>>) dst(%dma_wait3A_624 : memref<128x64xf32, #tpu.memory_space<vmem>>)
      %mul3A_631 = arith.constant 128 : i32
      %mul3A_632 = arith.muli %add3A_616, %mul3A_631 : i32
      %add3A_633 = arith.addi %mul3A_2, %mul3A_632 : i32
      %jit3A_634 = arith.constant 4096 : i32
      %div3A_635 = arith.divsi %add3A_633, %jit3A_634 : i32
      %sign3A_636 = arith.constant 0 : i32
      %sign3A_637 = arith.cmpi sgt, %add3A_633, %sign3A_636 : i32
      %sign3A_638 = arith.extui %sign3A_637 : i1 to i32
      %sign3A_639 = arith.constant 0 : i32
      %sign3A_640 = arith.cmpi slt, %add3A_633, %sign3A_639 : i32
      %sign3A_641 = arith.extui %sign3A_640 : i1 to i32
      %sign3A_642 = arith.subi %sign3A_638, %sign3A_641 : i32
      %sign3A_643 = arith.constant 0 : i32
      %sign3A_644 = arith.cmpi sgt, %jit3A_634, %sign3A_643 : i32
      %sign3A_645 = arith.extui %sign3A_644 : i1 to i32
      %sign3A_646 = arith.constant 0 : i32
      %sign3A_647 = arith.cmpi slt, %jit3A_634, %sign3A_646 : i32
      %sign3A_648 = arith.extui %sign3A_647 : i1 to i32
      %sign3A_649 = arith.subi %sign3A_645, %sign3A_648 : i32
      %ne3A_650 = arith.cmpi ne, %sign3A_642, %sign3A_649 : i32
      %rem3A_651 = arith.remsi %add3A_633, %jit3A_634 : i32
      %ne3A_652 = arith.constant 0 : i32
      %ne3A_653 = arith.cmpi ne, %rem3A_651, %ne3A_652 : i32
      %and3A_654 = arith.andi %ne3A_650, %ne3A_653 : i1
      %sub3A_655 = arith.constant 1 : i32
      %sub3A_656 = arith.subi %div3A_635, %sub3A_655 : i32
      %select_n3A_657 = arith.select %and3A_654, %sub3A_656, %div3A_635 : i32
      %get3A_658 = arith.index_cast %select_n3A_657 : i32 to index
      %get3A_659 = arith.constant 0 : index
      %get3A_660 = tpu.vector_load %arg7[%get3A_658, %get3A_659] {strides = array<i32>} : memref<200x64xf32, #tpu.memory_space<vmem>>, vector<1x16xf32>,
      %get3A_661 = vector.shape_cast %get3A_660 : vector<1x16xf32> to vector<16xf32>
      %get3A_662 = arith.index_cast %select_n3A_657 : i32 to index
      %get3A_663 = arith.constant 16 : index
      %get3A_664 = tpu.vector_load %arg7[%get3A_662, %get3A_663] {strides = array<i32>} : memref<200x64xf32, #tpu.memory_space<vmem>>, vector<1x16xf32>,
      %get3A_665 = vector.shape_cast %get3A_664 : vector<1x16xf32> to vector<16xf32>
      %get3A_666 = arith.index_cast %select_n3A_657 : i32 to index
      %get3A_667 = arith.constant 32 : index
      %get3A_668 = tpu.vector_load %arg7[%get3A_666, %get3A_667] {strides = array<i32>} : memref<200x64xf32, #tpu.memory_space<vmem>>, vector<1x16xf32>,
      %get3A_669 = vector.shape_cast %get3A_668 : vector<1x16xf32> to vector<16xf32>
      %get3A_670 = arith.index_cast %select_n3A_657 : i32 to index
      %get3A_671 = arith.constant 48 : index
      %get3A_672 = tpu.vector_load %arg7[%get3A_670, %get3A_671] {strides = array<i32>} : memref<200x64xf32, #tpu.memory_space<vmem>>, vector<1x16xf32>,
      %get3A_673 = vector.shape_cast %get3A_672 : vector<1x16xf32> to vector<16xf32>
      %parallel_loop3A_674 = arith.constant 0 : i32
      %parallel_loop3A_675 = arith.constant 128 : i32
      %parallel_loop3A_676 = arith.constant 1 : i32
      scf.for %parallel_loop3A_987 = %parallel_loop3A_674 to %parallel_loop3A_675 step %parallel_loop3A_676  : i32 {
        %parallel_loop3A_988 = arith.constant 4 : i32
        %parallel_loop3A_989 = arith.index_cast %parallel_loop3A_988 : i32 to index
        %parallel_loop3A_990 = arith.index_cast %parallel_loop3A_987 : i32 to index
        %parallel_loop3A_991 = arith.constant 0 : index
        %parallel_loop3A_992 = tpu.vector_load %arg8[%parallel_loop3A_989, %parallel_loop3A_990, %parallel_loop3A_991] {strides = array<i32>} : memref<8x128x64xf32, #tpu.memory_space<vmem>>, vector<1x1x16xf32>,
        %parallel_loop3A_993 = vector.shape_cast %parallel_loop3A_992 : vector<1x1x16xf32> to vector<16xf32>
        %parallel_loop3A_994 = vector.shape_cast %get3A_661 : vector<16xf32> to vector<1x1x16xf32>
        tpu.vector_store %arg8[%parallel_loop3A_989, %parallel_loop3A_990, %parallel_loop3A_991], %parallel_loop3A_994 {add = true, strides = array<i32>} : memref<8x128x64xf32, #tpu.memory_space<vmem>>, vector<1x1x16xf32>,
        %parallel_loop3A_995 = arith.constant 4 : i32
        %parallel_loop3A_996 = arith.index_cast %parallel_loop3A_995 : i32 to index
        %parallel_loop3A_997 = arith.index_cast %parallel_loop3A_987 : i32 to index
        %parallel_loop3A_998 = arith.constant 16 : index
        %parallel_loop3A_999 = tpu.vector_load %arg8[%parallel_loop3A_996, %parallel_loop3A_997, %parallel_loop3A_998] {strides = array<i32>} : memref<8x128x64xf32, #tpu.memory_space<vmem>>, vector<1x1x16xf32>,
        %parallel_loop3A_1000 = vector.shape_cast %parallel_loop3A_999 : vector<1x1x16xf32> to vector<16xf32>
        %parallel_loop3A_1001 = vector.shape_cast %get3A_665 : vector<16xf32> to vector<1x1x16xf32>
        tpu.vector_store %arg8[%parallel_loop3A_996, %parallel_loop3A_997, %parallel_loop3A_998], %parallel_loop3A_1001 {add = true, strides = array<i32>} : memref<8x128x64xf32, #tpu.memory_space<vmem>>, vector<1x1x16xf32>,
        %parallel_loop3A_1002 = arith.constant 4 : i32
        %parallel_loop3A_1003 = arith.index_cast %parallel_loop3A_1002 : i32 to index
        %parallel_loop3A_1004 = arith.index_cast %parallel_loop3A_987 : i32 to index
        %parallel_loop3A_1005 = arith.constant 32 : index
        %parallel_loop3A_1006 = tpu.vector_load %arg8[%parallel_loop3A_1003, %parallel_loop3A_1004, %parallel_loop3A_1005] {strides = array<i32>} : memref<8x128x64xf32, #tpu.memory_space<vmem>>, vector<1x1x16xf32>,
        %parallel_loop3A_1007 = vector.shape_cast %parallel_loop3A_1006 : vector<1x1x16xf32> to vector<16xf32>
        %parallel_loop3A_1008 = vector.shape_cast %get3A_669 : vector<16xf32> to vector<1x1x16xf32>
        tpu.vector_store %arg8[%parallel_loop3A_1003, %parallel_loop3A_1004, %parallel_loop3A_1005], %parallel_loop3A_1008 {add = true, strides = array<i32>} : memref<8x128x64xf32, #tpu.memory_space<vmem>>, vector<1x1x16xf32>,
        %parallel_loop3A_1009 = arith.constant 4 : i32
        %parallel_loop3A_1010 = arith.index_cast %parallel_loop3A_1009 : i32 to index
        %parallel_loop3A_1011 = arith.index_cast %parallel_loop3A_987 : i32 to index
        %parallel_loop3A_1012 = arith.constant 48 : index
        %parallel_loop3A_1013 = tpu.vector_load %arg8[%parallel_loop3A_1010, %parallel_loop3A_1011, %parallel_loop3A_1012] {strides = array<i32>} : memref<8x128x64xf32, #tpu.memory_space<vmem>>, vector<1x1x16xf32>,
        %parallel_loop3A_1014 = vector.shape_cast %parallel_loop3A_1013 : vector<1x1x16xf32> to vector<16xf32>
        %parallel_loop3A_1015 = vector.shape_cast %get3A_673 : vector<16xf32> to vector<1x1x16xf32>
        tpu.vector_store %arg8[%parallel_loop3A_1010, %parallel_loop3A_1011, %parallel_loop3A_1012], %parallel_loop3A_1015 {add = true, strides = array<i32>} : memref<8x128x64xf32, #tpu.memory_space<vmem>>, vector<1x1x16xf32>,
      } {sc.loop_unroll_factor = 4 : i64, sc.parallel_access}
      %mul3A_677 = arith.constant 128 : i32
      %mul3A_678 = arith.muli %add3A_616, %mul3A_677 : i32
      %add3A_679 = arith.addi %mul3A_2, %mul3A_678 : i32
      %dma_start3A_680 = arith.constant 4 : i32
      %dma_start3A_681 = arith.constant 4 : i32
      %dma_start3A_682 = arith.constant 0 : i32
      %dma_start3A_683 = arith.constant 0 : i32
      %dma_start3A_684 = tpu.memref_slice %arg8[%dma_start3A_680, %dma_start3A_682, %dma_start3A_683] : memref<8x128x64xf32, #tpu.memory_space<vmem>> -> memref<1x128x64xf32, #tpu.memory_space<vmem>>
      %dma_start3A_685 = tpu.memref_squeeze %dma_start3A_684 : memref<1x128x64xf32, #tpu.memory_space<vmem>> -> memref<128x64xf32, #tpu.memory_space<vmem>>
      %dma_start3A_686 = arith.constant 0 : i32
      %dma_start3A_687 = tpu.memref_slice %arg5[%add3A_679, %dma_start3A_686] : memref<819200x64xf32, #tpu.memory_space<hbm>> -> memref<128x64xf32, #tpu.memory_space<hbm>>
      %dma_start3A_688 = tpu.memref_slice %arg10[%dma_start3A_681] : memref<8x!tpu.dma_semaphore, #tpu.memory_space<semaphore_mem>> -> memref<1x!tpu.dma_semaphore, #tpu.memory_space<semaphore_mem>>
      %dma_start3A_689 = tpu.memref_squeeze %dma_start3A_688 : memref<1x!tpu.dma_semaphore, #tpu.memory_space<semaphore_mem>> -> memref<!tpu.dma_semaphore, #tpu.memory_space<semaphore_mem>>
      %dma_start3A_690 = arith.constant 0 : i32
      %dma_start3A_691 = tpu.memref_slice %arg5[%add3A_679, %dma_start3A_690] : memref<819200x64xf32, #tpu.memory_space<hbm>> -> memref<128x64xf32, #tpu.memory_space<hbm>>
      %dma_start3A_692 = arith.constant 0 : i32
      %dma_start3A_693 = arith.constant 0 : i32
      %dma_start3A_694 = tpu.memref_slice %arg8[%dma_start3A_680, %dma_start3A_692, %dma_start3A_693] : memref<8x128x64xf32, #tpu.memory_space<vmem>> -> memref<1x128x64xf32, #tpu.memory_space<vmem>>
      %dma_start3A_695 = tpu.memref_squeeze %dma_start3A_694 : memref<1x128x64xf32, #tpu.memory_space<vmem>> -> memref<128x64xf32, #tpu.memory_space<vmem>>
      tpu.enqueue_dma source(%dma_start3A_695 : memref<128x64xf32, #tpu.memory_space<vmem>>) target(%dma_start3A_691 : memref<128x64xf32, #tpu.memory_space<hbm>>) target_semaphore(%dma_start3A_689 : memref<!tpu.dma_semaphore, #tpu.memory_space<semaphore_mem>>)
      %sub3A_696 = arith.constant 3 : i32
      %sub3A_697 = arith.subi %add3A_616, %sub3A_696 : i32
      %ge3A_698 = arith.constant 0 : i32
      %ge3A_699 = arith.cmpi sge, %sub3A_697, %ge3A_698 : i32
      %add3A_700 = arith.constant 8 : i32
      %add3A_701 = arith.addi %sub3A_697, %add3A_700 : i32
      %lt3A_702 = arith.constant 200 : i32
      %lt3A_703 = arith.cmpi slt, %add3A_701, %lt3A_702 : i32
      %and3A_704 = arith.andi %ge3A_699, %lt3A_703 : i1
      %convert_element_type3A_705 = arith.extui %and3A_704 : i1 to i32
      %cond3A_706 = arith.constant 0 : i32
      %cond3A_707 = arith.cmpi ne, %convert_element_type3A_705, %cond3A_706 : i32
      scf.if %cond3A_707 {
        %mul3A_987 = arith.constant 128 : i32
        %mul3A_988 = arith.muli %sub3A_697, %mul3A_987 : i32
        %add3A_989 = arith.addi %mul3A_2, %mul3A_988 : i32
        %dma_wait3A_990 = arith.constant 1 : i32
        %dma_wait3A_991 = arith.constant 1 : i32
        %dma_wait3A_992 = arith.constant 0 : i32
        %dma_wait3A_993 = arith.constant 0 : i32
        %dma_wait3A_994 = tpu.memref_slice %arg8[%dma_wait3A_990, %dma_wait3A_992, %dma_wait3A_993] : memref<8x128x64xf32, #tpu.memory_space<vmem>> -> memref<1x128x64xf32, #tpu.memory_space<vmem>>
        %dma_wait3A_995 = tpu.memref_squeeze %dma_wait3A_994 : memref<1x128x64xf32, #tpu.memory_space<vmem>> -> memref<128x64xf32, #tpu.memory_space<vmem>>
        %dma_wait3A_996 = arith.constant 0 : i32
        %dma_wait3A_997 = tpu.memref_slice %arg5[%add3A_989, %dma_wait3A_996] : memref<819200x64xf32, #tpu.memory_space<hbm>> -> memref<128x64xf32, #tpu.memory_space<hbm>>
        %dma_wait3A_998 = tpu.memref_slice %arg10[%dma_wait3A_991] : memref<8x!tpu.dma_semaphore, #tpu.memory_space<semaphore_mem>> -> memref<1x!tpu.dma_semaphore, #tpu.memory_space<semaphore_mem>>
        %dma_wait3A_999 = tpu.memref_squeeze %dma_wait3A_998 : memref<1x!tpu.dma_semaphore, #tpu.memory_space<semaphore_mem>> -> memref<!tpu.dma_semaphore, #tpu.memory_space<semaphore_mem>>
        %dma_wait3A_1000 = arith.constant 0 : i32
        %dma_wait3A_1001 = tpu.memref_slice %arg5[%add3A_989, %dma_wait3A_1000] : memref<819200x64xf32, #tpu.memory_space<hbm>> -> memref<128x64xf32, #tpu.memory_space<hbm>>
        %dma_wait3A_1002 = arith.constant 0 : i32
        %dma_wait3A_1003 = arith.constant 0 : i32
        %dma_wait3A_1004 = tpu.memref_slice %arg8[%dma_wait3A_990, %dma_wait3A_1002, %dma_wait3A_1003] : memref<8x128x64xf32, #tpu.memory_space<vmem>> -> memref<1x128x64xf32, #tpu.memory_space<vmem>>
        %dma_wait3A_1005 = tpu.memref_squeeze %dma_wait3A_1004 : memref<1x128x64xf32, #tpu.memory_space<vmem>> -> memref<128x64xf32, #tpu.memory_space<vmem>>
        tpu.wait_dma2 semaphore(%dma_wait3A_999 : memref<!tpu.dma_semaphore, #tpu.memory_space<semaphore_mem>>) src(%dma_wait3A_1005 : memref<128x64xf32, #tpu.memory_space<vmem>>) dst(%dma_wait3A_1001 : memref<128x64xf32, #tpu.memory_space<hbm>>)
        %add3A_1006 = arith.constant 8 : i32
        %add3A_1007 = arith.addi %sub3A_697, %add3A_1006 : i32
        %mul3A_1008 = arith.constant 128 : i32
        %mul3A_1009 = arith.muli %add3A_1007, %mul3A_1008 : i32
        %dma_start3A_1010 = arith.constant 1 : i32
        %dma_start3A_1011 = arith.constant 1 : i32
        %dma_start3A_1012 = arith.constant 0 : i32
        %dma_start3A_1013 = arith.constant 0 : i32
        %dma_start3A_1014 = tpu.memref_slice %arg8[%dma_start3A_1010, %dma_start3A_1012, %dma_start3A_1013] : memref<8x128x64xf32, #tpu.memory_space<vmem>> -> memref<1x128x64xf32, #tpu.memory_space<vmem>>
        %dma_start3A_1015 = tpu.memref_squeeze %dma_start3A_1014 : memref<1x128x64xf32, #tpu.memory_space<vmem>> -> memref<128x64xf32, #tpu.memory_space<vmem>>
        %dma_start3A_1016 = tpu.memref_slice %arg6[%mul3A_1009] : memref<25600xi32, #tpu.memory_space<vmem>> -> memref<128xi32, #tpu.memory_space<vmem>>
        %dma_start3A_1017 = arith.constant 0 : i32
        %dma_start3A_1018 = arith.constant 0 : i32
        %dma_start3A_1019 = tpu.memref_slice %arg3[%dma_start3A_1017, %dma_start3A_1018] : memref<1000000x64xf32, #tpu.memory_space<hbm>> -> memref<1000000x64xf32, #tpu.memory_space<hbm>>
        %dma_start3A_1020 = tpu.memref_slice %arg9[%dma_start3A_1011] : memref<8x!tpu.dma_semaphore, #tpu.memory_space<semaphore_mem>> -> memref<1x!tpu.dma_semaphore, #tpu.memory_space<semaphore_mem>>
        %dma_start3A_1021 = tpu.memref_squeeze %dma_start3A_1020 : memref<1x!tpu.dma_semaphore, #tpu.memory_space<semaphore_mem>> -> memref<!tpu.dma_semaphore, #tpu.memory_space<semaphore_mem>>
        tpu.enqueue_indirect_dma source(%dma_start3A_1019 : memref<1000000x64xf32, #tpu.memory_space<hbm>>) target(%dma_start3A_1015 : memref<128x64xf32, #tpu.memory_space<vmem>>) offsets(%dma_start3A_1016 : memref<128xi32, #tpu.memory_space<vmem>>) semaphore(%dma_start3A_1021 : memref<!tpu.dma_semaphore, #tpu.memory_space<semaphore_mem>>)
      } else {
      }
      %add3A_708 = arith.constant 5 : i32
      %add3A_709 = arith.addi %mul3A_256, %add3A_708 : i32
      %mul3A_710 = arith.constant 128 : i32
      %mul3A_711 = arith.muli %add3A_709, %mul3A_710 : i32
      %dma_wait3A_712 = arith.constant 5 : i32
      %dma_wait3A_713 = arith.constant 5 : i32
      %dma_wait3A_714 = arith.constant 0 : i32
      %dma_wait3A_715 = arith.constant 0 : i32
      %dma_wait3A_716 = tpu.memref_slice %arg8[%dma_wait3A_712, %dma_wait3A_714, %dma_wait3A_715] : memref<8x128x64xf32, #tpu.memory_space<vmem>> -> memref<1x128x64xf32, #tpu.memory_space<vmem>>
      %dma_wait3A_717 = tpu.memref_squeeze %dma_wait3A_716 : memref<1x128x64xf32, #tpu.memory_space<vmem>> -> memref<128x64xf32, #tpu.memory_space<vmem>>
      %dma_wait3A_718 = tpu.memref_slice %arg6[%mul3A_711] : memref<25600xi32, #tpu.memory_space<vmem>> -> memref<128xi32, #tpu.memory_space<vmem>>
      %dma_wait3A_719 = arith.constant 0 : i32
      %dma_wait3A_720 = arith.constant 0 : i32
      %dma_wait3A_721 = tpu.memref_slice %arg3[%dma_wait3A_719, %dma_wait3A_720] : memref<1000000x64xf32, #tpu.memory_space<hbm>> -> memref<1000000x64xf32, #tpu.memory_space<hbm>>
      %dma_wait3A_722 = tpu.memref_slice %arg9[%dma_wait3A_713] : memref<8x!tpu.dma_semaphore, #tpu.memory_space<semaphore_mem>> -> memref<1x!tpu.dma_semaphore, #tpu.memory_space<semaphore_mem>>
      %dma_wait3A_723 = tpu.memref_squeeze %dma_wait3A_722 : memref<1x!tpu.dma_semaphore, #tpu.memory_space<semaphore_mem>> -> memref<!tpu.dma_semaphore, #tpu.memory_space<semaphore_mem>>
      tpu.wait_indirect_dma semaphore(%dma_wait3A_723 : memref<!tpu.dma_semaphore, #tpu.memory_space<semaphore_mem>>) src(%dma_wait3A_721 : memref<1000000x64xf32, #tpu.memory_space<hbm>>) dst(%dma_wait3A_717 : memref<128x64xf32, #tpu.memory_space<vmem>>)
      %mul3A_724 = arith.constant 128 : i32
      %mul3A_725 = arith.muli %add3A_709, %mul3A_724 : i32
      %add3A_726 = arith.addi %mul3A_2, %mul3A_725 : i32
      %jit3A_727 = arith.constant 4096 : i32
      %div3A_728 = arith.divsi %add3A_726, %jit3A_727 : i32
      %sign3A_729 = arith.constant 0 : i32
      %sign3A_730 = arith.cmpi sgt, %add3A_726, %sign3A_729 : i32
      %sign3A_731 = arith.extui %sign3A_730 : i1 to i32
      %sign3A_732 = arith.constant 0 : i32
      %sign3A_733 = arith.cmpi slt, %add3A_726, %sign3A_732 : i32
      %sign3A_734 = arith.extui %sign3A_733 : i1 to i32
      %sign3A_735 = arith.subi %sign3A_731, %sign3A_734 : i32
      %sign3A_736 = arith.constant 0 : i32
      %sign3A_737 = arith.cmpi sgt, %jit3A_727, %sign3A_736 : i32
      %sign3A_738 = arith.extui %sign3A_737 : i1 to i32
      %sign3A_739 = arith.constant 0 : i32
      %sign3A_740 = arith.cmpi slt, %jit3A_727, %sign3A_739 : i32
      %sign3A_741 = arith.extui %sign3A_740 : i1 to i32
      %sign3A_742 = arith.subi %sign3A_738, %sign3A_741 : i32
      %ne3A_743 = arith.cmpi ne, %sign3A_735, %sign3A_742 : i32
      %rem3A_744 = arith.remsi %add3A_726, %jit3A_727 : i32
      %ne3A_745 = arith.constant 0 : i32
      %ne3A_746 = arith.cmpi ne, %rem3A_744, %ne3A_745 : i32
      %and3A_747 = arith.andi %ne3A_743, %ne3A_746 : i1
      %sub3A_748 = arith.constant 1 : i32
      %sub3A_749 = arith.subi %div3A_728, %sub3A_748 : i32
      %select_n3A_750 = arith.select %and3A_747, %sub3A_749, %div3A_728 : i32
      %get3A_751 = arith.index_cast %select_n3A_750 : i32 to index
      %get3A_752 = arith.constant 0 : index
      %get3A_753 = tpu.vector_load %arg7[%get3A_751, %get3A_752] {strides = array<i32>} : memref<200x64xf32, #tpu.memory_space<vmem>>, vector<1x16xf32>,
      %get3A_754 = vector.shape_cast %get3A_753 : vector<1x16xf32> to vector<16xf32>
      %get3A_755 = arith.index_cast %select_n3A_750 : i32 to index
      %get3A_756 = arith.constant 16 : index
      %get3A_757 = tpu.vector_load %arg7[%get3A_755, %get3A_756] {strides = array<i32>} : memref<200x64xf32, #tpu.memory_space<vmem>>, vector<1x16xf32>,
      %get3A_758 = vector.shape_cast %get3A_757 : vector<1x16xf32> to vector<16xf32>
      %get3A_759 = arith.index_cast %select_n3A_750 : i32 to index
      %get3A_760 = arith.constant 32 : index
      %get3A_761 = tpu.vector_load %arg7[%get3A_759, %get3A_760] {strides = array<i32>} : memref<200x64xf32, #tpu.memory_space<vmem>>, vector<1x16xf32>,
      %get3A_762 = vector.shape_cast %get3A_761 : vector<1x16xf32> to vector<16xf32>
      %get3A_763 = arith.index_cast %select_n3A_750 : i32 to index
      %get3A_764 = arith.constant 48 : index
      %get3A_765 = tpu.vector_load %arg7[%get3A_763, %get3A_764] {strides = array<i32>} : memref<200x64xf32, #tpu.memory_space<vmem>>, vector<1x16xf32>,
      %get3A_766 = vector.shape_cast %get3A_765 : vector<1x16xf32> to vector<16xf32>
      %parallel_loop3A_767 = arith.constant 0 : i32
      %parallel_loop3A_768 = arith.constant 128 : i32
      %parallel_loop3A_769 = arith.constant 1 : i32
      scf.for %parallel_loop3A_987 = %parallel_loop3A_767 to %parallel_loop3A_768 step %parallel_loop3A_769  : i32 {
        %parallel_loop3A_988 = arith.constant 5 : i32
        %parallel_loop3A_989 = arith.index_cast %parallel_loop3A_988 : i32 to index
        %parallel_loop3A_990 = arith.index_cast %parallel_loop3A_987 : i32 to index
        %parallel_loop3A_991 = arith.constant 0 : index
        %parallel_loop3A_992 = tpu.vector_load %arg8[%parallel_loop3A_989, %parallel_loop3A_990, %parallel_loop3A_991] {strides = array<i32>} : memref<8x128x64xf32, #tpu.memory_space<vmem>>, vector<1x1x16xf32>,
        %parallel_loop3A_993 = vector.shape_cast %parallel_loop3A_992 : vector<1x1x16xf32> to vector<16xf32>
        %parallel_loop3A_994 = vector.shape_cast %get3A_754 : vector<16xf32> to vector<1x1x16xf32>
        tpu.vector_store %arg8[%parallel_loop3A_989, %parallel_loop3A_990, %parallel_loop3A_991], %parallel_loop3A_994 {add = true, strides = array<i32>} : memref<8x128x64xf32, #tpu.memory_space<vmem>>, vector<1x1x16xf32>,
        %parallel_loop3A_995 = arith.constant 5 : i32
        %parallel_loop3A_996 = arith.index_cast %parallel_loop3A_995 : i32 to index
        %parallel_loop3A_997 = arith.index_cast %parallel_loop3A_987 : i32 to index
        %parallel_loop3A_998 = arith.constant 16 : index
        %parallel_loop3A_999 = tpu.vector_load %arg8[%parallel_loop3A_996, %parallel_loop3A_997, %parallel_loop3A_998] {strides = array<i32>} : memref<8x128x64xf32, #tpu.memory_space<vmem>>, vector<1x1x16xf32>,
        %parallel_loop3A_1000 = vector.shape_cast %parallel_loop3A_999 : vector<1x1x16xf32> to vector<16xf32>
        %parallel_loop3A_1001 = vector.shape_cast %get3A_758 : vector<16xf32> to vector<1x1x16xf32>
        tpu.vector_store %arg8[%parallel_loop3A_996, %parallel_loop3A_997, %parallel_loop3A_998], %parallel_loop3A_1001 {add = true, strides = array<i32>} : memref<8x128x64xf32, #tpu.memory_space<vmem>>, vector<1x1x16xf32>,
        %parallel_loop3A_1002 = arith.constant 5 : i32
        %parallel_loop3A_1003 = arith.index_cast %parallel_loop3A_1002 : i32 to index
        %parallel_loop3A_1004 = arith.index_cast %parallel_loop3A_987 : i32 to index
        %parallel_loop3A_1005 = arith.constant 32 : index
        %parallel_loop3A_1006 = tpu.vector_load %arg8[%parallel_loop3A_1003, %parallel_loop3A_1004, %parallel_loop3A_1005] {strides = array<i32>} : memref<8x128x64xf32, #tpu.memory_space<vmem>>, vector<1x1x16xf32>,
        %parallel_loop3A_1007 = vector.shape_cast %parallel_loop3A_1006 : vector<1x1x16xf32> to vector<16xf32>
        %parallel_loop3A_1008 = vector.shape_cast %get3A_762 : vector<16xf32> to vector<1x1x16xf32>
        tpu.vector_store %arg8[%parallel_loop3A_1003, %parallel_loop3A_1004, %parallel_loop3A_1005], %parallel_loop3A_1008 {add = true, strides = array<i32>} : memref<8x128x64xf32, #tpu.memory_space<vmem>>, vector<1x1x16xf32>,
        %parallel_loop3A_1009 = arith.constant 5 : i32
        %parallel_loop3A_1010 = arith.index_cast %parallel_loop3A_1009 : i32 to index
        %parallel_loop3A_1011 = arith.index_cast %parallel_loop3A_987 : i32 to index
        %parallel_loop3A_1012 = arith.constant 48 : index
        %parallel_loop3A_1013 = tpu.vector_load %arg8[%parallel_loop3A_1010, %parallel_loop3A_1011, %parallel_loop3A_1012] {strides = array<i32>} : memref<8x128x64xf32, #tpu.memory_space<vmem>>, vector<1x1x16xf32>,
        %parallel_loop3A_1014 = vector.shape_cast %parallel_loop3A_1013 : vector<1x1x16xf32> to vector<16xf32>
        %parallel_loop3A_1015 = vector.shape_cast %get3A_766 : vector<16xf32> to vector<1x1x16xf32>
        tpu.vector_store %arg8[%parallel_loop3A_1010, %parallel_loop3A_1011, %parallel_loop3A_1012], %parallel_loop3A_1015 {add = true, strides = array<i32>} : memref<8x128x64xf32, #tpu.memory_space<vmem>>, vector<1x1x16xf32>,
      } {sc.loop_unroll_factor = 4 : i64, sc.parallel_access}
      %mul3A_770 = arith.constant 128 : i32
      %mul3A_771 = arith.muli %add3A_709, %mul3A_770 : i32
      %add3A_772 = arith.addi %mul3A_2, %mul3A_771 : i32
      %dma_start3A_773 = arith.constant 5 : i32
      %dma_start3A_774 = arith.constant 5 : i32
      %dma_start3A_775 = arith.constant 0 : i32
      %dma_start3A_776 = arith.constant 0 : i32
      %dma_start3A_777 = tpu.memref_slice %arg8[%dma_start3A_773, %dma_start3A_775, %dma_start3A_776] : memref<8x128x64xf32, #tpu.memory_space<vmem>> -> memref<1x128x64xf32, #tpu.memory_space<vmem>>
      %dma_start3A_778 = tpu.memref_squeeze %dma_start3A_777 : memref<1x128x64xf32, #tpu.memory_space<vmem>> -> memref<128x64xf32, #tpu.memory_space<vmem>>
      %dma_start3A_779 = arith.constant 0 : i32
      %dma_start3A_780 = tpu.memref_slice %arg5[%add3A_772, %dma_start3A_779] : memref<819200x64xf32, #tpu.memory_space<hbm>> -> memref<128x64xf32, #tpu.memory_space<hbm>>
      %dma_start3A_781 = tpu.memref_slice %arg10[%dma_start3A_774] : memref<8x!tpu.dma_semaphore, #tpu.memory_space<semaphore_mem>> -> memref<1x!tpu.dma_semaphore, #tpu.memory_space<semaphore_mem>>
      %dma_start3A_782 = tpu.memref_squeeze %dma_start3A_781 : memref<1x!tpu.dma_semaphore, #tpu.memory_space<semaphore_mem>> -> memref<!tpu.dma_semaphore, #tpu.memory_space<semaphore_mem>>
      %dma_start3A_783 = arith.constant 0 : i32
      %dma_start3A_784 = tpu.memref_slice %arg5[%add3A_772, %dma_start3A_783] : memref<819200x64xf32, #tpu.memory_space<hbm>> -> memref<128x64xf32, #tpu.memory_space<hbm>>
      %dma_start3A_785 = arith.constant 0 : i32
      %dma_start3A_786 = arith.constant 0 : i32
      %dma_start3A_787 = tpu.memref_slice %arg8[%dma_start3A_773, %dma_start3A_785, %dma_start3A_786] : memref<8x128x64xf32, #tpu.memory_space<vmem>> -> memref<1x128x64xf32, #tpu.memory_space<vmem>>
      %dma_start3A_788 = tpu.memref_squeeze %dma_start3A_787 : memref<1x128x64xf32, #tpu.memory_space<vmem>> -> memref<128x64xf32, #tpu.memory_space<vmem>>
      tpu.enqueue_dma source(%dma_start3A_788 : memref<128x64xf32, #tpu.memory_space<vmem>>) target(%dma_start3A_784 : memref<128x64xf32, #tpu.memory_space<hbm>>) target_semaphore(%dma_start3A_782 : memref<!tpu.dma_semaphore, #tpu.memory_space<semaphore_mem>>)
      %sub3A_789 = arith.constant 3 : i32
      %sub3A_790 = arith.subi %add3A_709, %sub3A_789 : i32
      %ge3A_791 = arith.constant 0 : i32
      %ge3A_792 = arith.cmpi sge, %sub3A_790, %ge3A_791 : i32
      %add3A_793 = arith.constant 8 : i32
      %add3A_794 = arith.addi %sub3A_790, %add3A_793 : i32
      %lt3A_795 = arith.constant 200 : i32
      %lt3A_796 = arith.cmpi slt, %add3A_794, %lt3A_795 : i32
      %and3A_797 = arith.andi %ge3A_792, %lt3A_796 : i1
      %convert_element_type3A_798 = arith.extui %and3A_797 : i1 to i32
      %cond3A_799 = arith.constant 0 : i32
      %cond3A_800 = arith.cmpi ne, %convert_element_type3A_798, %cond3A_799 : i32
      scf.if %cond3A_800 {
        %mul3A_987 = arith.constant 128 : i32
        %mul3A_988 = arith.muli %sub3A_790, %mul3A_987 : i32
        %add3A_989 = arith.addi %mul3A_2, %mul3A_988 : i32
        %dma_wait3A_990 = arith.constant 2 : i32
        %dma_wait3A_991 = arith.constant 2 : i32
        %dma_wait3A_992 = arith.constant 0 : i32
        %dma_wait3A_993 = arith.constant 0 : i32
        %dma_wait3A_994 = tpu.memref_slice %arg8[%dma_wait3A_990, %dma_wait3A_992, %dma_wait3A_993] : memref<8x128x64xf32, #tpu.memory_space<vmem>> -> memref<1x128x64xf32, #tpu.memory_space<vmem>>
        %dma_wait3A_995 = tpu.memref_squeeze %dma_wait3A_994 : memref<1x128x64xf32, #tpu.memory_space<vmem>> -> memref<128x64xf32, #tpu.memory_space<vmem>>
        %dma_wait3A_996 = arith.constant 0 : i32
        %dma_wait3A_997 = tpu.memref_slice %arg5[%add3A_989, %dma_wait3A_996] : memref<819200x64xf32, #tpu.memory_space<hbm>> -> memref<128x64xf32, #tpu.memory_space<hbm>>
        %dma_wait3A_998 = tpu.memref_slice %arg10[%dma_wait3A_991] : memref<8x!tpu.dma_semaphore, #tpu.memory_space<semaphore_mem>> -> memref<1x!tpu.dma_semaphore, #tpu.memory_space<semaphore_mem>>
        %dma_wait3A_999 = tpu.memref_squeeze %dma_wait3A_998 : memref<1x!tpu.dma_semaphore, #tpu.memory_space<semaphore_mem>> -> memref<!tpu.dma_semaphore, #tpu.memory_space<semaphore_mem>>
        %dma_wait3A_1000 = arith.constant 0 : i32
        %dma_wait3A_1001 = tpu.memref_slice %arg5[%add3A_989, %dma_wait3A_1000] : memref<819200x64xf32, #tpu.memory_space<hbm>> -> memref<128x64xf32, #tpu.memory_space<hbm>>
        %dma_wait3A_1002 = arith.constant 0 : i32
        %dma_wait3A_1003 = arith.constant 0 : i32
        %dma_wait3A_1004 = tpu.memref_slice %arg8[%dma_wait3A_990, %dma_wait3A_1002, %dma_wait3A_1003] : memref<8x128x64xf32, #tpu.memory_space<vmem>> -> memref<1x128x64xf32, #tpu.memory_space<vmem>>
        %dma_wait3A_1005 = tpu.memref_squeeze %dma_wait3A_1004 : memref<1x128x64xf32, #tpu.memory_space<vmem>> -> memref<128x64xf32, #tpu.memory_space<vmem>>
        tpu.wait_dma2 semaphore(%dma_wait3A_999 : memref<!tpu.dma_semaphore, #tpu.memory_space<semaphore_mem>>) src(%dma_wait3A_1005 : memref<128x64xf32, #tpu.memory_space<vmem>>) dst(%dma_wait3A_1001 : memref<128x64xf32, #tpu.memory_space<hbm>>)
        %add3A_1006 = arith.constant 8 : i32
        %add3A_1007 = arith.addi %sub3A_790, %add3A_1006 : i32
        %mul3A_1008 = arith.constant 128 : i32
        %mul3A_1009 = arith.muli %add3A_1007, %mul3A_1008 : i32
        %dma_start3A_1010 = arith.constant 2 : i32
        %dma_start3A_1011 = arith.constant 2 : i32
        %dma_start3A_1012 = arith.constant 0 : i32
        %dma_start3A_1013 = arith.constant 0 : i32
        %dma_start3A_1014 = tpu.memref_slice %arg8[%dma_start3A_1010, %dma_start3A_1012, %dma_start3A_1013] : memref<8x128x64xf32, #tpu.memory_space<vmem>> -> memref<1x128x64xf32, #tpu.memory_space<vmem>>
        %dma_start3A_1015 = tpu.memref_squeeze %dma_start3A_1014 : memref<1x128x64xf32, #tpu.memory_space<vmem>> -> memref<128x64xf32, #tpu.memory_space<vmem>>
        %dma_start3A_1016 = tpu.memref_slice %arg6[%mul3A_1009] : memref<25600xi32, #tpu.memory_space<vmem>> -> memref<128xi32, #tpu.memory_space<vmem>>
        %dma_start3A_1017 = arith.constant 0 : i32
        %dma_start3A_1018 = arith.constant 0 : i32
        %dma_start3A_1019 = tpu.memref_slice %arg3[%dma_start3A_1017, %dma_start3A_1018] : memref<1000000x64xf32, #tpu.memory_space<hbm>> -> memref<1000000x64xf32, #tpu.memory_space<hbm>>
        %dma_start3A_1020 = tpu.memref_slice %arg9[%dma_start3A_1011] : memref<8x!tpu.dma_semaphore, #tpu.memory_space<semaphore_mem>> -> memref<1x!tpu.dma_semaphore, #tpu.memory_space<semaphore_mem>>
        %dma_start3A_1021 = tpu.memref_squeeze %dma_start3A_1020 : memref<1x!tpu.dma_semaphore, #tpu.memory_space<semaphore_mem>> -> memref<!tpu.dma_semaphore, #tpu.memory_space<semaphore_mem>>
        tpu.enqueue_indirect_dma source(%dma_start3A_1019 : memref<1000000x64xf32, #tpu.memory_space<hbm>>) target(%dma_start3A_1015 : memref<128x64xf32, #tpu.memory_space<vmem>>) offsets(%dma_start3A_1016 : memref<128xi32, #tpu.memory_space<vmem>>) semaphore(%dma_start3A_1021 : memref<!tpu.dma_semaphore, #tpu.memory_space<semaphore_mem>>)
      } else {
      }
      %add3A_801 = arith.constant 6 : i32
      %add3A_802 = arith.addi %mul3A_256, %add3A_801 : i32
      %mul3A_803 = arith.constant 128 : i32
      %mul3A_804 = arith.muli %add3A_802, %mul3A_803 : i32
      %dma_wait3A_805 = arith.constant 6 : i32
      %dma_wait3A_806 = arith.constant 6 : i32
      %dma_wait3A_807 = arith.constant 0 : i32
      %dma_wait3A_808 = arith.constant 0 : i32
      %dma_wait3A_809 = tpu.memref_slice %arg8[%dma_wait3A_805, %dma_wait3A_807, %dma_wait3A_808] : memref<8x128x64xf32, #tpu.memory_space<vmem>> -> memref<1x128x64xf32, #tpu.memory_space<vmem>>
      %dma_wait3A_810 = tpu.memref_squeeze %dma_wait3A_809 : memref<1x128x64xf32, #tpu.memory_space<vmem>> -> memref<128x64xf32, #tpu.memory_space<vmem>>
      %dma_wait3A_811 = tpu.memref_slice %arg6[%mul3A_804] : memref<25600xi32, #tpu.memory_space<vmem>> -> memref<128xi32, #tpu.memory_space<vmem>>
      %dma_wait3A_812 = arith.constant 0 : i32
      %dma_wait3A_813 = arith.constant 0 : i32
      %dma_wait3A_814 = tpu.memref_slice %arg3[%dma_wait3A_812, %dma_wait3A_813] : memref<1000000x64xf32, #tpu.memory_space<hbm>> -> memref<1000000x64xf32, #tpu.memory_space<hbm>>
      %dma_wait3A_815 = tpu.memref_slice %arg9[%dma_wait3A_806] : memref<8x!tpu.dma_semaphore, #tpu.memory_space<semaphore_mem>> -> memref<1x!tpu.dma_semaphore, #tpu.memory_space<semaphore_mem>>
      %dma_wait3A_816 = tpu.memref_squeeze %dma_wait3A_815 : memref<1x!tpu.dma_semaphore, #tpu.memory_space<semaphore_mem>> -> memref<!tpu.dma_semaphore, #tpu.memory_space<semaphore_mem>>
      tpu.wait_indirect_dma semaphore(%dma_wait3A_816 : memref<!tpu.dma_semaphore, #tpu.memory_space<semaphore_mem>>) src(%dma_wait3A_814 : memref<1000000x64xf32, #tpu.memory_space<hbm>>) dst(%dma_wait3A_810 : memref<128x64xf32, #tpu.memory_space<vmem>>)
      %mul3A_817 = arith.constant 128 : i32
      %mul3A_818 = arith.muli %add3A_802, %mul3A_817 : i32
      %add3A_819 = arith.addi %mul3A_2, %mul3A_818 : i32
      %jit3A_820 = arith.constant 4096 : i32
      %div3A_821 = arith.divsi %add3A_819, %jit3A_820 : i32
      %sign3A_822 = arith.constant 0 : i32
      %sign3A_823 = arith.cmpi sgt, %add3A_819, %sign3A_822 : i32
      %sign3A_824 = arith.extui %sign3A_823 : i1 to i32
      %sign3A_825 = arith.constant 0 : i32
      %sign3A_826 = arith.cmpi slt, %add3A_819, %sign3A_825 : i32
      %sign3A_827 = arith.extui %sign3A_826 : i1 to i32
      %sign3A_828 = arith.subi %sign3A_824, %sign3A_827 : i32
      %sign3A_829 = arith.constant 0 : i32
      %sign3A_830 = arith.cmpi sgt, %jit3A_820, %sign3A_829 : i32
      %sign3A_831 = arith.extui %sign3A_830 : i1 to i32
      %sign3A_832 = arith.constant 0 : i32
      %sign3A_833 = arith.cmpi slt, %jit3A_820, %sign3A_832 : i32
      %sign3A_834 = arith.extui %sign3A_833 : i1 to i32
      %sign3A_835 = arith.subi %sign3A_831, %sign3A_834 : i32
      %ne3A_836 = arith.cmpi ne, %sign3A_828, %sign3A_835 : i32
      %rem3A_837 = arith.remsi %add3A_819, %jit3A_820 : i32
      %ne3A_838 = arith.constant 0 : i32
      %ne3A_839 = arith.cmpi ne, %rem3A_837, %ne3A_838 : i32
      %and3A_840 = arith.andi %ne3A_836, %ne3A_839 : i1
      %sub3A_841 = arith.constant 1 : i32
      %sub3A_842 = arith.subi %div3A_821, %sub3A_841 : i32
      %select_n3A_843 = arith.select %and3A_840, %sub3A_842, %div3A_821 : i32
      %get3A_844 = arith.index_cast %select_n3A_843 : i32 to index
      %get3A_845 = arith.constant 0 : index
      %get3A_846 = tpu.vector_load %arg7[%get3A_844, %get3A_845] {strides = array<i32>} : memref<200x64xf32, #tpu.memory_space<vmem>>, vector<1x16xf32>,
      %get3A_847 = vector.shape_cast %get3A_846 : vector<1x16xf32> to vector<16xf32>
      %get3A_848 = arith.index_cast %select_n3A_843 : i32 to index
      %get3A_849 = arith.constant 16 : index
      %get3A_850 = tpu.vector_load %arg7[%get3A_848, %get3A_849] {strides = array<i32>} : memref<200x64xf32, #tpu.memory_space<vmem>>, vector<1x16xf32>,
      %get3A_851 = vector.shape_cast %get3A_850 : vector<1x16xf32> to vector<16xf32>
      %get3A_852 = arith.index_cast %select_n3A_843 : i32 to index
      %get3A_853 = arith.constant 32 : index
      %get3A_854 = tpu.vector_load %arg7[%get3A_852, %get3A_853] {strides = array<i32>} : memref<200x64xf32, #tpu.memory_space<vmem>>, vector<1x16xf32>,
      %get3A_855 = vector.shape_cast %get3A_854 : vector<1x16xf32> to vector<16xf32>
      %get3A_856 = arith.index_cast %select_n3A_843 : i32 to index
      %get3A_857 = arith.constant 48 : index
      %get3A_858 = tpu.vector_load %arg7[%get3A_856, %get3A_857] {strides = array<i32>} : memref<200x64xf32, #tpu.memory_space<vmem>>, vector<1x16xf32>,
      %get3A_859 = vector.shape_cast %get3A_858 : vector<1x16xf32> to vector<16xf32>
      %parallel_loop3A_860 = arith.constant 0 : i32
      %parallel_loop3A_861 = arith.constant 128 : i32
      %parallel_loop3A_862 = arith.constant 1 : i32
      scf.for %parallel_loop3A_987 = %parallel_loop3A_860 to %parallel_loop3A_861 step %parallel_loop3A_862  : i32 {
        %parallel_loop3A_988 = arith.constant 6 : i32
        %parallel_loop3A_989 = arith.index_cast %parallel_loop3A_988 : i32 to index
        %parallel_loop3A_990 = arith.index_cast %parallel_loop3A_987 : i32 to index
        %parallel_loop3A_991 = arith.constant 0 : index
        %parallel_loop3A_992 = tpu.vector_load %arg8[%parallel_loop3A_989, %parallel_loop3A_990, %parallel_loop3A_991] {strides = array<i32>} : memref<8x128x64xf32, #tpu.memory_space<vmem>>, vector<1x1x16xf32>,
        %parallel_loop3A_993 = vector.shape_cast %parallel_loop3A_992 : vector<1x1x16xf32> to vector<16xf32>
        %parallel_loop3A_994 = vector.shape_cast %get3A_847 : vector<16xf32> to vector<1x1x16xf32>
        tpu.vector_store %arg8[%parallel_loop3A_989, %parallel_loop3A_990, %parallel_loop3A_991], %parallel_loop3A_994 {add = true, strides = array<i32>} : memref<8x128x64xf32, #tpu.memory_space<vmem>>, vector<1x1x16xf32>,
        %parallel_loop3A_995 = arith.constant 6 : i32
        %parallel_loop3A_996 = arith.index_cast %parallel_loop3A_995 : i32 to index
        %parallel_loop3A_997 = arith.index_cast %parallel_loop3A_987 : i32 to index
        %parallel_loop3A_998 = arith.constant 16 : index
        %parallel_loop3A_999 = tpu.vector_load %arg8[%parallel_loop3A_996, %parallel_loop3A_997, %parallel_loop3A_998] {strides = array<i32>} : memref<8x128x64xf32, #tpu.memory_space<vmem>>, vector<1x1x16xf32>,
        %parallel_loop3A_1000 = vector.shape_cast %parallel_loop3A_999 : vector<1x1x16xf32> to vector<16xf32>
        %parallel_loop3A_1001 = vector.shape_cast %get3A_851 : vector<16xf32> to vector<1x1x16xf32>
        tpu.vector_store %arg8[%parallel_loop3A_996, %parallel_loop3A_997, %parallel_loop3A_998], %parallel_loop3A_1001 {add = true, strides = array<i32>} : memref<8x128x64xf32, #tpu.memory_space<vmem>>, vector<1x1x16xf32>,
        %parallel_loop3A_1002 = arith.constant 6 : i32
        %parallel_loop3A_1003 = arith.index_cast %parallel_loop3A_1002 : i32 to index
        %parallel_loop3A_1004 = arith.index_cast %parallel_loop3A_987 : i32 to index
        %parallel_loop3A_1005 = arith.constant 32 : index
        %parallel_loop3A_1006 = tpu.vector_load %arg8[%parallel_loop3A_1003, %parallel_loop3A_1004, %parallel_loop3A_1005] {strides = array<i32>} : memref<8x128x64xf32, #tpu.memory_space<vmem>>, vector<1x1x16xf32>,
        %parallel_loop3A_1007 = vector.shape_cast %parallel_loop3A_1006 : vector<1x1x16xf32> to vector<16xf32>
        %parallel_loop3A_1008 = vector.shape_cast %get3A_855 : vector<16xf32> to vector<1x1x16xf32>
        tpu.vector_store %arg8[%parallel_loop3A_1003, %parallel_loop3A_1004, %parallel_loop3A_1005], %parallel_loop3A_1008 {add = true, strides = array<i32>} : memref<8x128x64xf32, #tpu.memory_space<vmem>>, vector<1x1x16xf32>,
        %parallel_loop3A_1009 = arith.constant 6 : i32
        %parallel_loop3A_1010 = arith.index_cast %parallel_loop3A_1009 : i32 to index
        %parallel_loop3A_1011 = arith.index_cast %parallel_loop3A_987 : i32 to index
        %parallel_loop3A_1012 = arith.constant 48 : index
        %parallel_loop3A_1013 = tpu.vector_load %arg8[%parallel_loop3A_1010, %parallel_loop3A_1011, %parallel_loop3A_1012] {strides = array<i32>} : memref<8x128x64xf32, #tpu.memory_space<vmem>>, vector<1x1x16xf32>,
        %parallel_loop3A_1014 = vector.shape_cast %parallel_loop3A_1013 : vector<1x1x16xf32> to vector<16xf32>
        %parallel_loop3A_1015 = vector.shape_cast %get3A_859 : vector<16xf32> to vector<1x1x16xf32>
        tpu.vector_store %arg8[%parallel_loop3A_1010, %parallel_loop3A_1011, %parallel_loop3A_1012], %parallel_loop3A_1015 {add = true, strides = array<i32>} : memref<8x128x64xf32, #tpu.memory_space<vmem>>, vector<1x1x16xf32>,
      } {sc.loop_unroll_factor = 4 : i64, sc.parallel_access}
      %mul3A_863 = arith.constant 128 : i32
      %mul3A_864 = arith.muli %add3A_802, %mul3A_863 : i32
      %add3A_865 = arith.addi %mul3A_2, %mul3A_864 : i32
      %dma_start3A_866 = arith.constant 6 : i32
      %dma_start3A_867 = arith.constant 6 : i32
      %dma_start3A_868 = arith.constant 0 : i32
      %dma_start3A_869 = arith.constant 0 : i32
      %dma_start3A_870 = tpu.memref_slice %arg8[%dma_start3A_866, %dma_start3A_868, %dma_start3A_869] : memref<8x128x64xf32, #tpu.memory_space<vmem>> -> memref<1x128x64xf32, #tpu.memory_space<vmem>>
      %dma_start3A_871 = tpu.memref_squeeze %dma_start3A_870 : memref<1x128x64xf32, #tpu.memory_space<vmem>> -> memref<128x64xf32, #tpu.memory_space<vmem>>
      %dma_start3A_872 = arith.constant 0 : i32
      %dma_start3A_873 = tpu.memref_slice %arg5[%add3A_865, %dma_start3A_872] : memref<819200x64xf32, #tpu.memory_space<hbm>> -> memref<128x64xf32, #tpu.memory_space<hbm>>
      %dma_start3A_874 = tpu.memref_slice %arg10[%dma_start3A_867] : memref<8x!tpu.dma_semaphore, #tpu.memory_space<semaphore_mem>> -> memref<1x!tpu.dma_semaphore, #tpu.memory_space<semaphore_mem>>
      %dma_start3A_875 = tpu.memref_squeeze %dma_start3A_874 : memref<1x!tpu.dma_semaphore, #tpu.memory_space<semaphore_mem>> -> memref<!tpu.dma_semaphore, #tpu.memory_space<semaphore_mem>>
      %dma_start3A_876 = arith.constant 0 : i32
      %dma_start3A_877 = tpu.memref_slice %arg5[%add3A_865, %dma_start3A_876] : memref<819200x64xf32, #tpu.memory_space<hbm>> -> memref<128x64xf32, #tpu.memory_space<hbm>>
      %dma_start3A_878 = arith.constant 0 : i32
      %dma_start3A_879 = arith.constant 0 : i32
      %dma_start3A_880 = tpu.memref_slice %arg8[%dma_start3A_866, %dma_start3A_878, %dma_start3A_879] : memref<8x128x64xf32, #tpu.memory_space<vmem>> -> memref<1x128x64xf32, #tpu.memory_space<vmem>>
      %dma_start3A_881 = tpu.memref_squeeze %dma_start3A_880 : memref<1x128x64xf32, #tpu.memory_space<vmem>> -> memref<128x64xf32, #tpu.memory_space<vmem>>
      tpu.enqueue_dma source(%dma_start3A_881 : memref<128x64xf32, #tpu.memory_space<vmem>>) target(%dma_start3A_877 : memref<128x64xf32, #tpu.memory_space<hbm>>) target_semaphore(%dma_start3A_875 : memref<!tpu.dma_semaphore, #tpu.memory_space<semaphore_mem>>)
      %sub3A_882 = arith.constant 3 : i32
      %sub3A_883 = arith.subi %add3A_802, %sub3A_882 : i32
      %ge3A_884 = arith.constant 0 : i32
      %ge3A_885 = arith.cmpi sge, %sub3A_883, %ge3A_884 : i32
      %add3A_886 = arith.constant 8 : i32
      %add3A_887 = arith.addi %sub3A_883, %add3A_886 : i32
      %lt3A_888 = arith.constant 200 : i32
      %lt3A_889 = arith.cmpi slt, %add3A_887, %lt3A_888 : i32
      %and3A_890 = arith.andi %ge3A_885, %lt3A_889 : i1
      %convert_element_type3A_891 = arith.extui %and3A_890 : i1 to i32
      %cond3A_892 = arith.constant 0 : i32
      %cond3A_893 = arith.cmpi ne, %convert_element_type3A_891, %cond3A_892 : i32
      scf.if %cond3A_893 {
        %mul3A_987 = arith.constant 128 : i32
        %mul3A_988 = arith.muli %sub3A_883, %mul3A_987 : i32
        %add3A_989 = arith.addi %mul3A_2, %mul3A_988 : i32
        %dma_wait3A_990 = arith.constant 3 : i32
        %dma_wait3A_991 = arith.constant 3 : i32
        %dma_wait3A_992 = arith.constant 0 : i32
        %dma_wait3A_993 = arith.constant 0 : i32
        %dma_wait3A_994 = tpu.memref_slice %arg8[%dma_wait3A_990, %dma_wait3A_992, %dma_wait3A_993] : memref<8x128x64xf32, #tpu.memory_space<vmem>> -> memref<1x128x64xf32, #tpu.memory_space<vmem>>
        %dma_wait3A_995 = tpu.memref_squeeze %dma_wait3A_994 : memref<1x128x64xf32, #tpu.memory_space<vmem>> -> memref<128x64xf32, #tpu.memory_space<vmem>>
        %dma_wait3A_996 = arith.constant 0 : i32
        %dma_wait3A_997 = tpu.memref_slice %arg5[%add3A_989, %dma_wait3A_996] : memref<819200x64xf32, #tpu.memory_space<hbm>> -> memref<128x64xf32, #tpu.memory_space<hbm>>
        %dma_wait3A_998 = tpu.memref_slice %arg10[%dma_wait3A_991] : memref<8x!tpu.dma_semaphore, #tpu.memory_space<semaphore_mem>> -> memref<1x!tpu.dma_semaphore, #tpu.memory_space<semaphore_mem>>
        %dma_wait3A_999 = tpu.memref_squeeze %dma_wait3A_998 : memref<1x!tpu.dma_semaphore, #tpu.memory_space<semaphore_mem>> -> memref<!tpu.dma_semaphore, #tpu.memory_space<semaphore_mem>>
        %dma_wait3A_1000 = arith.constant 0 : i32
        %dma_wait3A_1001 = tpu.memref_slice %arg5[%add3A_989, %dma_wait3A_1000] : memref<819200x64xf32, #tpu.memory_space<hbm>> -> memref<128x64xf32, #tpu.memory_space<hbm>>
        %dma_wait3A_1002 = arith.constant 0 : i32
        %dma_wait3A_1003 = arith.constant 0 : i32
        %dma_wait3A_1004 = tpu.memref_slice %arg8[%dma_wait3A_990, %dma_wait3A_1002, %dma_wait3A_1003] : memref<8x128x64xf32, #tpu.memory_space<vmem>> -> memref<1x128x64xf32, #tpu.memory_space<vmem>>
        %dma_wait3A_1005 = tpu.memref_squeeze %dma_wait3A_1004 : memref<1x128x64xf32, #tpu.memory_space<vmem>> -> memref<128x64xf32, #tpu.memory_space<vmem>>
        tpu.wait_dma2 semaphore(%dma_wait3A_999 : memref<!tpu.dma_semaphore, #tpu.memory_space<semaphore_mem>>) src(%dma_wait3A_1005 : memref<128x64xf32, #tpu.memory_space<vmem>>) dst(%dma_wait3A_1001 : memref<128x64xf32, #tpu.memory_space<hbm>>)
        %add3A_1006 = arith.constant 8 : i32
        %add3A_1007 = arith.addi %sub3A_883, %add3A_1006 : i32
        %mul3A_1008 = arith.constant 128 : i32
        %mul3A_1009 = arith.muli %add3A_1007, %mul3A_1008 : i32
        %dma_start3A_1010 = arith.constant 3 : i32
        %dma_start3A_1011 = arith.constant 3 : i32
        %dma_start3A_1012 = arith.constant 0 : i32
        %dma_start3A_1013 = arith.constant 0 : i32
        %dma_start3A_1014 = tpu.memref_slice %arg8[%dma_start3A_1010, %dma_start3A_1012, %dma_start3A_1013] : memref<8x128x64xf32, #tpu.memory_space<vmem>> -> memref<1x128x64xf32, #tpu.memory_space<vmem>>
        %dma_start3A_1015 = tpu.memref_squeeze %dma_start3A_1014 : memref<1x128x64xf32, #tpu.memory_space<vmem>> -> memref<128x64xf32, #tpu.memory_space<vmem>>
        %dma_start3A_1016 = tpu.memref_slice %arg6[%mul3A_1009] : memref<25600xi32, #tpu.memory_space<vmem>> -> memref<128xi32, #tpu.memory_space<vmem>>
        %dma_start3A_1017 = arith.constant 0 : i32
        %dma_start3A_1018 = arith.constant 0 : i32
        %dma_start3A_1019 = tpu.memref_slice %arg3[%dma_start3A_1017, %dma_start3A_1018] : memref<1000000x64xf32, #tpu.memory_space<hbm>> -> memref<1000000x64xf32, #tpu.memory_space<hbm>>
        %dma_start3A_1020 = tpu.memref_slice %arg9[%dma_start3A_1011] : memref<8x!tpu.dma_semaphore, #tpu.memory_space<semaphore_mem>> -> memref<1x!tpu.dma_semaphore, #tpu.memory_space<semaphore_mem>>
        %dma_start3A_1021 = tpu.memref_squeeze %dma_start3A_1020 : memref<1x!tpu.dma_semaphore, #tpu.memory_space<semaphore_mem>> -> memref<!tpu.dma_semaphore, #tpu.memory_space<semaphore_mem>>
        tpu.enqueue_indirect_dma source(%dma_start3A_1019 : memref<1000000x64xf32, #tpu.memory_space<hbm>>) target(%dma_start3A_1015 : memref<128x64xf32, #tpu.memory_space<vmem>>) offsets(%dma_start3A_1016 : memref<128xi32, #tpu.memory_space<vmem>>) semaphore(%dma_start3A_1021 : memref<!tpu.dma_semaphore, #tpu.memory_space<semaphore_mem>>)
      } else {
      }
      %add3A_894 = arith.constant 7 : i32
      %add3A_895 = arith.addi %mul3A_256, %add3A_894 : i32
      %mul3A_896 = arith.constant 128 : i32
      %mul3A_897 = arith.muli %add3A_895, %mul3A_896 : i32
      %dma_wait3A_898 = arith.constant 7 : i32
      %dma_wait3A_899 = arith.constant 7 : i32
      %dma_wait3A_900 = arith.constant 0 : i32
      %dma_wait3A_901 = arith.constant 0 : i32
      %dma_wait3A_902 = tpu.memref_slice %arg8[%dma_wait3A_898, %dma_wait3A_900, %dma_wait3A_901] : memref<8x128x64xf32, #tpu.memory_space<vmem>> -> memref<1x128x64xf32, #tpu.memory_space<vmem>>
      %dma_wait3A_903 = tpu.memref_squeeze %dma_wait3A_902 : memref<1x128x64xf32, #tpu.memory_space<vmem>> -> memref<128x64xf32, #tpu.memory_space<vmem>>
      %dma_wait3A_904 = tpu.memref_slice %arg6[%mul3A_897] : memref<25600xi32, #tpu.memory_space<vmem>> -> memref<128xi32, #tpu.memory_space<vmem>>
      %dma_wait3A_905 = arith.constant 0 : i32
      %dma_wait3A_906 = arith.constant 0 : i32
      %dma_wait3A_907 = tpu.memref_slice %arg3[%dma_wait3A_905, %dma_wait3A_906] : memref<1000000x64xf32, #tpu.memory_space<hbm>> -> memref<1000000x64xf32, #tpu.memory_space<hbm>>
      %dma_wait3A_908 = tpu.memref_slice %arg9[%dma_wait3A_899] : memref<8x!tpu.dma_semaphore, #tpu.memory_space<semaphore_mem>> -> memref<1x!tpu.dma_semaphore, #tpu.memory_space<semaphore_mem>>
      %dma_wait3A_909 = tpu.memref_squeeze %dma_wait3A_908 : memref<1x!tpu.dma_semaphore, #tpu.memory_space<semaphore_mem>> -> memref<!tpu.dma_semaphore, #tpu.memory_space<semaphore_mem>>
      tpu.wait_indirect_dma semaphore(%dma_wait3A_909 : memref<!tpu.dma_semaphore, #tpu.memory_space<semaphore_mem>>) src(%dma_wait3A_907 : memref<1000000x64xf32, #tpu.memory_space<hbm>>) dst(%dma_wait3A_903 : memref<128x64xf32, #tpu.memory_space<vmem>>)
      %mul3A_910 = arith.constant 128 : i32
      %mul3A_911 = arith.muli %add3A_895, %mul3A_910 : i32
      %add3A_912 = arith.addi %mul3A_2, %mul3A_911 : i32
      %jit3A_913 = arith.constant 4096 : i32
      %div3A_914 = arith.divsi %add3A_912, %jit3A_913 : i32
      %sign3A_915 = arith.constant 0 : i32
      %sign3A_916 = arith.cmpi sgt, %add3A_912, %sign3A_915 : i32
      %sign3A_917 = arith.extui %sign3A_916 : i1 to i32
      %sign3A_918 = arith.constant 0 : i32
      %sign3A_919 = arith.cmpi slt, %add3A_912, %sign3A_918 : i32
      %sign3A_920 = arith.extui %sign3A_919 : i1 to i32
      %sign3A_921 = arith.subi %sign3A_917, %sign3A_920 : i32
      %sign3A_922 = arith.constant 0 : i32
      %sign3A_923 = arith.cmpi sgt, %jit3A_913, %sign3A_922 : i32
      %sign3A_924 = arith.extui %sign3A_923 : i1 to i32
      %sign3A_925 = arith.constant 0 : i32
      %sign3A_926 = arith.cmpi slt, %jit3A_913, %sign3A_925 : i32
      %sign3A_927 = arith.extui %sign3A_926 : i1 to i32
      %sign3A_928 = arith.subi %sign3A_924, %sign3A_927 : i32
      %ne3A_929 = arith.cmpi ne, %sign3A_921, %sign3A_928 : i32
      %rem3A_930 = arith.remsi %add3A_912, %jit3A_913 : i32
      %ne3A_931 = arith.constant 0 : i32
      %ne3A_932 = arith.cmpi ne, %rem3A_930, %ne3A_931 : i32
      %and3A_933 = arith.andi %ne3A_929, %ne3A_932 : i1
      %sub3A_934 = arith.constant 1 : i32
      %sub3A_935 = arith.subi %div3A_914, %sub3A_934 : i32
      %select_n3A_936 = arith.select %and3A_933, %sub3A_935, %div3A_914 : i32
      %get3A_937 = arith.index_cast %select_n3A_936 : i32 to index
      %get3A_938 = arith.constant 0 : index
      %get3A_939 = tpu.vector_load %arg7[%get3A_937, %get3A_938] {strides = array<i32>} : memref<200x64xf32, #tpu.memory_space<vmem>>, vector<1x16xf32>,
      %get3A_940 = vector.shape_cast %get3A_939 : vector<1x16xf32> to vector<16xf32>
      %get3A_941 = arith.index_cast %select_n3A_936 : i32 to index
      %get3A_942 = arith.constant 16 : index
      %get3A_943 = tpu.vector_load %arg7[%get3A_941, %get3A_942] {strides = array<i32>} : memref<200x64xf32, #tpu.memory_space<vmem>>, vector<1x16xf32>,
      %get3A_944 = vector.shape_cast %get3A_943 : vector<1x16xf32> to vector<16xf32>
      %get3A_945 = arith.index_cast %select_n3A_936 : i32 to index
      %get3A_946 = arith.constant 32 : index
      %get3A_947 = tpu.vector_load %arg7[%get3A_945, %get3A_946] {strides = array<i32>} : memref<200x64xf32, #tpu.memory_space<vmem>>, vector<1x16xf32>,
      %get3A_948 = vector.shape_cast %get3A_947 : vector<1x16xf32> to vector<16xf32>
      %get3A_949 = arith.index_cast %select_n3A_936 : i32 to index
      %get3A_950 = arith.constant 48 : index
      %get3A_951 = tpu.vector_load %arg7[%get3A_949, %get3A_950] {strides = array<i32>} : memref<200x64xf32, #tpu.memory_space<vmem>>, vector<1x16xf32>,
      %get3A_952 = vector.shape_cast %get3A_951 : vector<1x16xf32> to vector<16xf32>
      %parallel_loop3A_953 = arith.constant 0 : i32
      %parallel_loop3A_954 = arith.constant 128 : i32
      %parallel_loop3A_955 = arith.constant 1 : i32
      scf.for %parallel_loop3A_987 = %parallel_loop3A_953 to %parallel_loop3A_954 step %parallel_loop3A_955  : i32 {
        %parallel_loop3A_988 = arith.constant 7 : i32
        %parallel_loop3A_989 = arith.index_cast %parallel_loop3A_988 : i32 to index
        %parallel_loop3A_990 = arith.index_cast %parallel_loop3A_987 : i32 to index
        %parallel_loop3A_991 = arith.constant 0 : index
        %parallel_loop3A_992 = tpu.vector_load %arg8[%parallel_loop3A_989, %parallel_loop3A_990, %parallel_loop3A_991] {strides = array<i32>} : memref<8x128x64xf32, #tpu.memory_space<vmem>>, vector<1x1x16xf32>,
        %parallel_loop3A_993 = vector.shape_cast %parallel_loop3A_992 : vector<1x1x16xf32> to vector<16xf32>
        %parallel_loop3A_994 = vector.shape_cast %get3A_940 : vector<16xf32> to vector<1x1x16xf32>
        tpu.vector_store %arg8[%parallel_loop3A_989, %parallel_loop3A_990, %parallel_loop3A_991], %parallel_loop3A_994 {add = true, strides = array<i32>} : memref<8x128x64xf32, #tpu.memory_space<vmem>>, vector<1x1x16xf32>,
        %parallel_loop3A_995 = arith.constant 7 : i32
        %parallel_loop3A_996 = arith.index_cast %parallel_loop3A_995 : i32 to index
        %parallel_loop3A_997 = arith.index_cast %parallel_loop3A_987 : i32 to index
        %parallel_loop3A_998 = arith.constant 16 : index
        %parallel_loop3A_999 = tpu.vector_load %arg8[%parallel_loop3A_996, %parallel_loop3A_997, %parallel_loop3A_998] {strides = array<i32>} : memref<8x128x64xf32, #tpu.memory_space<vmem>>, vector<1x1x16xf32>,
        %parallel_loop3A_1000 = vector.shape_cast %parallel_loop3A_999 : vector<1x1x16xf32> to vector<16xf32>
        %parallel_loop3A_1001 = vector.shape_cast %get3A_944 : vector<16xf32> to vector<1x1x16xf32>
        tpu.vector_store %arg8[%parallel_loop3A_996, %parallel_loop3A_997, %parallel_loop3A_998], %parallel_loop3A_1001 {add = true, strides = array<i32>} : memref<8x128x64xf32, #tpu.memory_space<vmem>>, vector<1x1x16xf32>,
        %parallel_loop3A_1002 = arith.constant 7 : i32
        %parallel_loop3A_1003 = arith.index_cast %parallel_loop3A_1002 : i32 to index
        %parallel_loop3A_1004 = arith.index_cast %parallel_loop3A_987 : i32 to index
        %parallel_loop3A_1005 = arith.constant 32 : index
        %parallel_loop3A_1006 = tpu.vector_load %arg8[%parallel_loop3A_1003, %parallel_loop3A_1004, %parallel_loop3A_1005] {strides = array<i32>} : memref<8x128x64xf32, #tpu.memory_space<vmem>>, vector<1x1x16xf32>,
        %parallel_loop3A_1007 = vector.shape_cast %parallel_loop3A_1006 : vector<1x1x16xf32> to vector<16xf32>
        %parallel_loop3A_1008 = vector.shape_cast %get3A_948 : vector<16xf32> to vector<1x1x16xf32>
        tpu.vector_store %arg8[%parallel_loop3A_1003, %parallel_loop3A_1004, %parallel_loop3A_1005], %parallel_loop3A_1008 {add = true, strides = array<i32>} : memref<8x128x64xf32, #tpu.memory_space<vmem>>, vector<1x1x16xf32>,
        %parallel_loop3A_1009 = arith.constant 7 : i32
        %parallel_loop3A_1010 = arith.index_cast %parallel_loop3A_1009 : i32 to index
        %parallel_loop3A_1011 = arith.index_cast %parallel_loop3A_987 : i32 to index
        %parallel_loop3A_1012 = arith.constant 48 : index
        %parallel_loop3A_1013 = tpu.vector_load %arg8[%parallel_loop3A_1010, %parallel_loop3A_1011, %parallel_loop3A_1012] {strides = array<i32>} : memref<8x128x64xf32, #tpu.memory_space<vmem>>, vector<1x1x16xf32>,
        %parallel_loop3A_1014 = vector.shape_cast %parallel_loop3A_1013 : vector<1x1x16xf32> to vector<16xf32>
        %parallel_loop3A_1015 = vector.shape_cast %get3A_952 : vector<16xf32> to vector<1x1x16xf32>
        tpu.vector_store %arg8[%parallel_loop3A_1010, %parallel_loop3A_1011, %parallel_loop3A_1012], %parallel_loop3A_1015 {add = true, strides = array<i32>} : memref<8x128x64xf32, #tpu.memory_space<vmem>>, vector<1x1x16xf32>,
      } {sc.loop_unroll_factor = 4 : i64, sc.parallel_access}
      %mul3A_956 = arith.constant 128 : i32
      %mul3A_957 = arith.muli %add3A_895, %mul3A_956 : i32
      %add3A_958 = arith.addi %mul3A_2, %mul3A_957 : i32
      %dma_start3A_959 = arith.constant 7 : i32
      %dma_start3A_960 = arith.constant 7 : i32
      %dma_start3A_961 = arith.constant 0 : i32
      %dma_start3A_962 = arith.constant 0 : i32
      %dma_start3A_963 = tpu.memref_slice %arg8[%dma_start3A_959, %dma_start3A_961, %dma_start3A_962] : memref<8x128x64xf32, #tpu.memory_space<vmem>> -> memref<1x128x64xf32, #tpu.memory_space<vmem>>
      %dma_start3A_964 = tpu.memref_squeeze %dma_start3A_963 : memref<1x128x64xf32, #tpu.memory_space<vmem>> -> memref<128x64xf32, #tpu.memory_space<vmem>>
      %dma_start3A_965 = arith.constant 0 : i32
      %dma_start3A_966 = tpu.memref_slice %arg5[%add3A_958, %dma_start3A_965] : memref<819200x64xf32, #tpu.memory_space<hbm>> -> memref<128x64xf32, #tpu.memory_space<hbm>>
      %dma_start3A_967 = tpu.memref_slice %arg10[%dma_start3A_960] : memref<8x!tpu.dma_semaphore, #tpu.memory_space<semaphore_mem>> -> memref<1x!tpu.dma_semaphore, #tpu.memory_space<semaphore_mem>>
      %dma_start3A_968 = tpu.memref_squeeze %dma_start3A_967 : memref<1x!tpu.dma_semaphore, #tpu.memory_space<semaphore_mem>> -> memref<!tpu.dma_semaphore, #tpu.memory_space<semaphore_mem>>
      %dma_start3A_969 = arith.constant 0 : i32
      %dma_start3A_970 = tpu.memref_slice %arg5[%add3A_958, %dma_start3A_969] : memref<819200x64xf32, #tpu.memory_space<hbm>> -> memref<128x64xf32, #tpu.memory_space<hbm>>
      %dma_start3A_971 = arith.constant 0 : i32
      %dma_start3A_972 = arith.constant 0 : i32
      %dma_start3A_973 = tpu.memref_slice %arg8[%dma_start3A_959, %dma_start3A_971, %dma_start3A_972] : memref<8x128x64xf32, #tpu.memory_space<vmem>> -> memref<1x128x64xf32, #tpu.memory_space<vmem>>
      %dma_start3A_974 = tpu.memref_squeeze %dma_start3A_973 : memref<1x128x64xf32, #tpu.memory_space<vmem>> -> memref<128x64xf32, #tpu.memory_space<vmem>>
      tpu.enqueue_dma source(%dma_start3A_974 : memref<128x64xf32, #tpu.memory_space<vmem>>) target(%dma_start3A_970 : memref<128x64xf32, #tpu.memory_space<hbm>>) target_semaphore(%dma_start3A_968 : memref<!tpu.dma_semaphore, #tpu.memory_space<semaphore_mem>>)
      %sub3A_975 = arith.constant 3 : i32
      %sub3A_976 = arith.subi %add3A_895, %sub3A_975 : i32
      %ge3A_977 = arith.constant 0 : i32
      %ge3A_978 = arith.cmpi sge, %sub3A_976, %ge3A_977 : i32
      %add3A_979 = arith.constant 8 : i32
      %add3A_980 = arith.addi %sub3A_976, %add3A_979 : i32
      %lt3A_981 = arith.constant 200 : i32
      %lt3A_982 = arith.cmpi slt, %add3A_980, %lt3A_981 : i32
      %and3A_983 = arith.andi %ge3A_978, %lt3A_982 : i1
      %convert_element_type3A_984 = arith.extui %and3A_983 : i1 to i32
      %cond3A_985 = arith.constant 0 : i32
      %cond3A_986 = arith.cmpi ne, %convert_element_type3A_984, %cond3A_985 : i32
      scf.if %cond3A_986 {
        %mul3A_987 = arith.constant 128 : i32
        %mul3A_988 = arith.muli %sub3A_976, %mul3A_987 : i32
        %add3A_989 = arith.addi %mul3A_2, %mul3A_988 : i32
        %dma_wait3A_990 = arith.constant 4 : i32
        %dma_wait3A_991 = arith.constant 4 : i32
        %dma_wait3A_992 = arith.constant 0 : i32
        %dma_wait3A_993 = arith.constant 0 : i32
        %dma_wait3A_994 = tpu.memref_slice %arg8[%dma_wait3A_990, %dma_wait3A_992, %dma_wait3A_993] : memref<8x128x64xf32, #tpu.memory_space<vmem>> -> memref<1x128x64xf32, #tpu.memory_space<vmem>>
        %dma_wait3A_995 = tpu.memref_squeeze %dma_wait3A_994 : memref<1x128x64xf32, #tpu.memory_space<vmem>> -> memref<128x64xf32, #tpu.memory_space<vmem>>
        %dma_wait3A_996 = arith.constant 0 : i32
        %dma_wait3A_997 = tpu.memref_slice %arg5[%add3A_989, %dma_wait3A_996] : memref<819200x64xf32, #tpu.memory_space<hbm>> -> memref<128x64xf32, #tpu.memory_space<hbm>>
        %dma_wait3A_998 = tpu.memref_slice %arg10[%dma_wait3A_991] : memref<8x!tpu.dma_semaphore, #tpu.memory_space<semaphore_mem>> -> memref<1x!tpu.dma_semaphore, #tpu.memory_space<semaphore_mem>>
        %dma_wait3A_999 = tpu.memref_squeeze %dma_wait3A_998 : memref<1x!tpu.dma_semaphore, #tpu.memory_space<semaphore_mem>> -> memref<!tpu.dma_semaphore, #tpu.memory_space<semaphore_mem>>
        %dma_wait3A_1000 = arith.constant 0 : i32
        %dma_wait3A_1001 = tpu.memref_slice %arg5[%add3A_989, %dma_wait3A_1000] : memref<819200x64xf32, #tpu.memory_space<hbm>> -> memref<128x64xf32, #tpu.memory_space<hbm>>
        %dma_wait3A_1002 = arith.constant 0 : i32
        %dma_wait3A_1003 = arith.constant 0 : i32
        %dma_wait3A_1004 = tpu.memref_slice %arg8[%dma_wait3A_990, %dma_wait3A_1002, %dma_wait3A_1003] : memref<8x128x64xf32, #tpu.memory_space<vmem>> -> memref<1x128x64xf32, #tpu.memory_space<vmem>>
        %dma_wait3A_1005 = tpu.memref_squeeze %dma_wait3A_1004 : memref<1x128x64xf32, #tpu.memory_space<vmem>> -> memref<128x64xf32, #tpu.memory_space<vmem>>
        tpu.wait_dma2 semaphore(%dma_wait3A_999 : memref<!tpu.dma_semaphore, #tpu.memory_space<semaphore_mem>>) src(%dma_wait3A_1005 : memref<128x64xf32, #tpu.memory_space<vmem>>) dst(%dma_wait3A_1001 : memref<128x64xf32, #tpu.memory_space<hbm>>)
        %add3A_1006 = arith.constant 8 : i32
        %add3A_1007 = arith.addi %sub3A_976, %add3A_1006 : i32
        %mul3A_1008 = arith.constant 128 : i32
        %mul3A_1009 = arith.muli %add3A_1007, %mul3A_1008 : i32
        %dma_start3A_1010 = arith.constant 4 : i32
        %dma_start3A_1011 = arith.constant 4 : i32
        %dma_start3A_1012 = arith.constant 0 : i32
        %dma_start3A_1013 = arith.constant 0 : i32
        %dma_start3A_1014 = tpu.memref_slice %arg8[%dma_start3A_1010, %dma_start3A_1012, %dma_start3A_1013] : memref<8x128x64xf32, #tpu.memory_space<vmem>> -> memref<1x128x64xf32, #tpu.memory_space<vmem>>
        %dma_start3A_1015 = tpu.memref_squeeze %dma_start3A_1014 : memref<1x128x64xf32, #tpu.memory_space<vmem>> -> memref<128x64xf32, #tpu.memory_space<vmem>>
        %dma_start3A_1016 = tpu.memref_slice %arg6[%mul3A_1009] : memref<25600xi32, #tpu.memory_space<vmem>> -> memref<128xi32, #tpu.memory_space<vmem>>
        %dma_start3A_1017 = arith.constant 0 : i32
        %dma_start3A_1018 = arith.constant 0 : i32
        %dma_start3A_1019 = tpu.memref_slice %arg3[%dma_start3A_1017, %dma_start3A_1018] : memref<1000000x64xf32, #tpu.memory_space<hbm>> -> memref<1000000x64xf32, #tpu.memory_space<hbm>>
        %dma_start3A_1020 = tpu.memref_slice %arg9[%dma_start3A_1011] : memref<8x!tpu.dma_semaphore, #tpu.memory_space<semaphore_mem>> -> memref<1x!tpu.dma_semaphore, #tpu.memory_space<semaphore_mem>>
        %dma_start3A_1021 = tpu.memref_squeeze %dma_start3A_1020 : memref<1x!tpu.dma_semaphore, #tpu.memory_space<semaphore_mem>> -> memref<!tpu.dma_semaphore, #tpu.memory_space<semaphore_mem>>
        tpu.enqueue_indirect_dma source(%dma_start3A_1019 : memref<1000000x64xf32, #tpu.memory_space<hbm>>) target(%dma_start3A_1015 : memref<128x64xf32, #tpu.memory_space<vmem>>) offsets(%dma_start3A_1016 : memref<128xi32, #tpu.memory_space<vmem>>) semaphore(%dma_start3A_1021 : memref<!tpu.dma_semaphore, #tpu.memory_space<semaphore_mem>>)
      } else {
      }
    }
    %scan3A_110 = arith.constant 25 : i32
    %add3A_111 = arith.constant 24576 : i32
    %add3A_112 = arith.addi %mul3A_2, %add3A_111 : i32
    %dma_wait3A = arith.constant 0 : i32
    %dma_wait3A_113 = arith.constant 0 : i32
    %dma_wait3A_114 = arith.constant 0 : i32
    %dma_wait3A_115 = arith.constant 0 : i32
    %dma_wait3A_116 = tpu.memref_slice %arg8[%dma_wait3A, %dma_wait3A_114, %dma_wait3A_115] : memref<8x128x64xf32, #tpu.memory_space<vmem>> -> memref<1x128x64xf32, #tpu.memory_space<vmem>>
    %dma_wait3A_117 = tpu.memref_squeeze %dma_wait3A_116 : memref<1x128x64xf32, #tpu.memory_space<vmem>> -> memref<128x64xf32, #tpu.memory_space<vmem>>
    %dma_wait3A_118 = arith.constant 0 : i32
    %dma_wait3A_119 = tpu.memref_slice %arg5[%add3A_112, %dma_wait3A_118] : memref<819200x64xf32, #tpu.memory_space<hbm>> -> memref<128x64xf32, #tpu.memory_space<hbm>>
    %dma_wait3A_120 = tpu.memref_slice %arg10[%dma_wait3A_113] : memref<8x!tpu.dma_semaphore, #tpu.memory_space<semaphore_mem>> -> memref<1x!tpu.dma_semaphore, #tpu.memory_space<semaphore_mem>>
    %dma_wait3A_121 = tpu.memref_squeeze %dma_wait3A_120 : memref<1x!tpu.dma_semaphore, #tpu.memory_space<semaphore_mem>> -> memref<!tpu.dma_semaphore, #tpu.memory_space<semaphore_mem>>
    %dma_wait3A_122 = arith.constant 0 : i32
    %dma_wait3A_123 = tpu.memref_slice %arg5[%add3A_112, %dma_wait3A_122] : memref<819200x64xf32, #tpu.memory_space<hbm>> -> memref<128x64xf32, #tpu.memory_space<hbm>>
    %dma_wait3A_124 = arith.constant 0 : i32
    %dma_wait3A_125 = arith.constant 0 : i32
    %dma_wait3A_126 = tpu.memref_slice %arg8[%dma_wait3A, %dma_wait3A_124, %dma_wait3A_125] : memref<8x128x64xf32, #tpu.memory_space<vmem>> -> memref<1x128x64xf32, #tpu.memory_space<vmem>>
    %dma_wait3A_127 = tpu.memref_squeeze %dma_wait3A_126 : memref<1x128x64xf32, #tpu.memory_space<vmem>> -> memref<128x64xf32, #tpu.memory_space<vmem>>
    tpu.wait_dma2 semaphore(%dma_wait3A_121 : memref<!tpu.dma_semaphore, #tpu.memory_space<semaphore_mem>>) src(%dma_wait3A_127 : memref<128x64xf32, #tpu.memory_space<vmem>>) dst(%dma_wait3A_123 : memref<128x64xf32, #tpu.memory_space<hbm>>)
    %add3A_128 = arith.constant 24704 : i32
    %add3A_129 = arith.addi %mul3A_2, %add3A_128 : i32
    %dma_wait3A_130 = arith.constant 1 : i32
    %dma_wait3A_131 = arith.constant 1 : i32
    %dma_wait3A_132 = arith.constant 0 : i32
    %dma_wait3A_133 = arith.constant 0 : i32
    %dma_wait3A_134 = tpu.memref_slice %arg8[%dma_wait3A_130, %dma_wait3A_132, %dma_wait3A_133] : memref<8x128x64xf32, #tpu.memory_space<vmem>> -> memref<1x128x64xf32, #tpu.memory_space<vmem>>
    %dma_wait3A_135 = tpu.memref_squeeze %dma_wait3A_134 : memref<1x128x64xf32, #tpu.memory_space<vmem>> -> memref<128x64xf32, #tpu.memory_space<vmem>>
    %dma_wait3A_136 = arith.constant 0 : i32
    %dma_wait3A_137 = tpu.memref_slice %arg5[%add3A_129, %dma_wait3A_136] : memref<819200x64xf32, #tpu.memory_space<hbm>> -> memref<128x64xf32, #tpu.memory_space<hbm>>
    %dma_wait3A_138 = tpu.memref_slice %arg10[%dma_wait3A_131] : memref<8x!tpu.dma_semaphore, #tpu.memory_space<semaphore_mem>> -> memref<1x!tpu.dma_semaphore, #tpu.memory_space<semaphore_mem>>
    %dma_wait3A_139 = tpu.memref_squeeze %dma_wait3A_138 : memref<1x!tpu.dma_semaphore, #tpu.memory_space<semaphore_mem>> -> memref<!tpu.dma_semaphore, #tpu.memory_space<semaphore_mem>>
    %dma_wait3A_140 = arith.constant 0 : i32
    %dma_wait3A_141 = tpu.memref_slice %arg5[%add3A_129, %dma_wait3A_140] : memref<819200x64xf32, #tpu.memory_space<hbm>> -> memref<128x64xf32, #tpu.memory_space<hbm>>
    %dma_wait3A_142 = arith.constant 0 : i32
    %dma_wait3A_143 = arith.constant 0 : i32
    %dma_wait3A_144 = tpu.memref_slice %arg8[%dma_wait3A_130, %dma_wait3A_142, %dma_wait3A_143] : memref<8x128x64xf32, #tpu.memory_space<vmem>> -> memref<1x128x64xf32, #tpu.memory_space<vmem>>
    %dma_wait3A_145 = tpu.memref_squeeze %dma_wait3A_144 : memref<1x128x64xf32, #tpu.memory_space<vmem>> -> memref<128x64xf32, #tpu.memory_space<vmem>>
    tpu.wait_dma2 semaphore(%dma_wait3A_139 : memref<!tpu.dma_semaphore, #tpu.memory_space<semaphore_mem>>) src(%dma_wait3A_145 : memref<128x64xf32, #tpu.memory_space<vmem>>) dst(%dma_wait3A_141 : memref<128x64xf32, #tpu.memory_space<hbm>>)
    %add3A_146 = arith.constant 24832 : i32
    %add3A_147 = arith.addi %mul3A_2, %add3A_146 : i32
    %dma_wait3A_148 = arith.constant 2 : i32
    %dma_wait3A_149 = arith.constant 2 : i32
    %dma_wait3A_150 = arith.constant 0 : i32
    %dma_wait3A_151 = arith.constant 0 : i32
    %dma_wait3A_152 = tpu.memref_slice %arg8[%dma_wait3A_148, %dma_wait3A_150, %dma_wait3A_151] : memref<8x128x64xf32, #tpu.memory_space<vmem>> -> memref<1x128x64xf32, #tpu.memory_space<vmem>>
    %dma_wait3A_153 = tpu.memref_squeeze %dma_wait3A_152 : memref<1x128x64xf32, #tpu.memory_space<vmem>> -> memref<128x64xf32, #tpu.memory_space<vmem>>
    %dma_wait3A_154 = arith.constant 0 : i32
    %dma_wait3A_155 = tpu.memref_slice %arg5[%add3A_147, %dma_wait3A_154] : memref<819200x64xf32, #tpu.memory_space<hbm>> -> memref<128x64xf32, #tpu.memory_space<hbm>>
    %dma_wait3A_156 = tpu.memref_slice %arg10[%dma_wait3A_149] : memref<8x!tpu.dma_semaphore, #tpu.memory_space<semaphore_mem>> -> memref<1x!tpu.dma_semaphore, #tpu.memory_space<semaphore_mem>>
    %dma_wait3A_157 = tpu.memref_squeeze %dma_wait3A_156 : memref<1x!tpu.dma_semaphore, #tpu.memory_space<semaphore_mem>> -> memref<!tpu.dma_semaphore, #tpu.memory_space<semaphore_mem>>
    %dma_wait3A_158 = arith.constant 0 : i32
    %dma_wait3A_159 = tpu.memref_slice %arg5[%add3A_147, %dma_wait3A_158] : memref<819200x64xf32, #tpu.memory_space<hbm>> -> memref<128x64xf32, #tpu.memory_space<hbm>>
    %dma_wait3A_160 = arith.constant 0 : i32
    %dma_wait3A_161 = arith.constant 0 : i32
    %dma_wait3A_162 = tpu.memref_slice %arg8[%dma_wait3A_148, %dma_wait3A_160, %dma_wait3A_161] : memref<8x128x64xf32, #tpu.memory_space<vmem>> -> memref<1x128x64xf32, #tpu.memory_space<vmem>>
    %dma_wait3A_163 = tpu.memref_squeeze %dma_wait3A_162 : memref<1x128x64xf32, #tpu.memory_space<vmem>> -> memref<128x64xf32, #tpu.memory_space<vmem>>
    tpu.wait_dma2 semaphore(%dma_wait3A_157 : memref<!tpu.dma_semaphore, #tpu.memory_space<semaphore_mem>>) src(%dma_wait3A_163 : memref<128x64xf32, #tpu.memory_space<vmem>>) dst(%dma_wait3A_159 : memref<128x64xf32, #tpu.memory_space<hbm>>)
    %add3A_164 = arith.constant 24960 : i32
    %add3A_165 = arith.addi %mul3A_2, %add3A_164 : i32
    %dma_wait3A_166 = arith.constant 3 : i32
    %dma_wait3A_167 = arith.constant 3 : i32
    %dma_wait3A_168 = arith.constant 0 : i32
    %dma_wait3A_169 = arith.constant 0 : i32
    %dma_wait3A_170 = tpu.memref_slice %arg8[%dma_wait3A_166, %dma_wait3A_168, %dma_wait3A_169] : memref<8x128x64xf32, #tpu.memory_space<vmem>> -> memref<1x128x64xf32, #tpu.memory_space<vmem>>
    %dma_wait3A_171 = tpu.memref_squeeze %dma_wait3A_170 : memref<1x128x64xf32, #tpu.memory_space<vmem>> -> memref<128x64xf32, #tpu.memory_space<vmem>>
    %dma_wait3A_172 = arith.constant 0 : i32
    %dma_wait3A_173 = tpu.memref_slice %arg5[%add3A_165, %dma_wait3A_172] : memref<819200x64xf32, #tpu.memory_space<hbm>> -> memref<128x64xf32, #tpu.memory_space<hbm>>
    %dma_wait3A_174 = tpu.memref_slice %arg10[%dma_wait3A_167] : memref<8x!tpu.dma_semaphore, #tpu.memory_space<semaphore_mem>> -> memref<1x!tpu.dma_semaphore, #tpu.memory_space<semaphore_mem>>
    %dma_wait3A_175 = tpu.memref_squeeze %dma_wait3A_174 : memref<1x!tpu.dma_semaphore, #tpu.memory_space<semaphore_mem>> -> memref<!tpu.dma_semaphore, #tpu.memory_space<semaphore_mem>>
    %dma_wait3A_176 = arith.constant 0 : i32
    %dma_wait3A_177 = tpu.memref_slice %arg5[%add3A_165, %dma_wait3A_176] : memref<819200x64xf32, #tpu.memory_space<hbm>> -> memref<128x64xf32, #tpu.memory_space<hbm>>
    %dma_wait3A_178 = arith.constant 0 : i32
    %dma_wait3A_179 = arith.constant 0 : i32
    %dma_wait3A_180 = tpu.memref_slice %arg8[%dma_wait3A_166, %dma_wait3A_178, %dma_wait3A_179] : memref<8x128x64xf32, #tpu.memory_space<vmem>> -> memref<1x128x64xf32, #tpu.memory_space<vmem>>
    %dma_wait3A_181 = tpu.memref_squeeze %dma_wait3A_180 : memref<1x128x64xf32, #tpu.memory_space<vmem>> -> memref<128x64xf32, #tpu.memory_space<vmem>>
    tpu.wait_dma2 semaphore(%dma_wait3A_175 : memref<!tpu.dma_semaphore, #tpu.memory_space<semaphore_mem>>) src(%dma_wait3A_181 : memref<128x64xf32, #tpu.memory_space<vmem>>) dst(%dma_wait3A_177 : memref<128x64xf32, #tpu.memory_space<hbm>>)
    %add3A_182 = arith.constant 25088 : i32
    %add3A_183 = arith.addi %mul3A_2, %add3A_182 : i32
    %dma_wait3A_184 = arith.constant 4 : i32
    %dma_wait3A_185 = arith.constant 4 : i32
    %dma_wait3A_186 = arith.constant 0 : i32
    %dma_wait3A_187 = arith.constant 0 : i32
    %dma_wait3A_188 = tpu.memref_slice %arg8[%dma_wait3A_184, %dma_wait3A_186, %dma_wait3A_187] : memref<8x128x64xf32, #tpu.memory_space<vmem>> -> memref<1x128x64xf32, #tpu.memory_space<vmem>>
    %dma_wait3A_189 = tpu.memref_squeeze %dma_wait3A_188 : memref<1x128x64xf32, #tpu.memory_space<vmem>> -> memref<128x64xf32, #tpu.memory_space<vmem>>
    %dma_wait3A_190 = arith.constant 0 : i32
    %dma_wait3A_191 = tpu.memref_slice %arg5[%add3A_183, %dma_wait3A_190] : memref<819200x64xf32, #tpu.memory_space<hbm>> -> memref<128x64xf32, #tpu.memory_space<hbm>>
    %dma_wait3A_192 = tpu.memref_slice %arg10[%dma_wait3A_185] : memref<8x!tpu.dma_semaphore, #tpu.memory_space<semaphore_mem>> -> memref<1x!tpu.dma_semaphore, #tpu.memory_space<semaphore_mem>>
    %dma_wait3A_193 = tpu.memref_squeeze %dma_wait3A_192 : memref<1x!tpu.dma_semaphore, #tpu.memory_space<semaphore_mem>> -> memref<!tpu.dma_semaphore, #tpu.memory_space<semaphore_mem>>
    %dma_wait3A_194 = arith.constant 0 : i32
    %dma_wait3A_195 = tpu.memref_slice %arg5[%add3A_183, %dma_wait3A_194] : memref<819200x64xf32, #tpu.memory_space<hbm>> -> memref<128x64xf32, #tpu.memory_space<hbm>>
    %dma_wait3A_196 = arith.constant 0 : i32
    %dma_wait3A_197 = arith.constant 0 : i32
    %dma_wait3A_198 = tpu.memref_slice %arg8[%dma_wait3A_184, %dma_wait3A_196, %dma_wait3A_197] : memref<8x128x64xf32, #tpu.memory_space<vmem>> -> memref<1x128x64xf32, #tpu.memory_space<vmem>>
    %dma_wait3A_199 = tpu.memref_squeeze %dma_wait3A_198 : memref<1x128x64xf32, #tpu.memory_space<vmem>> -> memref<128x64xf32, #tpu.memory_space<vmem>>
    tpu.wait_dma2 semaphore(%dma_wait3A_193 : memref<!tpu.dma_semaphore, #tpu.memory_space<semaphore_mem>>) src(%dma_wait3A_199 : memref<128x64xf32, #tpu.memory_space<vmem>>) dst(%dma_wait3A_195 : memref<128x64xf32, #tpu.memory_space<hbm>>)
    %add3A_200 = arith.constant 25216 : i32
    %add3A_201 = arith.addi %mul3A_2, %add3A_200 : i32
    %dma_wait3A_202 = arith.constant 5 : i32
    %dma_wait3A_203 = arith.constant 5 : i32
    %dma_wait3A_204 = arith.constant 0 : i32
    %dma_wait3A_205 = arith.constant 0 : i32
    %dma_wait3A_206 = tpu.memref_slice %arg8[%dma_wait3A_202, %dma_wait3A_204, %dma_wait3A_205] : memref<8x128x64xf32, #tpu.memory_space<vmem>> -> memref<1x128x64xf32, #tpu.memory_space<vmem>>
    %dma_wait3A_207 = tpu.memref_squeeze %dma_wait3A_206 : memref<1x128x64xf32, #tpu.memory_space<vmem>> -> memref<128x64xf32, #tpu.memory_space<vmem>>
    %dma_wait3A_208 = arith.constant 0 : i32
    %dma_wait3A_209 = tpu.memref_slice %arg5[%add3A_201, %dma_wait3A_208] : memref<819200x64xf32, #tpu.memory_space<hbm>> -> memref<128x64xf32, #tpu.memory_space<hbm>>
    %dma_wait3A_210 = tpu.memref_slice %arg10[%dma_wait3A_203] : memref<8x!tpu.dma_semaphore, #tpu.memory_space<semaphore_mem>> -> memref<1x!tpu.dma_semaphore, #tpu.memory_space<semaphore_mem>>
    %dma_wait3A_211 = tpu.memref_squeeze %dma_wait3A_210 : memref<1x!tpu.dma_semaphore, #tpu.memory_space<semaphore_mem>> -> memref<!tpu.dma_semaphore, #tpu.memory_space<semaphore_mem>>
    %dma_wait3A_212 = arith.constant 0 : i32
    %dma_wait3A_213 = tpu.memref_slice %arg5[%add3A_201, %dma_wait3A_212] : memref<819200x64xf32, #tpu.memory_space<hbm>> -> memref<128x64xf32, #tpu.memory_space<hbm>>
    %dma_wait3A_214 = arith.constant 0 : i32
    %dma_wait3A_215 = arith.constant 0 : i32
    %dma_wait3A_216 = tpu.memref_slice %arg8[%dma_wait3A_202, %dma_wait3A_214, %dma_wait3A_215] : memref<8x128x64xf32, #tpu.memory_space<vmem>> -> memref<1x128x64xf32, #tpu.memory_space<vmem>>
    %dma_wait3A_217 = tpu.memref_squeeze %dma_wait3A_216 : memref<1x128x64xf32, #tpu.memory_space<vmem>> -> memref<128x64xf32, #tpu.memory_space<vmem>>
    tpu.wait_dma2 semaphore(%dma_wait3A_211 : memref<!tpu.dma_semaphore, #tpu.memory_space<semaphore_mem>>) src(%dma_wait3A_217 : memref<128x64xf32, #tpu.memory_space<vmem>>) dst(%dma_wait3A_213 : memref<128x64xf32, #tpu.memory_space<hbm>>)
    %add3A_218 = arith.constant 25344 : i32
    %add3A_219 = arith.addi %mul3A_2, %add3A_218 : i32
    %dma_wait3A_220 = arith.constant 6 : i32
    %dma_wait3A_221 = arith.constant 6 : i32
    %dma_wait3A_222 = arith.constant 0 : i32
    %dma_wait3A_223 = arith.constant 0 : i32
    %dma_wait3A_224 = tpu.memref_slice %arg8[%dma_wait3A_220, %dma_wait3A_222, %dma_wait3A_223] : memref<8x128x64xf32, #tpu.memory_space<vmem>> -> memref<1x128x64xf32, #tpu.memory_space<vmem>>
    %dma_wait3A_225 = tpu.memref_squeeze %dma_wait3A_224 : memref<1x128x64xf32, #tpu.memory_space<vmem>> -> memref<128x64xf32, #tpu.memory_space<vmem>>
    %dma_wait3A_226 = arith.constant 0 : i32
    %dma_wait3A_227 = tpu.memref_slice %arg5[%add3A_219, %dma_wait3A_226] : memref<819200x64xf32, #tpu.memory_space<hbm>> -> memref<128x64xf32, #tpu.memory_space<hbm>>
    %dma_wait3A_228 = tpu.memref_slice %arg10[%dma_wait3A_221] : memref<8x!tpu.dma_semaphore, #tpu.memory_space<semaphore_mem>> -> memref<1x!tpu.dma_semaphore, #tpu.memory_space<semaphore_mem>>
    %dma_wait3A_229 = tpu.memref_squeeze %dma_wait3A_228 : memref<1x!tpu.dma_semaphore, #tpu.memory_space<semaphore_mem>> -> memref<!tpu.dma_semaphore, #tpu.memory_space<semaphore_mem>>
    %dma_wait3A_230 = arith.constant 0 : i32
    %dma_wait3A_231 = tpu.memref_slice %arg5[%add3A_219, %dma_wait3A_230] : memref<819200x64xf32, #tpu.memory_space<hbm>> -> memref<128x64xf32, #tpu.memory_space<hbm>>
    %dma_wait3A_232 = arith.constant 0 : i32
    %dma_wait3A_233 = arith.constant 0 : i32
    %dma_wait3A_234 = tpu.memref_slice %arg8[%dma_wait3A_220, %dma_wait3A_232, %dma_wait3A_233] : memref<8x128x64xf32, #tpu.memory_space<vmem>> -> memref<1x128x64xf32, #tpu.memory_space<vmem>>
    %dma_wait3A_235 = tpu.memref_squeeze %dma_wait3A_234 : memref<1x128x64xf32, #tpu.memory_space<vmem>> -> memref<128x64xf32, #tpu.memory_space<vmem>>
    tpu.wait_dma2 semaphore(%dma_wait3A_229 : memref<!tpu.dma_semaphore, #tpu.memory_space<semaphore_mem>>) src(%dma_wait3A_235 : memref<128x64xf32, #tpu.memory_space<vmem>>) dst(%dma_wait3A_231 : memref<128x64xf32, #tpu.memory_space<hbm>>)
    %add3A_236 = arith.constant 25472 : i32
    %add3A_237 = arith.addi %mul3A_2, %add3A_236 : i32
    %dma_wait3A_238 = arith.constant 7 : i32
    %dma_wait3A_239 = arith.constant 7 : i32
    %dma_wait3A_240 = arith.constant 0 : i32
    %dma_wait3A_241 = arith.constant 0 : i32
    %dma_wait3A_242 = tpu.memref_slice %arg8[%dma_wait3A_238, %dma_wait3A_240, %dma_wait3A_241] : memref<8x128x64xf32, #tpu.memory_space<vmem>> -> memref<1x128x64xf32, #tpu.memory_space<vmem>>
    %dma_wait3A_243 = tpu.memref_squeeze %dma_wait3A_242 : memref<1x128x64xf32, #tpu.memory_space<vmem>> -> memref<128x64xf32, #tpu.memory_space<vmem>>
    %dma_wait3A_244 = arith.constant 0 : i32
    %dma_wait3A_245 = tpu.memref_slice %arg5[%add3A_237, %dma_wait3A_244] : memref<819200x64xf32, #tpu.memory_space<hbm>> -> memref<128x64xf32, #tpu.memory_space<hbm>>
    %dma_wait3A_246 = tpu.memref_slice %arg10[%dma_wait3A_239] : memref<8x!tpu.dma_semaphore, #tpu.memory_space<semaphore_mem>> -> memref<1x!tpu.dma_semaphore, #tpu.memory_space<semaphore_mem>>
    %dma_wait3A_247 = tpu.memref_squeeze %dma_wait3A_246 : memref<1x!tpu.dma_semaphore, #tpu.memory_space<semaphore_mem>> -> memref<!tpu.dma_semaphore, #tpu.memory_space<semaphore_mem>>
    %dma_wait3A_248 = arith.constant 0 : i32
    %dma_wait3A_249 = tpu.memref_slice %arg5[%add3A_237, %dma_wait3A_248] : memref<819200x64xf32, #tpu.memory_space<hbm>> -> memref<128x64xf32, #tpu.memory_space<hbm>>
    %dma_wait3A_250 = arith.constant 0 : i32
    %dma_wait3A_251 = arith.constant 0 : i32
    %dma_wait3A_252 = tpu.memref_slice %arg8[%dma_wait3A_238, %dma_wait3A_250, %dma_wait3A_251] : memref<8x128x64xf32, #tpu.memory_space<vmem>> -> memref<1x128x64xf32, #tpu.memory_space<vmem>>
    %dma_wait3A_253 = tpu.memref_squeeze %dma_wait3A_252 : memref<1x128x64xf32, #tpu.memory_space<vmem>> -> memref<128x64xf32, #tpu.memory_space<vmem>>
    tpu.wait_dma2 semaphore(%dma_wait3A_247 : memref<!tpu.dma_semaphore, #tpu.memory_space<semaphore_mem>>) src(%dma_wait3A_253 : memref<128x64xf32, #tpu.memory_space<vmem>>) dst(%dma_wait3A_249 : memref<128x64xf32, #tpu.memory_space<hbm>>)
    return
  }
}

</mosaic_0001>

<sc_bundles>
// kernel: kernel.3.cloned.1.call-start
scs
__scs_entry_jumppad:
0x0: {  	(pc) =	sbr.rel $0x88, $3  }
0x1: {  	(tag) =	ssettag $0x0;
	lr =	simm.s32 $0x1  }
0x2: {  	[smem:$0x3F9E] =	sst lr;
	_ =	strace $0xD0000000  }
0x3: {  	_ = 	snop  }
0x4: {  	_ = 	snop  }
0x5: {  	_ = 	snop  }
0x6: {  	_ = 	snop  }
0x7: {  	_ = 	snop  }
__scs_overlays_trampoline_lowered:
0x8: {  	[smem:$0x3FAD] =	sst s0  }
0x9: {  	[smem:$0x3FAE] =	sst s1  }
0xa: {  	[smem:$0x3FAF] =	sst s2  }
0xb: {  	[smem:$0x3FB0] =	sst s3  }
0xc: {  	[smem:$0x3FB1] =	sst s4  }
0xd: {  	[smem:$0x3FB2] =	sst s5  }
0xe: {  	[smem:$0x3FB3] =	sst s6  }
0xf: {  	[smem:$0x3FB4] =	sst s7  }
0x10: {  	[smem:$0x3FB5] =	sst s8  }
0x11: {  	[smem:$0x3FB6] =	sst s9;
	s0 =	simm.s32 @!p0 $0x0  }
0x12: {  	s1 =	sld [smem:$0x3F9C];
	s0 =	simm.s32 @p0 $0x1  }
0x13: {  	[smem:$0x3FB7] =	sst s0;
	s0 =	simm.s32 @!p1 $0x0  }
0x14: {  	s2 =	sld [smem:$0x3F9B];
	s0 =	simm.s32 @p1 $0x1  }
0x15: {  	[smem:$0x3FB8] =	sst s0;
	s0 =	simm.s32 @!p2 $0x0  }
0x16: {  	s3 =	sld [smem:$0x3FDB];
	s0 =	simm.s32 @p2 $0x1  }
0x17: {  	s4 =	simm.s32 $0x1BF5;
	[smem:$0x3FBA] =	sst s0  }
0x18: {  	s0 =	sld [smem:$0x3F9D];
	_ =	swait.ge [sflag:s4], $0x0  }
0x19: {  	s7 =	sld [smem:$0x3F9E]  }
0x1a: {  	s8 =	sadd.s32 $0xFFFFE003, lr  }
0x1b: {  	s9 =	sadd.s32 $0xFFFFFEF7, lr;
	s5 =	simm.s32 $0xFFFFFFFF;
	p2 =	slt.u32 s8, $0xFFFFF086  }
0x1c: {  	p1 =	slt.u32 s9, $0xF7A;
	s5 =	simm.s32 @!p2 $0x0  }
0x1d: {  	s5 =	simm.s32 @p1 $0x1;
	p0 =	seq.s32 s7, s2  }
0x1e: {  	s7 =	smul.u32 @!p0 $0xF7A, s2;
	p2 =	seq.s32 @!p0 s5, $0x0  }
0x1f: {  	s9 =	smul.u32 $0xF7A, s1;
	s8 =	simm.s32 @!p0 $0x1BF5;
	p2 =	por !p2, p0  }
0x20: {  	[sflag:s8] =	ssyncset.s32 @!p0 $0xFFFFF086;
	s6 =	sadd.s32 @!p0 s3, s7;
	s7 =	simm.s32 @!p0 $0x108  }
0x21: {  	s3 =	sadd.s32 s3, s9;
	s6 =	sadd.s32 @!p0 $0x88, s6;
	s7 =	simm.s32 @p2 $0x1082  }
0x22: {  	[simem:s7], [sflag:s8] =	dma.local @!p0 [hbm:s6], $0xF7A  }
0x23: {  	s9 =	sor.u32 $0xD0000000, s2;
	s6 =	simm.s32 $0x108;
	_ =	swait.ge @!p0 [sflag:s8], $0x0  }
0x24: {  	s3 =	sadd.s32 $0x88, s3;
	s6 =	simm.s32 @!p1 $0x1082;
	[sflag:s4] =	ssyncset.s32 $0xFFFFF086  }
0x25: {  	[simem:s6], [sflag:s4] =	dma.local [hbm:s3], $0xF7A  }
0x26: {  	[smem:$0x3F9E] =	sst s1;
	(tag) =	ssettag s2;
	_ =	strace s9  }
0x27: {  	s1 =	sld [smem:$0x3FAE]  }
0x28: {  	s2 =	sld [smem:$0x3FAF]  }
0x29: {  	s4 =	sld [smem:$0x3FB1]  }
0x2a: {  	p0 =	seq.s32 s5, $0x0;
	s5 =	sld [smem:$0x3FB2]  }
0x2b: {  	s6 =	sld [smem:$0x3FB3]  }
0x2c: {  	s7 =	sld [smem:$0x3FB4]  }
0x2d: {  	s3 =	simm.s32 $0x108;
	s8 =	sld [smem:$0x3FB5]  }
0x2e: {  	s3 =	simm.s32 @!p0 $0x1082;
	s9 =	sld [smem:$0x3FB6]  }
0x2f: {  	lr =	sadd.s32 s0, s3;
	s0 =	sld [smem:$0x3FAD]  }
0x30: {  	s3 =	sld [smem:$0x3FB0]  }
0x31: {  	[smem:$0x3FB9] =	sst s10  }
0x32: {  	s10 =	sld [smem:$0x3FB7];
	_ =	sdelay $0x3  }
0x33: {  	p0 =	seq.s32 s10, $0x1;
	s10 =	sld [smem:$0x3FB9];
	_ =	sdelay $0x3  }
0x34: {  	[smem:$0x3FB9] =	sst s10  }
0x35: {  	s10 =	sld [smem:$0x3FB8];
	_ =	sdelay $0x3  }
0x36: {  	p1 =	seq.s32 s10, $0x1;
	s10 =	sld [smem:$0x3FB9];
	_ =	sdelay $0x3  }
0x37: {  	[smem:$0x3FB9] =	sst s10  }
0x38: {  	s10 =	sld [smem:$0x3FBA]  }
0x39: {  	_ = 	snop;
	(pc) =	sbr.ind lr, $3  }
0x3a: {  	_ = 	snop  }
0x3b: {  	_ = 	snop  }
0x3c: {  	p2 =	seq.s32 s10, $0x1;
	s10 =	sld [smem:$0x3FB9]  }
0x3d: {  	_ =	shalt  }
0x3e: {  	_ =	shalt  }
0x3f: {  	_ =	shalt  }
0x40: {  	_ =	shalt  }
0x41: {  	_ =	shalt  }
0x42: {  	_ =	shalt  }
0x43: {  	_ =	shalt  }
0x44: {  	_ =	shalt  }
0x45: {  	_ =	shalt  }
0x46: {  	_ =	shalt  }
0x47: {  	_ =	shalt  }
0x48: {  	_ =	shalt  }
0x49: {  	_ =	shalt  }
0x4a: {  	_ =	shalt  }
0x4b: {  	_ =	shalt  }
0x4c: {  	_ =	shalt  }
0x4d: {  	_ =	shalt  }
0x4e: {  	_ =	shalt  }
0x4f: {  	_ =	shalt  }
0x50: {  	_ =	shalt  }
0x51: {  	_ =	shalt  }
0x52: {  	_ =	shalt  }
0x53: {  	_ =	shalt  }
0x54: {  	_ =	shalt  }
0x55: {  	_ =	shalt  }
0x56: {  	_ =	shalt  }
0x57: {  	_ =	shalt  }
0x58: {  	_ =	shalt  }
0x59: {  	_ =	shalt  }
0x5a: {  	_ =	shalt  }
0x5b: {  	_ =	shalt  }
0x5c: {  	_ =	shalt  }
0x5d: {  	_ =	shalt  }
0x5e: {  	_ =	shalt  }
0x5f: {  	_ =	shalt  }
0x60: {  	_ =	shalt  }
0x61: {  	_ =	shalt  }
0x62: {  	_ =	shalt  }
0x63: {  	_ =	shalt  }
0x64: {  	_ =	shalt  }
0x65: {  	_ =	shalt  }
0x66: {  	_ =	shalt  }
0x67: {  	_ =	shalt  }
0x68: {  	_ =	shalt  }
0x69: {  	_ =	shalt  }
0x6a: {  	_ =	shalt  }
0x6b: {  	_ =	shalt  }
0x6c: {  	_ =	shalt  }
0x6d: {  	_ =	shalt  }
0x6e: {  	_ =	shalt  }
0x6f: {  	_ =	shalt  }
0x70: {  	_ =	shalt  }
0x71: {  	_ =	shalt  }
0x72: {  	_ =	shalt  }
0x73: {  	_ =	shalt  }
0x74: {  	_ =	shalt  }
0x75: {  	_ =	shalt  }
0x76: {  	_ =	shalt  }
0x77: {  	_ =	shalt  }
0x78: {  	_ =	shalt  }
0x79: {  	_ =	shalt  }
0x7a: {  	_ =	shalt  }
0x7b: {  	_ =	shalt  }
0x7c: {  	_ =	shalt  }
0x7d: {  	_ =	shalt  }
0x7e: {  	_ =	shalt  }
0x7f: {  	_ =	shalt  }
0x80: {  	_ =	shalt  }
0x81: {  	_ =	shalt  }
0x82: {  	_ =	shalt  }
0x83: {  	_ =	shalt  }
0x84: {  	_ =	shalt  }
0x85: {  	_ =	shalt  }
0x86: {  	_ =	shalt  }
0x87: {  	_ =	shalt  }
.Lfunc_end0:
.L_simem_size_0:
called_computation.1_lowered:
.L_overlay_start_0:
0x88: {  	s2 =	sld [smem:$0x3FD9]  }
0x89: {  	s3 =	sld [smem:$0x3FFE];
	_ =	sdelay $0x1  }
0x8a: {  	s1 =	srdreg.scid  }
0x8b: {  	s0 =	sand.u32 $0x1, s1  }
0x8c: {  	s17 =	sshll.u32 s0, $0xA;
	s2 =	sadd.s32 s3, s2  }
0x8d: {  	s2 =	sadd.s32 s2, s17  }
0x8e: {  	[smem:$0x3FC5] =	sst s2  }
0x8f: {  	_ = 	snop  }
0x90: {  	s2 =	sld [smem:$0x3FD0];
	(tm) =	ssettm $0x1  }
0x91: {  	s18 =	sld [smem:$0x3FFB];
	_ =	sdelay $0x3  }
0x92: {  	_ =	strace s18  }
0x93: {  	s3 =	sld [smem:$0x3FFC];
	_ =	sdelay $0x3  }
0x94: {  	_ =	strace s3  }
0x95: {  	s3 =	sld [smem:$0x3FFD];
	_ =	sdelay $0x3  }
0x96: {  	_ =	strace s3  }
0x97: {  	_ =	strace $0x8FFFFFFF  }
0x98: {  	s19 =	sld [smem:$0x3FDB];
	_ =	sdelay $0x1  }
0x99: {  	s4 =	simm.s32 $_scs_section_size  }
0x9a: {  	s5 =	simm.s32 $_size__tile_overlayer_lowered;
	s6 =	simm.s32 $_tile_overlayer_lowered  }
0x9b: {  	s22 =	simm.s32 $0x1BFF;
	s21 =	sshll.u32 s6, $0x1;
	s3 =	sadd.s32 s4, s19  }
0x9c: {  	s7 =	simm.s32 $0x0;
	s20 =	sshll.u32 s5, $0x1;
	s5 =	sadd.s32 s21, s3  }
0x9d: {  	[timem:s7], [sflag:s22] =	dma.local [hbm:s5], s20  }
0x9e: {  	_ =	swait.ge [sflag:s22], s20  }
0x9f: {  	s4 =	ssub.s32 $0x0, s20;
	[sflag:s22] =	ssyncset.done $0x0  }
0xa0: {  	[sflag:s22] =	ssyncadd.s32 s4;
	_ =	sdelay $0x1  }
0xa1: {  	s23 =	simm.s32 $0x1B8B  }
0xa2: {  	_ =	swait.ge [sflag:s23], $0x1  }
0xa3: {  	[sflag:s23] =	ssyncset.done $0x0  }
0xa4: {  	s25 =	simm.s32 $0x1B8E;
	s24 =	sld [smem:$0x3FFE];
	[sflag:s23] =	ssyncadd.s32 $0xFFFFFFFF  }
0xa5: {  	s26 =	simm.s32 $execute0_lowered;
	[smem:$0x3FD2] =	sst s25  }
0xa6: {  	s5 =	sshll.u32 s26, $0x1;
	_ =	strace $0x80000046;
	[dreg:$0x1] =	wrdreg $0xFFFFFFFF  }
0xa7: {  	s28 =	simm.s32 $_size_execute0_lowered;
	s3 =	sadd.s32 s3, s5;
	[dreg:$0x0] =	wrdreg $0x0  }
0xa8: {  	s5 =	sshll.u32 s28, $0x1;
	[dreg:$0x2] =	wrdreg s3  }
0xa9: {  	[dreg:$0x3] =	wrdreg s5  }
0xaa: {  	[dreg:$0x4] =	wrdreg $0xC0  }
0xab: {  	_ =	task [dreg:s7], $0x5FFFF  }
0xac: {  	[dreg:$0x1] =	wrdreg $0xFFFFFFFF  }
0xad: {  	[dreg:$0x0] =	wrdreg $0x60  }
0xae: {  	[dreg:$0x2] =	wrdreg s24  }
0xaf: {  	[dreg:$0x3] =	wrdreg s2  }
0xb0: {  	[dreg:$0x4] =	wrdreg $0x9  }
0xb1: {  	_ =	task.clear_ibuf [dreg:s7], $0x5FFFF;
	_ =	strace $0x90000046  }
0xb2: {  	s29 =	simm.s32 $0x9;
	_ =	strace $0x80000048  }
0xb3: {  	_ =	swait.ge [sflag:s29], $0x1  }
0xb4: {  	[sflag:s29] =	ssyncadd.s32 $0xFFFFFFFF  }
0xb5: {  	_ =	strace $0x90000048  }
0xb6: {  	_ =	sfence  }
0xb7: {  	s30 =	sld [smem:$0x0];
	_ =	sdelay $0x2  }
0xb8: {  	s31 =	sshll.u32 s1, $0xD;
	s1 =	sshrl.u32 s1, $0x2  }
0xb9: {  	s3 =	sand.u32 $0x4000, s31;
	s1 =	sadd.s32 s1, s30  }
0xba: {  	s0 =	sor.u32 s3, s0;
	s1 =	sshll.u32 s1, $0x11  }
0xbb: {  	s0 =	sor.u32 s1, s0  }
0xbc: {  	s0 =	sadd.s32 $0x8F2B, s0  }
0xbd: {  	[sflag:s0] =	ssyncadd.remote.s32 $0x1  }
0xbe: {  	_ =	sfence.sel $0xFFFF  }
0xbf: {  	[dreg:$0x0] =	wrdreg $0xFFFFFFFF;
	(pc) =	sbr.abs _section_cstart, $3  }
0xc0: {  	[dreg:$0x1] =	wrdreg $0xFFFFFFFF  }
0xc1: {  	_ =	task.clear_ibuf [dreg:s7], $0x2FFFF;
	_ =	strace $0x9FFFFFFF  }
0xc2: {  	(tm) =	ssettm $0x7FFFFFFF  }
0xc3: {  	_ =	shalt  }
tec
execute0_lowered:
.L_overlay_start_1:
0x0: {  	(tag) =	ssettag $0x1  }
0x1: {  	s0 =	srdreg.scid  }
0x2: {  	s1 =	stileid.u32;
	s6 =	rddreg [dreg:$0x0]  }
0x3: {  	s2 =	rddreg [dreg:$0x1];
	s4 =	simm.s32 $0x0;
	s11 =	simm.s32 $0x80  }
0x4: {  	s13 =	simm.s32 $0xB600;
	s15 =	simm.s32 $0xD600;
	s17 =	simm.s32 $0xF600  }
0x5: {  	s19 =	simm.s32 $0x11600;
	s21 =	simm.s32 $0x13600;
	s23 =	simm.s32 $0x15600  }
0x6: {  	s25 =	simm.s32 $0x17600;
	s26 =	simm.s32 $0x1;
	s28 =	simm.s32 $0x2  }
0x7: {  	s29 =	simm.s32 $0x3;
	s30 =	simm.s32 $0x4;
	s31 =	simm.s32 $0x5  }
0x8: {  	s10 =	simm.s32 $0x8;
	s0 =	sand.u32 $0x1, s0;
	s1 =	sshll.u32 s1, $0x1  }
0x9: {  	s22 =	simm.s32 $0xD;
	s1 =	sor.u32 s0, s1;
	s0 =	ssub.s32 $0x2, s0  }
0xa: {  	[smem:$0x7FF] =	sst s4;
	s3 =	smul.u32 $0x6400, s1;
	s7 =	sshrl.u32 s0, $0x1  }
.Ltmp0:
0xb: {  	s5 =	sadd.s32 $0xF43000, s6;
	s0 =	ssub.s32 s0, s7;
	(pc) =	sbr.rel .LBB2_1-.Ltmp0, $4  }
0xc: {  	_ =	strace $0x80000047;
	s1 =	sshrl.u32 s3, $0x3;
	s0 =	smax.u32 s0, $0x1  }
0xd: {  	s1 =	sadd.s32 s1, s6;
	s6 =	sadd.s32 $0x19C00, s6;
	[dreg:$0x5] =	wrdreg s0  }
0xe: {  	s8 =	simm.s32 $0x0;
	[dreg:$0x3] =	wrdreg s6;
	s1 =	sadd.s32 $0xC00, s1  }
0xf: {  	s0 =	simm.s32 $0x7;
	[dreg:$0x4] =	wrdreg s1;
	s1 =	simm.s32 $0x6  }
.LBB2_20:
0x10: {  	s6 =	simm.s32 $0x9  }
0x11: {  	_ =	swait.ge [sflag:s6], $0x2000  }
0x12: {  	[sflag:s6] =	ssyncset.done $0x0  }
0x13: {  	s12 =	simm.s32 $0xA;
	[sflag:s6] =	ssyncadd.s32 $0xFFFFE000  }
0x14: {  	_ =	swait.ge [sflag:s12], $0x2000  }
0x15: {  	[sflag:s12] =	ssyncset.done $0x0  }
0x16: {  	s14 =	simm.s32 $0xB;
	[sflag:s12] =	ssyncadd.s32 $0xFFFFE000  }
0x17: {  	_ =	swait.ge [sflag:s14], $0x2000  }
0x18: {  	[sflag:s14] =	ssyncset.done $0x0  }
0x19: {  	s16 =	simm.s32 $0xC;
	[sflag:s14] =	ssyncadd.s32 $0xFFFFE000  }
0x1a: {  	_ =	swait.ge [sflag:s16], $0x2000  }
0x1b: {  	[sflag:s16] =	ssyncset.done $0x0  }
0x1c: {  	[sflag:s16] =	ssyncadd.s32 $0xFFFFE000  }
0x1d: {  	_ =	swait.ge [sflag:s22], $0x2000  }
0x1e: {  	[sflag:s22] =	ssyncset.done $0x0  }
0x1f: {  	s18 =	simm.s32 $0xE;
	[sflag:s22] =	ssyncadd.s32 $0xFFFFE000  }
0x20: {  	_ =	swait.ge [sflag:s18], $0x2000  }
0x21: {  	[sflag:s18] =	ssyncset.done $0x0  }
0x22: {  	s20 =	simm.s32 $0xF;
	[sflag:s18] =	ssyncadd.s32 $0xFFFFE000  }
0x23: {  	_ =	swait.ge [sflag:s20], $0x2000  }
0x24: {  	[sflag:s20] =	ssyncset.done $0x0  }
0x25: {  	s7 =	simm.s32 $0x10;
	[sflag:s20] =	ssyncadd.s32 $0xFFFFE000  }
0x26: {  	_ =	swait.ge [sflag:s7], $0x2000  }
0x27: {  	s8 =	rddreg [dreg:$0x6]  }
0x28: {  	s24 =	rddreg [dreg:$0x5];
	s8 =	sadd.s32 $0x1, s8  }
0x29: {  	p0 =	sne.s32 s8, s24  }
.Ltmp1:
0x2a: {  	_ = 	snop;
	(pc) =	sbr.rel @!p0 .LBB2_21-.Ltmp1, $3  }
0x2b: {  	_ =	sdelay $0x1  }
0x2c: {  	[sflag:s7] =	ssyncset.done $0x0  }
0x2d: {  	[sflag:s7] =	ssyncadd.s32 $0xFFFFE000  }
.LBB2_1:
0x2e: {  	[dreg:$0x6] =	wrdreg s8  }
0x2f: {  	s6 =	rddreg [dreg:$0x4];
	s7 =	simm.s32 $0x11  }
0x30: {  	[tilespmem:s4], [sflag:$0x11] =	stream.linear.gather [hbm4b:s6+s4], $0x6400, $0x38;
	[tilespmem:$0x19600] =	vst v63  }
0x31: {  	_ =	swait.ge [sflag:s7], $0x6400  }
0x32: {  	[sflag:s7] =	ssyncset.done $0x0  }
0x33: {  	s24 =	simm.s32 $0x6400;
	s20 =	rddreg [dreg:$0x3];
	[sflag:s7] =	ssyncadd.s32 $0xFFFF9C00  }
0x34: {  	[tilespmem:s24], [sflag:$0x11] =	stream.linear.gather [hbm4b:s20+s4], $0x3200, $0x38;
	[tilespmem:$0x19600] =	vst v63  }
0x35: {  	_ =	swait.ge [sflag:s7], $0x3200  }
0x36: {  	[sflag:s7] =	ssyncset.done $0x0  }
0x37: {  	s9 =	simm.s32 $0x9600;
	[sflag:s7] =	ssyncadd.s32 $0xFFFFCE00  }
0x38: {  	[tilespmem:s9], [sflag:$0x1] =	stream.indirect.gather [hbm4b:s5+s11], $0x40, s4, s11, $0xb8;
	[tilespmem:$0x19600] =	vst v63  }
0x39: {  	_ = 	snop  }
0x3a: {  	[tilespmem:s13], [sflag:$0x2] =	stream.indirect.gather [hbm4b:s5+s11], $0x40, s11, s11, $0xb8;
	[tilespmem:$0x19600] =	vst v63  }
0x3b: {  	s12 =	simm.s32 $0x100  }
0x3c: {  	[tilespmem:s15], [sflag:$0x3] =	stream.indirect.gather [hbm4b:s5+s11], $0x40, s12, s11, $0xb8;
	[tilespmem:$0x19600] =	vst v63  }
0x3d: {  	s14 =	simm.s32 $0x180  }
0x3e: {  	[tilespmem:s17], [sflag:$0x4] =	stream.indirect.gather [hbm4b:s5+s11], $0x40, s14, s11, $0xb8;
	[tilespmem:$0x19600] =	vst v63  }
0x3f: {  	s16 =	simm.s32 $0x200  }
0x40: {  	[tilespmem:s19], [sflag:$0x5] =	stream.indirect.gather [hbm4b:s5+s11], $0x40, s16, s11, $0xb8;
	[tilespmem:$0x19600] =	vst v63  }
0x41: {  	s18 =	simm.s32 $0x280  }
0x42: {  	[tilespmem:s21], [sflag:$0x6] =	stream.indirect.gather [hbm4b:s5+s11], $0x40, s18, s11, $0xb8;
	[tilespmem:$0x19600] =	vst v63  }
0x43: {  	s20 =	simm.s32 $0x300  }
0x44: {  	[tilespmem:s23], [sflag:$0x7] =	stream.indirect.gather [hbm4b:s5+s11], $0x40, s20, s11, $0xb8;
	[tilespmem:$0x19600] =	vst v63  }
0x45: {  	s24 =	simm.s32 $0x380;
	s14 =	simm.s32 $0x0  }
0x46: {  	[tilespmem:s25], [sflag:$0x8] =	stream.indirect.gather [hbm4b:s5+s11], $0x40, s24, s11, $0xb8;
	[tilespmem:$0x19600] =	vst v63  }
.LBB2_2:
0x47: {  	s16 =	sshll.u32 s14, $0xA  }
0x48: {  	_ =	swait.ge [sflag:s26], $0x2000;
	s6 =	sadd.s32 s3, s16  }
0x49: {  	[sflag:s26] =	ssyncset.done $0x0;
	s7 =	sshrl.u32 s6, $0x6  }
0x4a: {  	[sflag:s26] =	ssyncadd.s32 $0xFFFFE000;
	s7 =	sand.u32 $0x1FFFFC0, s7  }
0x4b: {  	v0 =	vld [tilespmem:s7+$0x6400]  }
0x4c: {  	v2 =	vld [tilespmem:s7+$0x6430]  }
0x4d: {  	v3 =	vld [tilespmem:s7+$0x6420]  }
0x4e: {  	v1 =	vld [tilespmem:s7+$0x6410]  }
0x4f: {  	s7 =	simm.s32 $0x9600  }
0x50: {  	[tilespmem:s7+$0x0] =	vst.add.f32.msk $0xffff, v0  }
0x51: {  	[tilespmem:s7+$0xF0] =	vst.add.f32.msk $0xffff, v2  }
0x52: {  	[tilespmem:s7+$0xE0] =	vst.add.f32.msk $0xffff, v3  }
0x53: {  	[tilespmem:s7+$0xD0] =	vst.add.f32.msk $0xffff, v1  }
0x54: {  	[tilespmem:s7+$0xC0] =	vst.add.f32.msk $0xffff, v0  }
0x55: {  	[tilespmem:s7+$0xB0] =	vst.add.f32.msk $0xffff, v2  }
0x56: {  	[tilespmem:s7+$0xA0] =	vst.add.f32.msk $0xffff, v3  }
0x57: {  	[tilespmem:s7+$0x90] =	vst.add.f32.msk $0xffff, v1  }
0x58: {  	[tilespmem:s7+$0x80] =	vst.add.f32.msk $0xffff, v0  }
0x59: {  	[tilespmem:s7+$0x70] =	vst.add.f32.msk $0xffff, v2  }
0x5a: {  	[tilespmem:s7+$0x60] =	vst.add.f32.msk $0xffff, v3  }
0x5b: {  	[tilespmem:s7+$0x50] =	vst.add.f32.msk $0xffff, v1  }
0x5c: {  	[tilespmem:s7+$0x40] =	vst.add.f32.msk $0xffff, v0  }
0x5d: {  	[tilespmem:s7+$0x30] =	vst.add.f32.msk $0xffff, v2  }
0x5e: {  	s9 =	simm.s32 $0x0;
	[tilespmem:s7+$0x20] =	vst.add.f32.msk $0xffff, v3  }
.LBB2_3:
0x5f: {  	s9 =	sadd.s32 $0x4, s9;
	[tilespmem:s7+$0x10] =	vst.add.f32.msk $0xffff, v1;
	s7 =	sadd.s32 $0x100, s7  }
0x60: {  	[tilespmem:s7+$0x0] =	vst.add.f32.msk $0xffff, v0;
	p0 =	slt.u32 s9, $0x7C  }
0x61: {  	[tilespmem:s7+$0xF0] =	vst.add.f32.msk $0xffff, v2  }
0x62: {  	[tilespmem:s7+$0xE0] =	vst.add.f32.msk $0xffff, v3  }
0x63: {  	[tilespmem:s7+$0xD0] =	vst.add.f32.msk $0xffff, v1  }
0x64: {  	[tilespmem:s7+$0xC0] =	vst.add.f32.msk $0xffff, v0  }
0x65: {  	[tilespmem:s7+$0xB0] =	vst.add.f32.msk $0xffff, v2  }
0x66: {  	[tilespmem:s7+$0xA0] =	vst.add.f32.msk $0xffff, v3  }
0x67: {  	[tilespmem:s7+$0x90] =	vst.add.f32.msk $0xffff, v1  }
0x68: {  	[tilespmem:s7+$0x80] =	vst.add.f32.msk $0xffff, v0  }
0x69: {  	[tilespmem:s7+$0x70] =	vst.add.f32.msk $0xffff, v2  }
.Ltmp2:
0x6a: {  	[tilespmem:s7+$0x60] =	vst.add.f32.msk $0xffff, v3;
	(pc) =	sbr.rel @p0 .LBB2_3-.Ltmp2, $4  }
0x6b: {  	[tilespmem:s7+$0x50] =	vst.add.f32.msk $0xffff, v1  }
0x6c: {  	[tilespmem:s7+$0x40] =	vst.add.f32.msk $0xffff, v0  }
0x6d: {  	[tilespmem:s7+$0x30] =	vst.add.f32.msk $0xffff, v2  }
0x6e: {  	[tilespmem:s7+$0x20] =	vst.add.f32.msk $0xffff, v3  }
0x6f: {  	s6 =	sshll.u32 s6, $0x3  }
0x70: {  	[tilespmem:s7+$0x10] =	vst.add.f32.msk $0xffff, v1;
	s20 =	simm.s32 $0x9600;
	p0 =	seq.s32 s14, $0x0;
	s6 =	sadd.s32 s2, s6  }
0x71: {  	[hbm4b:s6+s4] =	stream.linear.scatter [tilespmem:s20], [sflag:$0x9], $0x2000, $0x38;
	[tilespmem:$0x19600] =	vst v63  }
0x72: {  	s6 =	simm.s32 @!p0 $0xE  }
0x73: {  	s7 =	sshll.u32 s14, $0x3;
	_ =	swait.ge @!p0 [sflag:s6], $0x2000  }
0x74: {  	s18 =	sor.u32 $0x5, s7;
	[sflag:s6] =	ssyncset.done @!p0 $0x0  }
0x75: {  	[sflag:s6] =	ssyncadd.s32 @!p0 $0xFFFFE000;
	s6 =	sshll.u32 @!p0 s18, $0x7  }
0x76: {  	s8 =	simm.s32 @!p0 $0x80;
	s9 =	simm.s32 @!p0 $0x13600;
	s6 =	sand.u32 @!p0 $0x3FFFFF80, s6  }
0x77: {  	[tilespmem:s9], [sflag:$0x6] =	stream.indirect.gather @!p0 [hbm4b:s5+s8], $0x40, s6, s8, $0xb8;
	[tilespmem:$0x19600] =	vst v63  }
0x78: {  	s6 =	sadd.s32 s16, s3  }
0x79: {  	_ =	swait.ge [sflag:s28], $0x2000;
	s20 =	sadd.s32 $0x80, s6  }
0x7a: {  	[sflag:s28] =	ssyncset.done $0x0;
	s24 =	sshrl.u32 s20, $0x6  }
0x7b: {  	[sflag:s28] =	ssyncadd.s32 $0xFFFFE000;
	s8 =	sand.u32 $0x1FFFFC0, s24  }
0x7c: {  	v1 =	vld [tilespmem:s8+$0x6400]  }
0x7d: {  	v2 =	vld [tilespmem:s8+$0x6430]  }
0x7e: {  	v3 =	vld [tilespmem:s8+$0x6420]  }
0x7f: {  	v0 =	vld [tilespmem:s8+$0x6410]  }
0x80: {  	s24 =	simm.s32 $0xB600  }
0x81: {  	[tilespmem:s24+$0x0] =	vst.add.f32.msk $0xffff, v1  }
0x82: {  	[tilespmem:s24+$0xF0] =	vst.add.f32.msk $0xffff, v2  }
0x83: {  	[tilespmem:s24+$0xE0] =	vst.add.f32.msk $0xffff, v3  }
0x84: {  	[tilespmem:s24+$0xD0] =	vst.add.f32.msk $0xffff, v0  }
0x85: {  	[tilespmem:s24+$0xC0] =	vst.add.f32.msk $0xffff, v1  }
0x86: {  	[tilespmem:s24+$0xB0] =	vst.add.f32.msk $0xffff, v2  }
0x87: {  	[tilespmem:s24+$0xA0] =	vst.add.f32.msk $0xffff, v3  }
0x88: {  	[tilespmem:s24+$0x90] =	vst.add.f32.msk $0xffff, v0  }
0x89: {  	[tilespmem:s24+$0x80] =	vst.add.f32.msk $0xffff, v1  }
0x8a: {  	[tilespmem:s24+$0x70] =	vst.add.f32.msk $0xffff, v2  }
0x8b: {  	[tilespmem:s24+$0x60] =	vst.add.f32.msk $0xffff, v3  }
0x8c: {  	[tilespmem:s24+$0x50] =	vst.add.f32.msk $0xffff, v0  }
0x8d: {  	[tilespmem:s24+$0x40] =	vst.add.f32.msk $0xffff, v1  }
0x8e: {  	[tilespmem:s24+$0x30] =	vst.add.f32.msk $0xffff, v2  }
0x8f: {  	s9 =	simm.s32 $0x0;
	[tilespmem:s24+$0x20] =	vst.add.f32.msk $0xffff, v3  }
.LBB2_5:
0x90: {  	s9 =	sadd.s32 $0x4, s9;
	[tilespmem:s24+$0x10] =	vst.add.f32.msk $0xffff, v0;
	s24 =	sadd.s32 $0x100, s24  }
0x91: {  	[tilespmem:s24+$0x0] =	vst.add.f32.msk $0xffff, v1;
	p1 =	slt.u32 s9, $0x7C  }
0x92: {  	[tilespmem:s24+$0xF0] =	vst.add.f32.msk $0xffff, v2  }
0x93: {  	[tilespmem:s24+$0xE0] =	vst.add.f32.msk $0xffff, v3  }
0x94: {  	[tilespmem:s24+$0xD0] =	vst.add.f32.msk $0xffff, v0  }
0x95: {  	[tilespmem:s24+$0xC0] =	vst.add.f32.msk $0xffff, v1  }
0x96: {  	[tilespmem:s24+$0xB0] =	vst.add.f32.msk $0xffff, v2  }
0x97: {  	[tilespmem:s24+$0xA0] =	vst.add.f32.msk $0xffff, v3  }
0x98: {  	[tilespmem:s24+$0x90] =	vst.add.f32.msk $0xffff, v0  }
0x99: {  	[tilespmem:s24+$0x80] =	vst.add.f32.msk $0xffff, v1  }
0x9a: {  	[tilespmem:s24+$0x70] =	vst.add.f32.msk $0xffff, v2  }
.Ltmp3:
0x9b: {  	[tilespmem:s24+$0x60] =	vst.add.f32.msk $0xffff, v3;
	(pc) =	sbr.rel @p1 .LBB2_5-.Ltmp3, $4  }
0x9c: {  	[tilespmem:s24+$0x50] =	vst.add.f32.msk $0xffff, v0  }
0x9d: {  	[tilespmem:s24+$0x40] =	vst.add.f32.msk $0xffff, v1  }
0x9e: {  	[tilespmem:s24+$0x30] =	vst.add.f32.msk $0xffff, v2  }
0x9f: {  	[tilespmem:s24+$0x20] =	vst.add.f32.msk $0xffff, v3  }
0xa0: {  	s8 =	sshll.u32 s20, $0x3  }
0xa1: {  	s8 =	sand.u32 $0x1FFFE400, s8  }
0xa2: {  	[tilespmem:s24+$0x10] =	vst.add.f32.msk $0xffff, v0;
	s8 =	sadd.s32 s2, s8  }
0xa3: {  	[hbm4b:s8+s4] =	stream.linear.scatter [tilespmem:s13], [sflag:$0xA], $0x2000, $0x38;
	[tilespmem:$0x19600] =	vst v63  }
0xa4: {  	s8 =	simm.s32 @!p0 $0xF  }
0xa5: {  	_ =	swait.ge @!p0 [sflag:s8], $0x2000  }
0xa6: {  	s20 =	sor.u32 $0x6, s7;
	[sflag:s8] =	ssyncset.done @!p0 $0x0  }
0xa7: {  	[sflag:s8] =	ssyncadd.s32 @!p0 $0xFFFFE000;
	s8 =	sshll.u32 @!p0 s20, $0x7  }
0xa8: {  	s9 =	simm.s32 @!p0 $0x80;
	s24 =	simm.s32 @!p0 $0x15600;
	s8 =	sand.u32 @!p0 $0x3FFFFF80, s8  }
0xa9: {  	[tilespmem:s24], [sflag:$0x7] =	stream.indirect.gather @!p0 [hbm4b:s5+s9], $0x40, s8, s9, $0xb8;
	[tilespmem:$0x19600] =	vst v63  }
0xaa: {  	s24 =	sadd.s32 $0x100, s6;
	_ =	swait.ge [sflag:s29], $0x2000  }
0xab: {  	s12 =	sshrl.u32 s24, $0x6;
	[sflag:s29] =	ssyncset.done $0x0  }
0xac: {  	s8 =	sand.u32 $0x1FFFFC0, s12;
	[sflag:s29] =	ssyncadd.s32 $0xFFFFE000  }
0xad: {  	v1 =	vld [tilespmem:s8+$0x6400]  }
0xae: {  	v2 =	vld [tilespmem:s8+$0x6430]  }
0xaf: {  	v3 =	vld [tilespmem:s8+$0x6420]  }
0xb0: {  	v0 =	vld [tilespmem:s8+$0x6410]  }
0xb1: {  	s9 =	simm.s32 $0xD600  }
0xb2: {  	[tilespmem:s9+$0x0] =	vst.add.f32.msk $0xffff, v1  }
0xb3: {  	[tilespmem:s9+$0xF0] =	vst.add.f32.msk $0xffff, v2  }
0xb4: {  	[tilespmem:s9+$0xE0] =	vst.add.f32.msk $0xffff, v3  }
0xb5: {  	[tilespmem:s9+$0xD0] =	vst.add.f32.msk $0xffff, v0  }
0xb6: {  	[tilespmem:s9+$0xC0] =	vst.add.f32.msk $0xffff, v1  }
0xb7: {  	[tilespmem:s9+$0xB0] =	vst.add.f32.msk $0xffff, v2  }
0xb8: {  	[tilespmem:s9+$0xA0] =	vst.add.f32.msk $0xffff, v3  }
0xb9: {  	[tilespmem:s9+$0x90] =	vst.add.f32.msk $0xffff, v0  }
0xba: {  	[tilespmem:s9+$0x80] =	vst.add.f32.msk $0xffff, v1  }
0xbb: {  	[tilespmem:s9+$0x70] =	vst.add.f32.msk $0xffff, v2  }
0xbc: {  	[tilespmem:s9+$0x60] =	vst.add.f32.msk $0xffff, v3  }
0xbd: {  	[tilespmem:s9+$0x50] =	vst.add.f32.msk $0xffff, v0  }
0xbe: {  	[tilespmem:s9+$0x40] =	vst.add.f32.msk $0xffff, v1  }
0xbf: {  	[tilespmem:s9+$0x30] =	vst.add.f32.msk $0xffff, v2  }
0xc0: {  	s8 =	simm.s32 $0x0;
	[tilespmem:s9+$0x20] =	vst.add.f32.msk $0xffff, v3  }
.LBB2_7:
0xc1: {  	s8 =	sadd.s32 $0x4, s8;
	[tilespmem:s9+$0x10] =	vst.add.f32.msk $0xffff, v0;
	s9 =	sadd.s32 $0x100, s9  }
0xc2: {  	[tilespmem:s9+$0x0] =	vst.add.f32.msk $0xffff, v1;
	p1 =	slt.u32 s8, $0x7C  }
0xc3: {  	[tilespmem:s9+$0xF0] =	vst.add.f32.msk $0xffff, v2  }
0xc4: {  	[tilespmem:s9+$0xE0] =	vst.add.f32.msk $0xffff, v3  }
0xc5: {  	[tilespmem:s9+$0xD0] =	vst.add.f32.msk $0xffff, v0  }
0xc6: {  	[tilespmem:s9+$0xC0] =	vst.add.f32.msk $0xffff, v1  }
0xc7: {  	[tilespmem:s9+$0xB0] =	vst.add.f32.msk $0xffff, v2  }
0xc8: {  	[tilespmem:s9+$0xA0] =	vst.add.f32.msk $0xffff, v3  }
0xc9: {  	[tilespmem:s9+$0x90] =	vst.add.f32.msk $0xffff, v0  }
0xca: {  	[tilespmem:s9+$0x80] =	vst.add.f32.msk $0xffff, v1  }
0xcb: {  	[tilespmem:s9+$0x70] =	vst.add.f32.msk $0xffff, v2  }
.Ltmp4:
0xcc: {  	[tilespmem:s9+$0x60] =	vst.add.f32.msk $0xffff, v3;
	(pc) =	sbr.rel @p1 .LBB2_7-.Ltmp4, $4  }
0xcd: {  	[tilespmem:s9+$0x50] =	vst.add.f32.msk $0xffff, v0  }
0xce: {  	[tilespmem:s9+$0x40] =	vst.add.f32.msk $0xffff, v1  }
0xcf: {  	[tilespmem:s9+$0x30] =	vst.add.f32.msk $0xffff, v2  }
0xd0: {  	[tilespmem:s9+$0x20] =	vst.add.f32.msk $0xffff, v3  }
0xd1: {  	s8 =	sshll.u32 s24, $0x3  }
0xd2: {  	s8 =	sand.u32 $0x1FFFE800, s8  }
0xd3: {  	[tilespmem:s9+$0x10] =	vst.add.f32.msk $0xffff, v0;
	s8 =	sadd.s32 s2, s8  }
0xd4: {  	[hbm4b:s8+s4] =	stream.linear.scatter [tilespmem:s15], [sflag:$0xB], $0x2000, $0x38;
	[tilespmem:$0x19600] =	vst v63  }
0xd5: {  	s8 =	simm.s32 @!p0 $0x10  }
0xd6: {  	s24 =	sor.u32 $0x7, s7;
	_ =	swait.ge @!p0 [sflag:s8], $0x2000  }
0xd7: {  	s9 =	simm.s32 @!p0 $0x17600;
	s7 =	sshll.u32 @!p0 s24, $0x7;
	[sflag:s8] =	ssyncset.done @!p0 $0x0  }
0xd8: {  	s7 =	sand.u32 @!p0 $0x3FFFFF80, s7;
	[sflag:s8] =	ssyncadd.s32 @!p0 $0xFFFFE000;
	s8 =	simm.s32 @!p0 $0x80  }
0xd9: {  	[tilespmem:s9], [sflag:$0x8] =	stream.indirect.gather @!p0 [hbm4b:s5+s8], $0x40, s7, s8, $0xb8;
	[tilespmem:$0x19600] =	vst v63  }
0xda: {  	s7 =	sadd.s32 $0x180, s6;
	_ =	swait.ge [sflag:s30], $0x2000  }
0xdb: {  	s12 =	sshrl.u32 s7, $0x6;
	[sflag:s30] =	ssyncset.done $0x0  }
0xdc: {  	s8 =	sand.u32 $0x1FFFFC0, s12;
	[sflag:s30] =	ssyncadd.s32 $0xFFFFE000  }
0xdd: {  	v1 =	vld [tilespmem:s8+$0x6400]  }
0xde: {  	v2 =	vld [tilespmem:s8+$0x6430]  }
0xdf: {  	v3 =	vld [tilespmem:s8+$0x6420]  }
0xe0: {  	v0 =	vld [tilespmem:s8+$0x6410]  }
0xe1: {  	s9 =	simm.s32 $0xF600  }
0xe2: {  	[tilespmem:s9+$0x0] =	vst.add.f32.msk $0xffff, v1  }
0xe3: {  	[tilespmem:s9+$0xF0] =	vst.add.f32.msk $0xffff, v2  }
0xe4: {  	[tilespmem:s9+$0xE0] =	vst.add.f32.msk $0xffff, v3  }
0xe5: {  	[tilespmem:s9+$0xD0] =	vst.add.f32.msk $0xffff, v0  }
0xe6: {  	[tilespmem:s9+$0xC0] =	vst.add.f32.msk $0xffff, v1  }
0xe7: {  	[tilespmem:s9+$0xB0] =	vst.add.f32.msk $0xffff, v2  }
0xe8: {  	[tilespmem:s9+$0xA0] =	vst.add.f32.msk $0xffff, v3  }
0xe9: {  	[tilespmem:s9+$0x90] =	vst.add.f32.msk $0xffff, v0  }
0xea: {  	[tilespmem:s9+$0x80] =	vst.add.f32.msk $0xffff, v1  }
0xeb: {  	[tilespmem:s9+$0x70] =	vst.add.f32.msk $0xffff, v2  }
0xec: {  	[tilespmem:s9+$0x60] =	vst.add.f32.msk $0xffff, v3  }
0xed: {  	[tilespmem:s9+$0x50] =	vst.add.f32.msk $0xffff, v0  }
0xee: {  	[tilespmem:s9+$0x40] =	vst.add.f32.msk $0xffff, v1  }
0xef: {  	[tilespmem:s9+$0x30] =	vst.add.f32.msk $0xffff, v2  }
0xf0: {  	s8 =	simm.s32 $0x0;
	[tilespmem:s9+$0x20] =	vst.add.f32.msk $0xffff, v3  }
.LBB2_9:
0xf1: {  	s8 =	sadd.s32 $0x4, s8;
	[tilespmem:s9+$0x10] =	vst.add.f32.msk $0xffff, v0;
	s9 =	sadd.s32 $0x100, s9  }
0xf2: {  	[tilespmem:s9+$0x0] =	vst.add.f32.msk $0xffff, v1;
	p0 =	slt.u32 s8, $0x7C  }
0xf3: {  	[tilespmem:s9+$0xF0] =	vst.add.f32.msk $0xffff, v2  }
0xf4: {  	[tilespmem:s9+$0xE0] =	vst.add.f32.msk $0xffff, v3  }
0xf5: {  	[tilespmem:s9+$0xD0] =	vst.add.f32.msk $0xffff, v0  }
0xf6: {  	[tilespmem:s9+$0xC0] =	vst.add.f32.msk $0xffff, v1  }
0xf7: {  	[tilespmem:s9+$0xB0] =	vst.add.f32.msk $0xffff, v2  }
0xf8: {  	[tilespmem:s9+$0xA0] =	vst.add.f32.msk $0xffff, v3  }
0xf9: {  	[tilespmem:s9+$0x90] =	vst.add.f32.msk $0xffff, v0  }
0xfa: {  	[tilespmem:s9+$0x80] =	vst.add.f32.msk $0xffff, v1  }
0xfb: {  	[tilespmem:s9+$0x70] =	vst.add.f32.msk $0xffff, v2  }
.Ltmp5:
0xfc: {  	[tilespmem:s9+$0x60] =	vst.add.f32.msk $0xffff, v3;
	(pc) =	sbr.rel @p0 .LBB2_9-.Ltmp5, $4  }
0xfd: {  	[tilespmem:s9+$0x50] =	vst.add.f32.msk $0xffff, v0  }
0xfe: {  	[tilespmem:s9+$0x40] =	vst.add.f32.msk $0xffff, v1  }
0xff: {  	[tilespmem:s9+$0x30] =	vst.add.f32.msk $0xffff, v2  }
0x100: {  	[tilespmem:s9+$0x20] =	vst.add.f32.msk $0xffff, v3  }
0x101: {  	s7 =	sshll.u32 s7, $0x3  }
0x102: {  	s7 =	sand.u32 $0x1FFFEC00, s7  }
0x103: {  	[tilespmem:s9+$0x10] =	vst.add.f32.msk $0xffff, v0;
	p0 =	seq.s32 s14, $0x18;
	s7 =	sadd.s32 s2, s7  }
0x104: {  	[hbm4b:s7+s4] =	stream.linear.scatter [tilespmem:s17], [sflag:$0xC], $0x2000, $0x38;
	[tilespmem:$0x19600] =	vst v63  }
0x105: {  	s7 =	simm.s32 @!p0 $0x9  }
0x106: {  	_ =	swait.ge @!p0 [sflag:s7], $0x2000  }
0x107: {  	s8 =	sshll.u32 @!p0 s14, $0xA;
	[sflag:s7] =	ssyncset.done @!p0 $0x0  }
0x108: {  	[sflag:s7] =	ssyncadd.s32 @!p0 $0xFFFFE000;
	s7 =	sand.u32 @!p0 $0x3FFFFC00, s8  }
0x109: {  	s9 =	simm.s32 @!p0 $0x80;
	s12 =	simm.s32 @!p0 $0x9600;
	s8 =	sadd.s32 @!p0 $0x400, s7  }
0x10a: {  	[tilespmem:s12], [sflag:$0x1] =	stream.indirect.gather @!p0 [hbm4b:s5+s9], $0x40, s8, s9, $0xb8;
	[tilespmem:$0x19600] =	vst v63  }
0x10b: {  	s6 =	sadd.s32 $0x200, s6;
	_ =	swait.ge [sflag:s31], $0x2000  }
0x10c: {  	s12 =	sshrl.u32 s6, $0x6;
	[sflag:s31] =	ssyncset.done $0x0  }
0x10d: {  	s8 =	sand.u32 $0x1FFFFC0, s12;
	[sflag:s31] =	ssyncadd.s32 $0xFFFFE000  }
0x10e: {  	v1 =	vld [tilespmem:s8+$0x6400]  }
0x10f: {  	v2 =	vld [tilespmem:s8+$0x6430]  }
0x110: {  	v3 =	vld [tilespmem:s8+$0x6420]  }
0x111: {  	v0 =	vld [tilespmem:s8+$0x6410]  }
0x112: {  	s9 =	simm.s32 $0x11600  }
0x113: {  	[tilespmem:s9+$0x0] =	vst.add.f32.msk $0xffff, v1  }
0x114: {  	[tilespmem:s9+$0xF0] =	vst.add.f32.msk $0xffff, v2  }
0x115: {  	[tilespmem:s9+$0xE0] =	vst.add.f32.msk $0xffff, v3  }
0x116: {  	[tilespmem:s9+$0xD0] =	vst.add.f32.msk $0xffff, v0  }
0x117: {  	[tilespmem:s9+$0xC0] =	vst.add.f32.msk $0xffff, v1  }
0x118: {  	[tilespmem:s9+$0xB0] =	vst.add.f32.msk $0xffff, v2  }
0x119: {  	[tilespmem:s9+$0xA0] =	vst.add.f32.msk $0xffff, v3  }
0x11a: {  	[tilespmem:s9+$0x90] =	vst.add.f32.msk $0xffff, v0  }
0x11b: {  	[tilespmem:s9+$0x80] =	vst.add.f32.msk $0xffff, v1  }
0x11c: {  	[tilespmem:s9+$0x70] =	vst.add.f32.msk $0xffff, v2  }
0x11d: {  	[tilespmem:s9+$0x60] =	vst.add.f32.msk $0xffff, v3  }
0x11e: {  	[tilespmem:s9+$0x50] =	vst.add.f32.msk $0xffff, v0  }
0x11f: {  	[tilespmem:s9+$0x40] =	vst.add.f32.msk $0xffff, v1  }
0x120: {  	[tilespmem:s9+$0x30] =	vst.add.f32.msk $0xffff, v2  }
0x121: {  	s8 =	simm.s32 $0x0;
	[tilespmem:s9+$0x20] =	vst.add.f32.msk $0xffff, v3  }
.LBB2_11:
0x122: {  	s8 =	sadd.s32 $0x4, s8;
	[tilespmem:s9+$0x10] =	vst.add.f32.msk $0xffff, v0;
	s9 =	sadd.s32 $0x100, s9  }
0x123: {  	[tilespmem:s9+$0x0] =	vst.add.f32.msk $0xffff, v1;
	p1 =	slt.u32 s8, $0x7C  }
0x124: {  	[tilespmem:s9+$0xF0] =	vst.add.f32.msk $0xffff, v2  }
0x125: {  	[tilespmem:s9+$0xE0] =	vst.add.f32.msk $0xffff, v3  }
0x126: {  	[tilespmem:s9+$0xD0] =	vst.add.f32.msk $0xffff, v0  }
0x127: {  	[tilespmem:s9+$0xC0] =	vst.add.f32.msk $0xffff, v1  }
0x128: {  	[tilespmem:s9+$0xB0] =	vst.add.f32.msk $0xffff, v2  }
0x129: {  	[tilespmem:s9+$0xA0] =	vst.add.f32.msk $0xffff, v3  }
0x12a: {  	[tilespmem:s9+$0x90] =	vst.add.f32.msk $0xffff, v0  }
0x12b: {  	[tilespmem:s9+$0x80] =	vst.add.f32.msk $0xffff, v1  }
0x12c: {  	[tilespmem:s9+$0x70] =	vst.add.f32.msk $0xffff, v2  }
.Ltmp6:
0x12d: {  	[tilespmem:s9+$0x60] =	vst.add.f32.msk $0xffff, v3;
	(pc) =	sbr.rel @p1 .LBB2_11-.Ltmp6, $4  }
0x12e: {  	[tilespmem:s9+$0x50] =	vst.add.f32.msk $0xffff, v0  }
0x12f: {  	[tilespmem:s9+$0x40] =	vst.add.f32.msk $0xffff, v1  }
0x130: {  	[tilespmem:s9+$0x30] =	vst.add.f32.msk $0xffff, v2  }
0x131: {  	[tilespmem:s9+$0x20] =	vst.add.f32.msk $0xffff, v3  }
0x132: {  	s6 =	sshll.u32 s6, $0x3  }
0x133: {  	s6 =	sand.u32 $0x1FFFF000, s6  }
0x134: {  	[tilespmem:s9+$0x10] =	vst.add.f32.msk $0xffff, v0;
	s6 =	sadd.s32 s2, s6  }
0x135: {  	[hbm4b:s6+s4] =	stream.linear.scatter [tilespmem:s19], [sflag:$0xD], $0x2000, $0x38;
	[tilespmem:$0x19600] =	vst v63  }
0x136: {  	s6 =	simm.s32 @!p0 $0xA  }
0x137: {  	_ =	swait.ge @!p0 [sflag:s6], $0x2000  }
0x138: {  	s8 =	simm.s32 @!p0 $0x80;
	s9 =	simm.s32 @!p0 $0xB600;
	[sflag:s6] =	ssyncset.done @!p0 $0x0  }
0x139: {  	s12 =	sshll.u32 s18, $0x7;
	[sflag:s6] =	ssyncadd.s32 @!p0 $0xFFFFE000;
	s6 =	sadd.s32 @!p0 $0x480, s7  }
0x13a: {  	[tilespmem:s9], [sflag:$0x2] =	stream.indirect.gather @!p0 [hbm4b:s5+s8], $0x40, s6, s8, $0xb8;
	[tilespmem:$0x19600] =	vst v63  }
0x13b: {  	s6 =	sadd.s32 s3, s12;
	_ =	swait.ge [sflag:s1], $0x2000  }
0x13c: {  	s18 =	sshrl.u32 s6, $0x6;
	[sflag:s1] =	ssyncset.done $0x0  }
0x13d: {  	s8 =	sand.u32 $0x1FFFFC0, s18;
	[sflag:s1] =	ssyncadd.s32 $0xFFFFE000  }
0x13e: {  	v1 =	vld [tilespmem:s8+$0x6400]  }
0x13f: {  	v2 =	vld [tilespmem:s8+$0x6430]  }
0x140: {  	v3 =	vld [tilespmem:s8+$0x6420]  }
0x141: {  	v0 =	vld [tilespmem:s8+$0x6410]  }
0x142: {  	s9 =	simm.s32 $0x13600  }
0x143: {  	[tilespmem:s9+$0x0] =	vst.add.f32.msk $0xffff, v1  }
0x144: {  	[tilespmem:s9+$0xF0] =	vst.add.f32.msk $0xffff, v2  }
0x145: {  	[tilespmem:s9+$0xE0] =	vst.add.f32.msk $0xffff, v3  }
0x146: {  	[tilespmem:s9+$0xD0] =	vst.add.f32.msk $0xffff, v0  }
0x147: {  	[tilespmem:s9+$0xC0] =	vst.add.f32.msk $0xffff, v1  }
0x148: {  	[tilespmem:s9+$0xB0] =	vst.add.f32.msk $0xffff, v2  }
0x149: {  	[tilespmem:s9+$0xA0] =	vst.add.f32.msk $0xffff, v3  }
0x14a: {  	[tilespmem:s9+$0x90] =	vst.add.f32.msk $0xffff, v0  }
0x14b: {  	[tilespmem:s9+$0x80] =	vst.add.f32.msk $0xffff, v1  }
0x14c: {  	[tilespmem:s9+$0x70] =	vst.add.f32.msk $0xffff, v2  }
0x14d: {  	[tilespmem:s9+$0x60] =	vst.add.f32.msk $0xffff, v3  }
0x14e: {  	[tilespmem:s9+$0x50] =	vst.add.f32.msk $0xffff, v0  }
0x14f: {  	[tilespmem:s9+$0x40] =	vst.add.f32.msk $0xffff, v1  }
0x150: {  	[tilespmem:s9+$0x30] =	vst.add.f32.msk $0xffff, v2  }
0x151: {  	s8 =	simm.s32 $0x0;
	[tilespmem:s9+$0x20] =	vst.add.f32.msk $0xffff, v3  }
.LBB2_13:
0x152: {  	s8 =	sadd.s32 $0x4, s8;
	[tilespmem:s9+$0x10] =	vst.add.f32.msk $0xffff, v0;
	s9 =	sadd.s32 $0x100, s9  }
0x153: {  	[tilespmem:s9+$0x0] =	vst.add.f32.msk $0xffff, v1;
	p1 =	slt.u32 s8, $0x7C  }
0x154: {  	[tilespmem:s9+$0xF0] =	vst.add.f32.msk $0xffff, v2  }
0x155: {  	[tilespmem:s9+$0xE0] =	vst.add.f32.msk $0xffff, v3  }
0x156: {  	[tilespmem:s9+$0xD0] =	vst.add.f32.msk $0xffff, v0  }
0x157: {  	[tilespmem:s9+$0xC0] =	vst.add.f32.msk $0xffff, v1  }
0x158: {  	[tilespmem:s9+$0xB0] =	vst.add.f32.msk $0xffff, v2  }
0x159: {  	[tilespmem:s9+$0xA0] =	vst.add.f32.msk $0xffff, v3  }
0x15a: {  	[tilespmem:s9+$0x90] =	vst.add.f32.msk $0xffff, v0  }
0x15b: {  	[tilespmem:s9+$0x80] =	vst.add.f32.msk $0xffff, v1  }
0x15c: {  	[tilespmem:s9+$0x70] =	vst.add.f32.msk $0xffff, v2  }
.Ltmp7:
0x15d: {  	[tilespmem:s9+$0x60] =	vst.add.f32.msk $0xffff, v3;
	(pc) =	sbr.rel @p1 .LBB2_13-.Ltmp7, $4  }
0x15e: {  	[tilespmem:s9+$0x50] =	vst.add.f32.msk $0xffff, v0  }
0x15f: {  	[tilespmem:s9+$0x40] =	vst.add.f32.msk $0xffff, v1  }
0x160: {  	[tilespmem:s9+$0x30] =	vst.add.f32.msk $0xffff, v2  }
0x161: {  	[tilespmem:s9+$0x20] =	vst.add.f32.msk $0xffff, v3  }
0x162: {  	s6 =	sshll.u32 s6, $0x3  }
0x163: {  	s6 =	sand.u32 $0x1FFFF400, s6  }
0x164: {  	[tilespmem:s9+$0x10] =	vst.add.f32.msk $0xffff, v0;
	s6 =	sadd.s32 s2, s6  }
0x165: {  	[hbm4b:s6+s4] =	stream.linear.scatter [tilespmem:s21], [sflag:$0xE], $0x2000, $0x38;
	[tilespmem:$0x19600] =	vst v63  }
0x166: {  	s6 =	simm.s32 @!p0 $0xB  }
0x167: {  	_ =	swait.ge @!p0 [sflag:s6], $0x2000  }
0x168: {  	s8 =	simm.s32 @!p0 $0x80;
	s9 =	simm.s32 @!p0 $0xD600;
	[sflag:s6] =	ssyncset.done @!p0 $0x0  }
0x169: {  	s18 =	sshll.u32 s20, $0x7;
	[sflag:s6] =	ssyncadd.s32 @!p0 $0xFFFFE000;
	s6 =	sadd.s32 @!p0 $0x500, s7  }
0x16a: {  	[tilespmem:s9], [sflag:$0x3] =	stream.indirect.gather @!p0 [hbm4b:s5+s8], $0x40, s6, s8, $0xb8;
	[tilespmem:$0x19600] =	vst v63  }
0x16b: {  	s6 =	sadd.s32 s3, s18;
	_ =	swait.ge [sflag:s0], $0x2000  }
0x16c: {  	s20 =	sshrl.u32 s6, $0x6;
	[sflag:s0] =	ssyncset.done $0x0  }
0x16d: {  	s8 =	sand.u32 $0x1FFFFC0, s20;
	[sflag:s0] =	ssyncadd.s32 $0xFFFFE000  }
0x16e: {  	v1 =	vld [tilespmem:s8+$0x6400]  }
0x16f: {  	v2 =	vld [tilespmem:s8+$0x6430]  }
0x170: {  	v3 =	vld [tilespmem:s8+$0x6420]  }
0x171: {  	v0 =	vld [tilespmem:s8+$0x6410]  }
0x172: {  	s9 =	simm.s32 $0x15600  }
0x173: {  	[tilespmem:s9+$0x0] =	vst.add.f32.msk $0xffff, v1  }
0x174: {  	[tilespmem:s9+$0xF0] =	vst.add.f32.msk $0xffff, v2  }
0x175: {  	[tilespmem:s9+$0xE0] =	vst.add.f32.msk $0xffff, v3  }
0x176: {  	[tilespmem:s9+$0xD0] =	vst.add.f32.msk $0xffff, v0  }
0x177: {  	[tilespmem:s9+$0xC0] =	vst.add.f32.msk $0xffff, v1  }
0x178: {  	[tilespmem:s9+$0xB0] =	vst.add.f32.msk $0xffff, v2  }
0x179: {  	[tilespmem:s9+$0xA0] =	vst.add.f32.msk $0xffff, v3  }
0x17a: {  	[tilespmem:s9+$0x90] =	vst.add.f32.msk $0xffff, v0  }
0x17b: {  	[tilespmem:s9+$0x80] =	vst.add.f32.msk $0xffff, v1  }
0x17c: {  	[tilespmem:s9+$0x70] =	vst.add.f32.msk $0xffff, v2  }
0x17d: {  	[tilespmem:s9+$0x60] =	vst.add.f32.msk $0xffff, v3  }
0x17e: {  	[tilespmem:s9+$0x50] =	vst.add.f32.msk $0xffff, v0  }
0x17f: {  	[tilespmem:s9+$0x40] =	vst.add.f32.msk $0xffff, v1  }
0x180: {  	[tilespmem:s9+$0x30] =	vst.add.f32.msk $0xffff, v2  }
0x181: {  	s8 =	simm.s32 $0x0;
	[tilespmem:s9+$0x20] =	vst.add.f32.msk $0xffff, v3  }
.LBB2_15:
0x182: {  	s8 =	sadd.s32 $0x4, s8;
	[tilespmem:s9+$0x10] =	vst.add.f32.msk $0xffff, v0;
	s9 =	sadd.s32 $0x100, s9  }
0x183: {  	[tilespmem:s9+$0x0] =	vst.add.f32.msk $0xffff, v1;
	p1 =	slt.u32 s8, $0x7C  }
0x184: {  	[tilespmem:s9+$0xF0] =	vst.add.f32.msk $0xffff, v2  }
0x185: {  	[tilespmem:s9+$0xE0] =	vst.add.f32.msk $0xffff, v3  }
0x186: {  	[tilespmem:s9+$0xD0] =	vst.add.f32.msk $0xffff, v0  }
0x187: {  	[tilespmem:s9+$0xC0] =	vst.add.f32.msk $0xffff, v1  }
0x188: {  	[tilespmem:s9+$0xB0] =	vst.add.f32.msk $0xffff, v2  }
0x189: {  	[tilespmem:s9+$0xA0] =	vst.add.f32.msk $0xffff, v3  }
0x18a: {  	[tilespmem:s9+$0x90] =	vst.add.f32.msk $0xffff, v0  }
0x18b: {  	[tilespmem:s9+$0x80] =	vst.add.f32.msk $0xffff, v1  }
0x18c: {  	[tilespmem:s9+$0x70] =	vst.add.f32.msk $0xffff, v2  }
.Ltmp8:
0x18d: {  	[tilespmem:s9+$0x60] =	vst.add.f32.msk $0xffff, v3;
	(pc) =	sbr.rel @p1 .LBB2_15-.Ltmp8, $4  }
0x18e: {  	[tilespmem:s9+$0x50] =	vst.add.f32.msk $0xffff, v0  }
0x18f: {  	[tilespmem:s9+$0x40] =	vst.add.f32.msk $0xffff, v1  }
0x190: {  	[tilespmem:s9+$0x30] =	vst.add.f32.msk $0xffff, v2  }
0x191: {  	[tilespmem:s9+$0x20] =	vst.add.f32.msk $0xffff, v3  }
0x192: {  	s6 =	sshll.u32 s6, $0x3  }
0x193: {  	s6 =	sand.u32 $0x1FFFF800, s6  }
0x194: {  	[tilespmem:s9+$0x10] =	vst.add.f32.msk $0xffff, v0;
	s6 =	sadd.s32 s2, s6  }
0x195: {  	[hbm4b:s6+s4] =	stream.linear.scatter [tilespmem:s23], [sflag:$0xF], $0x2000, $0x38;
	[tilespmem:$0x19600] =	vst v63  }
0x196: {  	s6 =	simm.s32 @!p0 $0xC  }
0x197: {  	_ =	swait.ge @!p0 [sflag:s6], $0x2000  }
0x198: {  	s8 =	simm.s32 @!p0 $0xF600;
	s20 =	sshll.u32 s24, $0x7;
	[sflag:s6] =	ssyncset.done @!p0 $0x0  }
0x199: {  	[sflag:s6] =	ssyncadd.s32 @!p0 $0xFFFFE000;
	s6 =	sadd.s32 @!p0 $0x580, s7;
	s7 =	simm.s32 @!p0 $0x80  }
0x19a: {  	[tilespmem:s8], [sflag:$0x4] =	stream.indirect.gather @!p0 [hbm4b:s5+s7], $0x40, s6, s7, $0xb8;
	[tilespmem:$0x19600] =	vst v63  }
0x19b: {  	s6 =	sadd.s32 s3, s20;
	_ =	swait.ge [sflag:s10], $0x2000  }
0x19c: {  	s24 =	sshrl.u32 s6, $0x6;
	[sflag:s10] =	ssyncset.done $0x0  }
0x19d: {  	s7 =	sand.u32 $0x1FFFFC0, s24;
	[sflag:s10] =	ssyncadd.s32 $0xFFFFE000  }
0x19e: {  	v1 =	vld [tilespmem:s7+$0x6400]  }
0x19f: {  	v2 =	vld [tilespmem:s7+$0x6430]  }
0x1a0: {  	v3 =	vld [tilespmem:s7+$0x6420]  }
0x1a1: {  	v0 =	vld [tilespmem:s7+$0x6410]  }
0x1a2: {  	s7 =	simm.s32 $0x17600  }
0x1a3: {  	[tilespmem:s7+$0x0] =	vst.add.f32.msk $0xffff, v1  }
0x1a4: {  	[tilespmem:s7+$0xF0] =	vst.add.f32.msk $0xffff, v2  }
0x1a5: {  	[tilespmem:s7+$0xE0] =	vst.add.f32.msk $0xffff, v3  }
0x1a6: {  	[tilespmem:s7+$0xD0] =	vst.add.f32.msk $0xffff, v0  }
0x1a7: {  	[tilespmem:s7+$0xC0] =	vst.add.f32.msk $0xffff, v1  }
0x1a8: {  	[tilespmem:s7+$0xB0] =	vst.add.f32.msk $0xffff, v2  }
0x1a9: {  	[tilespmem:s7+$0xA0] =	vst.add.f32.msk $0xffff, v3  }
0x1aa: {  	[tilespmem:s7+$0x90] =	vst.add.f32.msk $0xffff, v0  }
0x1ab: {  	[tilespmem:s7+$0x80] =	vst.add.f32.msk $0xffff, v1  }
0x1ac: {  	[tilespmem:s7+$0x70] =	vst.add.f32.msk $0xffff, v2  }
0x1ad: {  	[tilespmem:s7+$0x60] =	vst.add.f32.msk $0xffff, v3  }
0x1ae: {  	[tilespmem:s7+$0x50] =	vst.add.f32.msk $0xffff, v0  }
0x1af: {  	[tilespmem:s7+$0x40] =	vst.add.f32.msk $0xffff, v1  }
0x1b0: {  	[tilespmem:s7+$0x30] =	vst.add.f32.msk $0xffff, v2  }
0x1b1: {  	s8 =	simm.s32 $0x0;
	[tilespmem:s7+$0x20] =	vst.add.f32.msk $0xffff, v3  }
.LBB2_17:
0x1b2: {  	s8 =	sadd.s32 $0x4, s8;
	[tilespmem:s7+$0x10] =	vst.add.f32.msk $0xffff, v0;
	s7 =	sadd.s32 $0x100, s7  }
0x1b3: {  	[tilespmem:s7+$0x0] =	vst.add.f32.msk $0xffff, v1;
	p1 =	slt.u32 s8, $0x7C  }
0x1b4: {  	[tilespmem:s7+$0xF0] =	vst.add.f32.msk $0xffff, v2  }
0x1b5: {  	[tilespmem:s7+$0xE0] =	vst.add.f32.msk $0xffff, v3  }
0x1b6: {  	[tilespmem:s7+$0xD0] =	vst.add.f32.msk $0xffff, v0  }
0x1b7: {  	[tilespmem:s7+$0xC0] =	vst.add.f32.msk $0xffff, v1  }
0x1b8: {  	[tilespmem:s7+$0xB0] =	vst.add.f32.msk $0xffff, v2  }
0x1b9: {  	[tilespmem:s7+$0xA0] =	vst.add.f32.msk $0xffff, v3  }
0x1ba: {  	[tilespmem:s7+$0x90] =	vst.add.f32.msk $0xffff, v0  }
0x1bb: {  	[tilespmem:s7+$0x80] =	vst.add.f32.msk $0xffff, v1  }
0x1bc: {  	[tilespmem:s7+$0x70] =	vst.add.f32.msk $0xffff, v2  }
.Ltmp9:
0x1bd: {  	[tilespmem:s7+$0x60] =	vst.add.f32.msk $0xffff, v3;
	(pc) =	sbr.rel @p1 .LBB2_17-.Ltmp9, $4  }
0x1be: {  	[tilespmem:s7+$0x50] =	vst.add.f32.msk $0xffff, v0  }
0x1bf: {  	[tilespmem:s7+$0x40] =	vst.add.f32.msk $0xffff, v1  }
0x1c0: {  	[tilespmem:s7+$0x30] =	vst.add.f32.msk $0xffff, v2  }
0x1c1: {  	[tilespmem:s7+$0x20] =	vst.add.f32.msk $0xffff, v3  }
.Ltmp10:
0x1c2: {  	(pc) =	sbr.rel @p0 .LBB2_20-.Ltmp10, $4  }
0x1c3: {  	s6 =	sshll.u32 s6, $0x3  }
0x1c4: {  	s6 =	sand.u32 $0x1FFFFC00, s6  }
0x1c5: {  	[tilespmem:s7+$0x10] =	vst.add.f32.msk $0xffff, v0;
	s6 =	sadd.s32 s2, s6  }
0x1c6: {  	[hbm4b:s6+s4] =	stream.linear.scatter [tilespmem:s25], [sflag:$0x10], $0x2000, $0x38;
	[tilespmem:$0x19600] =	vst v63  }
.Ltmp11:
0x1c7: {  	(pc) =	sbr.rel .LBB2_2-.Ltmp11, $4  }
0x1c8: {  	_ =	swait.ge [sflag:s22], $0x2000  }
0x1c9: {  	s6 =	sand.u32 $0x3FFFFC00, s16;
	[sflag:s22] =	ssyncset.done $0x0  }
0x1ca: {  	s14 =	sadd.s32 $0x1, s14;
	s6 =	sadd.s32 $0x600, s6;
	[sflag:s22] =	ssyncadd.s32 $0xFFFFE000  }
0x1cb: {  	[tilespmem:s19], [sflag:$0x5] =	stream.indirect.gather [hbm4b:s5+s11], $0x40, s6, s11, $0xb8;
	[tilespmem:$0x19600] =	vst v63  }
.LBB2_21:
0x1cc: {  	_ =	sfence.sel $0x180000  }
0x1cd: {  	[bflag:$0x0] =	sbarrier.arrive $0xFFFF  }
0x1ce: {  	_ =	strace $0x90000047  }
0x1cf: {  	s0 =	stileid.u32;
	[bflag:$0x2] =	sbarrier.arrive $0xFFFF  }
0x1d0: {  	p0 =	sne.s32 s0, $0x0;
	s0 =	rddreg [dreg:$0x2]  }
0x1d1: {  	s0 =	sadd.s32 @!p0 $0x100000, s0  }
0x1d2: {  	[sflag:s0] =	ssyncadd.tile.s32 @!p0 $0x1;
	_ =	shalt  }
.Lfunc_end2:
_tile_overlayer_lowered:
.L_overlay_start_2:
0x1d3: {  	(tag) =	ssettag $0x2  }
0x1d4: {  	s0 =	rddreg [dreg:$0x0];
	s2 =	stileid.u32  }
0x1d5: {  	s1 =	rddreg [dreg:$0x1];
	p0 =	sne.s32 s2, $0x0  }
0x1d6: {  	s3 =	rddreg [dreg:$0x2];
	[bflag:$0x3] =	sbarrier.arrive $0xFFFF;
	s2 =	simm.s32 @!p0 $0x1C11  }
0x1d7: {  	[timem:s3], [sflag:s2] =	dma.local @!p0 [hbm:s0], s1  }
0x1d8: {  	s0 =	simm.s32 @!p0 $0x11  }
0x1d9: {  	_ =	swait.ge @!p0 [sflag:s0], s1  }
0x1da: {  	s1 =	ssub.s32 @!p0 $0x0, s1;
	[sflag:s0] =	ssyncset.done @!p0 $0x0  }
0x1db: {  	[sflag:s0] =	ssyncadd.s32 @!p0 s1  }
0x1dc: {  	[bflag:$0x3] =	sbarrier.arrive $0xFFFF  }
0x1dd: {  	_ =	shalt  }

// kernel: sparse-core-data-format-call.cloned.1.call-start
scs
called_computation_lowered:
.L_overlay_start_0:
0x0: {  	s2 =	sld [smem:$0x3FD9]  }
0x1: {  	s3 =	sld [smem:$0x3FFE];
	_ =	sdelay $0x1  }
0x2: {  	s1 =	srdreg.scid  }
0x3: {  	s0 =	sand.u32 $0x1, s1  }
0x4: {  	s18 =	sshll.u32 s0, $0xA;
	s2 =	sadd.s32 s3, s2  }
0x5: {  	s2 =	sadd.s32 s2, s18  }
0x6: {  	[smem:$0x3FC5] =	sst s2  }
0x7: {  	_ = 	snop  }
0x8: {  	s2 =	sld [smem:$0x3FD0];
	(tm) =	ssettm $0x1  }
0x9: {  	s19 =	sld [smem:$0x3FFB];
	_ =	sdelay $0x3  }
0xa: {  	_ =	strace s19  }
0xb: {  	s3 =	sld [smem:$0x3FFC];
	_ =	sdelay $0x3  }
0xc: {  	_ =	strace s3  }
0xd: {  	s3 =	sld [smem:$0x3FFD];
	_ =	sdelay $0x3  }
0xe: {  	_ =	strace s3  }
0xf: {  	_ =	strace $0x8FFFFFFF  }
0x10: {  	s20 =	sld [smem:$0x3FDB];
	_ =	sdelay $0x1  }
0x11: {  	s4 =	simm.s32 $_scs_section_size  }
0x12: {  	s5 =	simm.s32 $_size__tile_overlayer_lowered;
	s6 =	simm.s32 $_tile_overlayer_lowered  }
0x13: {  	s23 =	simm.s32 $0x1BFF;
	s22 =	sshll.u32 s6, $0x1;
	s3 =	sadd.s32 s4, s20  }
0x14: {  	s7 =	simm.s32 $0x0;
	s21 =	sshll.u32 s5, $0x1;
	s5 =	sadd.s32 s22, s3  }
0x15: {  	[timem:s7], [sflag:s23] =	dma.local [hbm:s5], s21  }
0x16: {  	_ =	swait.ge [sflag:s23], s21  }
0x17: {  	s4 =	ssub.s32 $0x0, s21;
	[sflag:s23] =	ssyncset.done $0x0  }
0x18: {  	[sflag:s23] =	ssyncadd.s32 s4;
	_ =	sdelay $0x1  }
0x19: {  	s24 =	simm.s32 $0x1B8B  }
0x1a: {  	_ =	swait.ge [sflag:s24], $0x1  }
0x1b: {  	[sflag:s24] =	ssyncset.done $0x0  }
0x1c: {  	s26 =	simm.s32 $0x1B8E;
	s25 =	sld [smem:$0x3FFE];
	[sflag:s24] =	ssyncadd.s32 $0xFFFFFFFF  }
0x1d: {  	s27 =	simm.s32 $execute0_lowered;
	[smem:$0x3FD2] =	sst s26  }
0x1e: {  	s5 =	sshll.u32 s27, $0x1;
	_ =	strace $0x80000049;
	[dreg:$0x1] =	wrdreg $0xFFFFFFFF  }
0x1f: {  	s28 =	simm.s32 $_size_execute0_lowered;
	s3 =	sadd.s32 s3, s5;
	[dreg:$0x0] =	wrdreg $0x0  }
0x20: {  	s5 =	sshll.u32 s28, $0x1;
	[dreg:$0x2] =	wrdreg s3  }
0x21: {  	[dreg:$0x3] =	wrdreg s5  }
0x22: {  	[dreg:$0x4] =	wrdreg $0xC0  }
0x23: {  	_ =	task [dreg:s7], $0x5FFFF  }
0x24: {  	[dreg:$0x1] =	wrdreg $0xFFFFFFFF  }
0x25: {  	[dreg:$0x0] =	wrdreg $0x60  }
0x26: {  	[dreg:$0x2] =	wrdreg s25  }
0x27: {  	[dreg:$0x3] =	wrdreg s2  }
0x28: {  	[dreg:$0x4] =	wrdreg $0x9  }
0x29: {  	_ =	task.clear_ibuf [dreg:s7], $0x5FFFF;
	_ =	strace $0x90000049  }
0x2a: {  	s29 =	simm.s32 $0x9;
	_ =	strace $0x8000004B  }
0x2b: {  	_ =	swait.ge [sflag:s29], $0x1  }
0x2c: {  	[sflag:s29] =	ssyncadd.s32 $0xFFFFFFFF  }
0x2d: {  	_ =	strace $0x9000004B  }
0x2e: {  	_ =	sfence  }
0x2f: {  	s30 =	sld [smem:$0x0];
	_ =	sdelay $0x2  }
0x30: {  	s31 =	sshll.u32 s1, $0xD;
	s1 =	sshrl.u32 s1, $0x2  }
0x31: {  	s3 =	sand.u32 $0x4000, s31;
	s1 =	sadd.s32 s1, s30  }
0x32: {  	s0 =	sor.u32 s3, s0;
	s1 =	sshll.u32 s1, $0x11  }
0x33: {  	s0 =	sor.u32 s1, s0  }
0x34: {  	s0 =	sadd.s32 $0x8F2B, s0  }
0x35: {  	[sflag:s0] =	ssyncadd.remote.s32 $0x1  }
0x36: {  	_ =	sfence.sel $0xFFFF  }
0x37: {  	[dreg:$0x0] =	wrdreg $0xFFFFFFFF;
	(pc) =	sbr.abs _section_cstart, $3  }
0x38: {  	[dreg:$0x1] =	wrdreg $0xFFFFFFFF  }
0x39: {  	_ =	task.clear_ibuf [dreg:s7], $0x2FFFF;
	_ =	strace $0x9FFFFFFF  }
0x3a: {  	(tm) =	ssettm $0x7FFFFFFF  }
0x3b: {  	_ =	shalt  }
tec
execute0_lowered:
.L_overlay_start_1:
0x0: {  	(tag) =	ssettag $0x1  }
0x1: {  	s0 =	srdreg.scid  }
0x2: {  	s1 =	sshll.u32 s0, $0x4  }
0x3: {  	s5 =	rddreg [dreg:$0x0];
	s0 =	stileid.u32;
	s1 =	sand.u32 $0x10, s1  }
0x4: {  	s3 =	rddreg [dreg:$0x1];
	s31 =	simm.s32 $0x2;
	s4 =	sor.u32 s0, s1  }
0x5: {  	s13 =	simm.s32 $0x0;
	s9 =	simm.s32 $0x400;
	s2 =	sshll.u32 s4, $0x7  }
0x6: {  	s10 =	simm.s32 $0x8000;
	s14 =	simm.s32 $0x0;
	s6 =	ssub.s32 $0x1000, s2  }
0x7: {  	s1 =	rddreg [dreg:$0x2];
	_ =	strace $0x8000004A;
	s7 =	sand.u32 $0xF80, s6  }
0x8: {  	s4 =	sshll.u32 s4, $0xB;
	p0 =	sne.s32 s7, $0x0;
	s7 =	simm.s32 $0x1  }
.Ltmp0:
0x9: {  	s6 =	sshrl.u32 s6, $0xC;
	s7 =	simm.s32 @!p0 $0x0;
	(pc) =	sbr.rel .LBB1_1-.Ltmp0, $4  }
0xa: {  	s8 =	sadd.s32 s4, s5;
	s4 =	simm.s32 $0x1;
	s30 =	sadd.s32 s7, s6  }
0xb: {  	s11 =	simm.s32 $0x0;
	[sflag:s4] =	ssyncpa.u1 $0x0;
	s5 =	smul.u32 $0x64, s30  }
0xc: {  	s12 =	simm.s32 $0x0;
	[sflag:s31] =	ssyncpa.u1 $0x0;
	p0 =	por $0x0, $0x0  }
0xd: {  	s6 =	sadd.s32 $0xC00, s8;
	s7 =	sadd.s32 $0x10C00, s8;
	s8 =	sor.u32 $0x1, s5  }
.LBB1_7:
0xe: {  	s15 =	sadd.s32 $0x2, s11  }
0xf: {  	p2 =	sgt.s32 s15, $0xC7  }
0x10: {  	s15 =	simm.s32 @p2 $0x0;
	p2 =	sne.s32 s12, s8  }
.Ltmp1:
0x11: {  	p1 =	slt.u32 s12, $0x2;
	(pc) =	sbr.rel @!p2 .LBB1_8-.Ltmp1, $4  }
0x12: {  	s13 =	simm.s32 @!p1 $0x2  }
0x13: {  	s16 =	sadd.s32 $0x1, s12;
	s14 =	smov.u32 s11;
	_ =	swait.ge @!p1 [sflag:s13], $0x4000  }
0x14: {  	p0 =	por !p0, !p0;
	s12 =	smov.u32 s16;
	[sflag:s13] =	ssyncset.done @!p1 $0x0  }
0x15: {  	s11 =	smov.u32 s15;
	[sflag:s13] =	ssyncadd.s32 @!p1 $0xFFFFC000;
	s13 =	smov.u32 s2  }
.LBB1_1:
0x16: {  	p1 =	sge.u32 s12, s5  }
0x17: {  	s15 =	sxor.u32 @!p1 $0xFFFFFFFF, s12  }
0x18: {  	s16 =	sshll.u32 @!p1 s11, $0x10;
	s18 =	simm.s32 @!p1 $0x40;
	s15 =	sshll.u32 @!p1 s15, $0xE  }
0x19: {  	s19 =	simm.s32 @!p1 $0x80;
	s17 =	sadd.s32 @!p1 s16, s6;
	s15 =	sand.u32 @!p1 $0x4000, s15  }
0x1a: {  	[tilespmem:s15], [sflag:$0x1] =	stream.strided.gather @!p1 [hbm4b:s17+s18], $0x2000, s19, s18, $0x38;
	[tilespmem:$0x10100] =	vst v63  }
0x1b: {  	s31 =	sadd.s32 $0xFFFFFFFF, s12;
	s16 =	sadd.s32 @!p1 s16, s7;
	s15 =	sor.u32 @!p1 $0x2000, s15  }
0x1c: {  	[tilespmem:s15], [sflag:$0x1] =	stream.strided.gather @!p1 [hbm4b:s16+s18], $0x2000, s19, s18, $0x38;
	[tilespmem:$0x10100] =	vst v63  }
0x1d: {  	p1 =	sge.u32 s31, s5  }
.Ltmp2:
0x1e: {  	_ = 	snop;
	(pc) =	sbr.rel @p1 .LBB1_7-.Ltmp2, $1  }
0x1f: {  	_ =	sdelay $0x3  }
0x20: {  	s15 =	simm.s32 $0x1;
	s17 =	sand.u32 $0x1, s12  }
0x21: {  	_ =	swait.ge [sflag:s4], $0x4000;
	s15 =	simm.s32 @!p0 $0x0;
	s17 =	smul.u32 $0x10200, s17  }
0x22: {  	p2 =	por $0x1, $0x1;
	[sflag:s4] =	ssyncset.done $0x0;
	s16 =	smul.u32 $0x10200, s15  }
0x23: {  	s18 =	sshll.u32 s15, $0x10;
	[sflag:s4] =	ssyncadd.s32 $0xFFFFC000;
	s30 =	sshrl.u32 s17, $0x2  }
0x24: {  	s31 =	sshrl.u32 s18, $0x2;
	s18 =	simm.s32 $0x0;
	s16 =	sshrl.u32 s16, $0x2  }
0x25: {  	s15 =	sor.u32 $0x8000, s30;
	s17 =	sadd.s32 $0x20, s31;
	s16 =	sor.u32 $0x8000, s16  }
.LBB1_3:
0x26: {  	s19 =	sshll.u32 s18, $0xD  }
0x27: {  	s19 =	sand.u32 $0x3FFFE000, s19  }
0x28: {  	s21 =	sadd.s32 s19, s17  }
0x29: {  	s31 =	smul.u32 $0x8100, s18;
	v3 =	vld [tilespmem:s21+$0x10]  }
0x2a: {  	v1 =	vld [tilespmem:s21+$0xFFFFFFF0]  }
0x2b: {  	s18 =	sshra.s32 s31, $0x2;
	v0 =	vld [tilespmem:s21+$0x0]  }
0x2c: {  	s18 =	sadd.s32 s18, s16;
	v2 =	vld [tilespmem:s21+$0xFFFFFFE0]  }
0x2d: {  	s19 =	sadd.s32 $0x0, s18  }
0x2e: {  	p1 =	por p2, p2;
	s20 =	simm.s32 $0x4;
	s21 =	sadd.s32 $0x40, s21;
	[tilespmem:s19+$0x1830 ss:$0x81] =	vst.msk $0xffff, v3  }
.LBB1_4:
0x2f: {  	v3 =	vld [tilespmem:s21+$0x10];
	p2 =	sne.s32 s20, $0x1FC;
	[tilespmem:s19+$0x810 ss:$0x81] =	vst.msk $0xffff, v1;
	s22 =	smov.u32 s20;
	s20 =	sadd.s32 $0x4, s20  }
.Ltmp3:
0x30: {  	v1 =	vld [tilespmem:s21+$0xFFFFFFF0];
	[tilespmem:s19+$0x1020 ss:$0x81] =	vst.msk $0xffff, v0;
	(pc) =	sbr.rel @p2 .LBB1_4-.Ltmp3, $4  }
0x31: {  	v0 =	vld [tilespmem:s21+$0x0];
	[tilespmem:s19+$0x0 ss:$0x81] =	vst.msk $0xffff, v2  }
0x32: {  	s19 =	sshra.s32 s22, $0x2;
	v2 =	vld [tilespmem:s21+$0xFFFFFFE0]  }
0x33: {  	s19 =	sadd.s32 s19, s18  }
0x34: {  	s21 =	sadd.s32 $0x40, s21;
	[tilespmem:s19+$0x1830 ss:$0x81] =	vst.msk $0xffff, v3  }
.Ltmp4:
0x35: {  	(pc) =	sbr.rel @p1 .LBB1_3-.Ltmp4, $4  }
0x36: {  	_ = 	snop  }
0x37: {  	[tilespmem:s19+$0x810 ss:$0x81] =	vst.msk $0xffff, v1  }
0x38: {  	[tilespmem:s19+$0x1020 ss:$0x81] =	vst.msk $0xffff, v0  }
0x39: {  	s18 =	simm.s32 $0x1;
	p2 =	por $0x0, $0x0;
	[tilespmem:s19+$0x0 ss:$0x81] =	vst.msk $0xffff, v2  }
.Ltmp5:
0x3a: {  	(pc) =	sbr.rel .LBB1_7-.Ltmp5, $4  }
0x3b: {  	s14 =	sshll.u32 s14, $0xF  }
0x3c: {  	s14 =	sadd.s32 s3, s14  }
0x3d: {  	s13 =	sadd.s32 s13, s14  }
0x3e: {  	[hbm4b:s13+s9] =	stream.strided.scatter [tilespmem:s15], [sflag:$0x2], $0x4000, s10, s9, $0x20;
	[tilespmem:$0x10100] =	vst v63  }
.LBB1_8:
0x3f: {  	_ =	sfence.sel $0x180000  }
0x40: {  	s2 =	simm.s32 $0x1;
	[bflag:$0x0] =	sbarrier.arrive $0xFFFF  }
0x41: {  	s31 =	simm.s32 $0x2;
	[sflag:s2] =	ssyncpa.u1 $0x1  }
0x42: {  	[sflag:s31] =	ssyncpa.u1 $0x1  }
0x43: {  	p0 =	sne.s32 s0, $0x0;
	_ =	strace $0x9000004A  }
0x44: {  	s0 =	sadd.s32 @!p0 $0x100000, s1;
	[bflag:$0x2] =	sbarrier.arrive $0xFFFF  }
0x45: {  	[sflag:s0] =	ssyncadd.tile.s32 @!p0 $0x1;
	_ =	shalt  }
.Lfunc_end1:
_tile_overlayer_lowered:
.L_overlay_start_2:
0x46: {  	(tag) =	ssettag $0x2  }
0x47: {  	s0 =	rddreg [dreg:$0x0];
	s2 =	stileid.u32  }
0x48: {  	s1 =	rddreg [dreg:$0x1];
	p0 =	sne.s32 s2, $0x0  }
0x49: {  	s3 =	rddreg [dreg:$0x2];
	[bflag:$0x3] =	sbarrier.arrive $0xFFFF;
	s2 =	simm.s32 @!p0 $0x1C01  }
0x4a: {  	[timem:s3], [sflag:s2] =	dma.local @!p0 [hbm:s0], s1  }
0x4b: {  	s0 =	simm.s32 @!p0 $0x1  }
0x4c: {  	_ =	swait.ge @!p0 [sflag:s0], s1  }
0x4d: {  	s1 =	ssub.s32 @!p0 $0x0, s1;
	[sflag:s0] =	ssyncset.done @!p0 $0x0  }
0x4e: {  	[sflag:s0] =	ssyncadd.s32 @!p0 s1  }
0x4f: {  	[bflag:$0x3] =	sbarrier.arrive $0xFFFF  }
0x50: {  	_ =	shalt  }

</sc_bundles>
